<compile_context>
chip_gen: v7x
topology: tpu7x:2x2x1
jax: 0.10.2.dev20260603
libtpu: 0.0.44.dev20260713+nightly
codegen_flags: <defaults>
</compile_context>

<pallas_src>
import functools

import jax
import jax.numpy as jnp
from jax import lax
from jax.experimental import pallas as pl
from jax.experimental.pallas import tpu as pltpu
from jax.experimental.pallas import tpu_sc as plsc

_BM = 1024
_L = 16


def _logits_kernel(x_ref, w1_ref, b1_ref, w2_ref, b2_ref, lt_ref):
    h = jnp.dot(x_ref[...], w1_ref[...], preferred_element_type=jnp.float32)
    h = jnp.maximum(h + b1_ref[...], 0.0)
    logits = jnp.dot(h, w2_ref[...], preferred_element_type=jnp.float32)
    logits = logits + b2_ref[...]
    lt_ref[...] = logits.T


def _tc_logits_t(x, W1, b1, W2, b2):
    m, k = x.shape
    e = W2.shape[1]
    return pl.pallas_call(
        _logits_kernel,
        grid=(m // _BM,),
        in_specs=[
            pl.BlockSpec((_BM, k), lambda i: (i, 0)),
            pl.BlockSpec((k, k), lambda i: (0, 0)),
            pl.BlockSpec((1, k), lambda i: (0, 0)),
            pl.BlockSpec((k, e), lambda i: (0, 0)),
            pl.BlockSpec((1, e), lambda i: (0, 0)),
        ],
        out_specs=pl.BlockSpec((e, _BM), lambda i: (0, i)),
        out_shape=jax.ShapeDtypeStruct((e, m), jnp.float32),
    )(x, W1, b1.reshape(1, k), W2, b2.reshape(1, e))


def _route_body(n_exp, t_per_w, lt_hbm, rw_hbm, idx_hbm, lt_v, rw_v, idx_v):
    wid = lax.axis_index("s") * 2 + lax.axis_index("c")
    base = wid * t_per_w
    pltpu.sync_copy(lt_hbm.at[:, pl.ds(base, t_per_w)], lt_v)

    def group(g, carry):
        del carry
        off = g * _L
        iota = lax.iota(jnp.int32, _L)
        best = lt_v[0, pl.ds(off, _L)]
        bidx = jnp.zeros((_L,), jnp.int32)
        for ex in range(1, n_exp):
            v = lt_v[ex, pl.ds(off, _L)]
            c = v > best
            best = jnp.where(c, v, best)
            bidx = jnp.where(c, jnp.full((_L,), ex, jnp.int32), bidx)
        second = jnp.full((_L,), -jnp.inf, jnp.float32)
        sidx = jnp.zeros((_L,), jnp.int32)
        for ex in range(n_exp):
            v = lt_v[ex, pl.ds(off, _L)]
            evec = jnp.full((_L,), ex, jnp.int32)
            c = jnp.logical_and(v > second, bidx != evec)
            second = jnp.where(c, v, second)
            sidx = jnp.where(c, evec, sidx)
        rw1 = 1.0 / (1.0 + jnp.exp(second - best))
        rw_v[0, pl.ds(off, _L)] = rw1
        rw_v[1, pl.ds(off, _L)] = 1.0 - rw1
        idx_v[0, pl.ds(off, _L)] = bidx
        idx_v[1, pl.ds(off, _L)] = sidx
        return 0

    lax.fori_loop(0, t_per_w // _L, group, 0)
    pltpu.sync_copy(rw_v, rw_hbm.at[:, pl.ds(base, t_per_w)])
    pltpu.sync_copy(idx_v, idx_hbm.at[:, pl.ds(base, t_per_w)])


def _sc_route(logits_t):
    n_exp, m = logits_t.shape
    t_per_w = m // 32
    mesh = plsc.VectorSubcoreMesh(core_axis_name="c", subcore_axis_name="s")
    body = functools.partial(_route_body, n_exp, t_per_w)
    return pl.kernel(
        body,
        mesh=mesh,
        out_type=[
            jax.ShapeDtypeStruct((2, m), jnp.float32),
            jax.ShapeDtypeStruct((2, m), jnp.int32),
        ],
        scratch_types=[
            pltpu.VMEM((n_exp, t_per_w), jnp.float32),
            pltpu.VMEM((2, t_per_w), jnp.float32),
            pltpu.VMEM((2, t_per_w), jnp.int32),
        ],
    )(logits_t)


def kernel(x, W1, b1, W2, b2):
    logits_t = _tc_logits_t(x, W1, b1, W2, b2)
    rw_t, idx_t = _sc_route(logits_t)
    return rw_t.T, idx_t.T

# --- scband reference (transcript-rebuilt; emitter-appended) ---
"""Pipeline reference for scband-gating-network-1769526526369 (READ-ONLY COPY).

The authoritative reference and input builder live on the scoring server;
editing this copy changes nothing except your own understanding.
"""

import jax, jax.numpy as jnp
import numpy as np


def setup_inputs(seed: int = 0) -> dict:
    key = jax.random.key(seed)
    k1, k2, k3 = jax.random.split(key, 3)
    x = jax.random.normal(k1, (8192, 2048), dtype=jnp.float32)
    W1 = jax.random.normal(k2, (2048, 2048), dtype=jnp.float32) * 0.02
    b1 = jnp.zeros((2048,), dtype=jnp.float32)
    W2 = jax.random.normal(k3, (2048, 64), dtype=jnp.float32) * 0.02
    b2 = jnp.zeros((64,), dtype=jnp.float32)
    return {"x": x, "W1": W1, "b1": b1, "W2": W2, "b2": b2}


def reference(x, W1, b1, W2, b2):
    # gate = Linear -> ReLU -> (Dropout, identity in eval) -> Linear
    h = jnp.maximum(x @ W1 + b1, 0.0)
    gate_logits = h @ W2 + b2
    # eval mode: noisy_gating noise only applied in training, so skipped
    probs = jax.nn.softmax(gate_logits, axis=-1)
    routing_weights, expert_indices = jax.lax.top_k(probs, 2)
    routing_weights = routing_weights / jnp.sum(routing_weights, axis=-1, keepdims=True)
    return (routing_weights, expert_indices)

if __name__ == "__main__":
    import jax
    _d = setup_inputs()
    print(jax.jit(kernel)(*tuple(_d.values())))

</pallas_src>

<mosaic_0001>
#map = affine_map<(d0, d1) -> (0, 0)>
module attributes {stable_mosaic.version = 14 : i64} {
  func.func @_route_body(%arg0: i32, %arg1: i32, %arg2: memref<64x8192xf32, #tpu.memory_space<hbm>>, %arg3: memref<2x8192xf32, #tpu.memory_space<hbm>>, %arg4: memref<2x8192xi32, #tpu.memory_space<hbm>>, %arg5: memref<64x256xf32, #tpu.memory_space<vmem>>, %arg6: memref<2x256xf32, #tpu.memory_space<vmem>>, %arg7: memref<2x256xi32, #tpu.memory_space<vmem>>) attributes {dimension_semantics = [#tpu.dimension_semantics<core_parallel>, #tpu.dimension_semantics<subcore_parallel>], iteration_bounds = array<i64: 2, 16>, scalar_prefetch = 0 : i64, scratch_operands = 3 : i64, tpu.core_type = #tpu.core_type<sc_vector_subcore>, window_params = [{transform_indices = #map}, {transform_indices = #map}, {transform_indices = #map}]} {
    %mul3A = arith.constant 2 : i32
    %mul3A_0 = arith.muli %arg1, %mul3A : i32
    %add3A = arith.addi %mul3A_0, %arg0 : i32
    %mul3A_1 = arith.constant 256 : i32
    %mul3A_2 = arith.muli %add3A, %mul3A_1 : i32
    "tpu.region"() ({
      %run_scoped3A = tpu.sem_alloc : memref<!tpu.dma_semaphore, #tpu.memory_space<semaphore_mem>>
      %dma_start3A = arith.constant 0 : i32
      %dma_start3A_9 = tpu.memref_slice %arg2[%dma_start3A, %mul3A_2] : memref<64x8192xf32, #tpu.memory_space<hbm>> -> memref<64x256xf32, #tpu.memory_space<hbm>>
      %dma_start3A_10 = arith.constant 0 : i32
      %dma_start3A_11 = tpu.memref_slice %arg2[%dma_start3A_10, %mul3A_2] : memref<64x8192xf32, #tpu.memory_space<hbm>> -> memref<64x256xf32, #tpu.memory_space<hbm>>
      tpu.enqueue_dma source(%dma_start3A_11 : memref<64x256xf32, #tpu.memory_space<hbm>>) target(%arg5 : memref<64x256xf32, #tpu.memory_space<vmem>>) target_semaphore(%run_scoped3A : memref<!tpu.dma_semaphore, #tpu.memory_space<semaphore_mem>>)
      %dma_wait3A = arith.constant 0 : i32
      %dma_wait3A_12 = tpu.memref_slice %arg2[%dma_wait3A, %mul3A_2] : memref<64x8192xf32, #tpu.memory_space<hbm>> -> memref<64x256xf32, #tpu.memory_space<hbm>>
      %dma_wait3A_13 = arith.constant 0 : i32
      %dma_wait3A_14 = tpu.memref_slice %arg2[%dma_wait3A_13, %mul3A_2] : memref<64x8192xf32, #tpu.memory_space<hbm>> -> memref<64x256xf32, #tpu.memory_space<hbm>>
      tpu.wait_dma2 semaphore(%run_scoped3A : memref<!tpu.dma_semaphore, #tpu.memory_space<semaphore_mem>>) src(%dma_wait3A_14 : memref<64x256xf32, #tpu.memory_space<hbm>>) dst(%arg5 : memref<64x256xf32, #tpu.memory_space<vmem>>)
      tpu.yield
    }) : () -> ()
    %scan3A = arith.constant 0 : i32
    %scan3A_3 = arith.constant 0 : i32
    %scan3A_4 = arith.constant 16 : i32
    %scan3A_5 = arith.addi %scan3A_3, %scan3A_4 : i32
    %scan3A_6 = arith.constant 1 : i32
    %scan3A_7 = scf.for %scan3A_9 = %scan3A_3 to %scan3A_5 step %scan3A_6 iter_args(%scan3A_10 = %scan3A) -> (i32)  : i32 {
      %mul3A_11 = arith.constant 16 : i32
      %mul3A_12 = arith.muli %scan3A_9, %mul3A_11 : i32
      %iota3A = tpu.iota {dimensions = array<i32: 0>} : vector<16xi32>
      %get3A = arith.constant 0 : i32
      %get3A_13 = arith.index_cast %get3A : i32 to index
      %get3A_14 = arith.index_cast %mul3A_12 : i32 to index
      %get3A_15 = tpu.vector_load %arg5[%get3A_13, %get3A_14] {strides = array<i32>} : memref<64x256xf32, #tpu.memory_space<vmem>>, vector<1x16xf32>,
      %get3A_16 = vector.shape_cast %get3A_15 : vector<1x16xf32> to vector<16xf32>
      %broadcast_in_dim3A = arith.constant 0 : i32
      %broadcast_in_dim3A_17 = vector.broadcast %broadcast_in_dim3A : i32 to vector<16xi32>
      %get3A_18 = arith.constant 1 : i32
      %get3A_19 = arith.index_cast %get3A_18 : i32 to index
      %get3A_20 = arith.index_cast %mul3A_12 : i32 to index
      %get3A_21 = tpu.vector_load %arg5[%get3A_19, %get3A_20] {strides = array<i32>} : memref<64x256xf32, #tpu.memory_space<vmem>>, vector<1x16xf32>,
      %get3A_22 = vector.shape_cast %get3A_21 : vector<1x16xf32> to vector<16xf32>
      %gt3A = arith.cmpf ogt, %get3A_22, %get3A_16 : vector<16xf32>
      %select_n3A = arith.select %gt3A, %get3A_22, %get3A_16 : vector<16xi1>, vector<16xf32>
      %broadcast_in_dim3A_23 = arith.constant 1 : i32
      %broadcast_in_dim3A_24 = vector.broadcast %broadcast_in_dim3A_23 : i32 to vector<16xi32>
      %select_n3A_25 = arith.select %gt3A, %broadcast_in_dim3A_24, %broadcast_in_dim3A_17 : vector<16xi1>, vector<16xi32>
      %get3A_26 = arith.constant 2 : i32
      %get3A_27 = arith.index_cast %get3A_26 : i32 to index
      %get3A_28 = arith.index_cast %mul3A_12 : i32 to index
      %get3A_29 = tpu.vector_load %arg5[%get3A_27, %get3A_28] {strides = array<i32>} : memref<64x256xf32, #tpu.memory_space<vmem>>, vector<1x16xf32>,
      %get3A_30 = vector.shape_cast %get3A_29 : vector<1x16xf32> to vector<16xf32>
      %gt3A_31 = arith.cmpf ogt, %get3A_30, %select_n3A : vector<16xf32>
      %select_n3A_32 = arith.select %gt3A_31, %get3A_30, %select_n3A : vector<16xi1>, vector<16xf32>
      %broadcast_in_dim3A_33 = arith.constant 2 : i32
      %broadcast_in_dim3A_34 = vector.broadcast %broadcast_in_dim3A_33 : i32 to vector<16xi32>
      %select_n3A_35 = arith.select %gt3A_31, %broadcast_in_dim3A_34, %select_n3A_25 : vector<16xi1>, vector<16xi32>
      %get3A_36 = arith.constant 3 : i32
      %get3A_37 = arith.index_cast %get3A_36 : i32 to index
      %get3A_38 = arith.index_cast %mul3A_12 : i32 to index
      %get3A_39 = tpu.vector_load %arg5[%get3A_37, %get3A_38] {strides = array<i32>} : memref<64x256xf32, #tpu.memory_space<vmem>>, vector<1x16xf32>,
      %get3A_40 = vector.shape_cast %get3A_39 : vector<1x16xf32> to vector<16xf32>
      %gt3A_41 = arith.cmpf ogt, %get3A_40, %select_n3A_32 : vector<16xf32>
      %select_n3A_42 = arith.select %gt3A_41, %get3A_40, %select_n3A_32 : vector<16xi1>, vector<16xf32>
      %broadcast_in_dim3A_43 = arith.constant 3 : i32
      %broadcast_in_dim3A_44 = vector.broadcast %broadcast_in_dim3A_43 : i32 to vector<16xi32>
      %select_n3A_45 = arith.select %gt3A_41, %broadcast_in_dim3A_44, %select_n3A_35 : vector<16xi1>, vector<16xi32>
      %get3A_46 = arith.constant 4 : i32
      %get3A_47 = arith.index_cast %get3A_46 : i32 to index
      %get3A_48 = arith.index_cast %mul3A_12 : i32 to index
      %get3A_49 = tpu.vector_load %arg5[%get3A_47, %get3A_48] {strides = array<i32>} : memref<64x256xf32, #tpu.memory_space<vmem>>, vector<1x16xf32>,
      %get3A_50 = vector.shape_cast %get3A_49 : vector<1x16xf32> to vector<16xf32>
      %gt3A_51 = arith.cmpf ogt, %get3A_50, %select_n3A_42 : vector<16xf32>
      %select_n3A_52 = arith.select %gt3A_51, %get3A_50, %select_n3A_42 : vector<16xi1>, vector<16xf32>
      %broadcast_in_dim3A_53 = arith.constant 4 : i32
      %broadcast_in_dim3A_54 = vector.broadcast %broadcast_in_dim3A_53 : i32 to vector<16xi32>
      %select_n3A_55 = arith.select %gt3A_51, %broadcast_in_dim3A_54, %select_n3A_45 : vector<16xi1>, vector<16xi32>
      %get3A_56 = arith.constant 5 : i32
      %get3A_57 = arith.index_cast %get3A_56 : i32 to index
      %get3A_58 = arith.index_cast %mul3A_12 : i32 to index
      %get3A_59 = tpu.vector_load %arg5[%get3A_57, %get3A_58] {strides = array<i32>} : memref<64x256xf32, #tpu.memory_space<vmem>>, vector<1x16xf32>,
      %get3A_60 = vector.shape_cast %get3A_59 : vector<1x16xf32> to vector<16xf32>
      %gt3A_61 = arith.cmpf ogt, %get3A_60, %select_n3A_52 : vector<16xf32>
      %select_n3A_62 = arith.select %gt3A_61, %get3A_60, %select_n3A_52 : vector<16xi1>, vector<16xf32>
      %broadcast_in_dim3A_63 = arith.constant 5 : i32
      %broadcast_in_dim3A_64 = vector.broadcast %broadcast_in_dim3A_63 : i32 to vector<16xi32>
      %select_n3A_65 = arith.select %gt3A_61, %broadcast_in_dim3A_64, %select_n3A_55 : vector<16xi1>, vector<16xi32>
      %get3A_66 = arith.constant 6 : i32
      %get3A_67 = arith.index_cast %get3A_66 : i32 to index
      %get3A_68 = arith.index_cast %mul3A_12 : i32 to index
      %get3A_69 = tpu.vector_load %arg5[%get3A_67, %get3A_68] {strides = array<i32>} : memref<64x256xf32, #tpu.memory_space<vmem>>, vector<1x16xf32>,
      %get3A_70 = vector.shape_cast %get3A_69 : vector<1x16xf32> to vector<16xf32>
      %gt3A_71 = arith.cmpf ogt, %get3A_70, %select_n3A_62 : vector<16xf32>
      %select_n3A_72 = arith.select %gt3A_71, %get3A_70, %select_n3A_62 : vector<16xi1>, vector<16xf32>
      %broadcast_in_dim3A_73 = arith.constant 6 : i32
      %broadcast_in_dim3A_74 = vector.broadcast %broadcast_in_dim3A_73 : i32 to vector<16xi32>
      %select_n3A_75 = arith.select %gt3A_71, %broadcast_in_dim3A_74, %select_n3A_65 : vector<16xi1>, vector<16xi32>
      %get3A_76 = arith.constant 7 : i32
      %get3A_77 = arith.index_cast %get3A_76 : i32 to index
      %get3A_78 = arith.index_cast %mul3A_12 : i32 to index
      %get3A_79 = tpu.vector_load %arg5[%get3A_77, %get3A_78] {strides = array<i32>} : memref<64x256xf32, #tpu.memory_space<vmem>>, vector<1x16xf32>,
      %get3A_80 = vector.shape_cast %get3A_79 : vector<1x16xf32> to vector<16xf32>
      %gt3A_81 = arith.cmpf ogt, %get3A_80, %select_n3A_72 : vector<16xf32>
      %select_n3A_82 = arith.select %gt3A_81, %get3A_80, %select_n3A_72 : vector<16xi1>, vector<16xf32>
      %broadcast_in_dim3A_83 = arith.constant 7 : i32
      %broadcast_in_dim3A_84 = vector.broadcast %broadcast_in_dim3A_83 : i32 to vector<16xi32>
      %select_n3A_85 = arith.select %gt3A_81, %broadcast_in_dim3A_84, %select_n3A_75 : vector<16xi1>, vector<16xi32>
      %get3A_86 = arith.constant 8 : i32
      %get3A_87 = arith.index_cast %get3A_86 : i32 to index
      %get3A_88 = arith.index_cast %mul3A_12 : i32 to index
      %get3A_89 = tpu.vector_load %arg5[%get3A_87, %get3A_88] {strides = array<i32>} : memref<64x256xf32, #tpu.memory_space<vmem>>, vector<1x16xf32>,
      %get3A_90 = vector.shape_cast %get3A_89 : vector<1x16xf32> to vector<16xf32>
      %gt3A_91 = arith.cmpf ogt, %get3A_90, %select_n3A_82 : vector<16xf32>
      %select_n3A_92 = arith.select %gt3A_91, %get3A_90, %select_n3A_82 : vector<16xi1>, vector<16xf32>
      %broadcast_in_dim3A_93 = arith.constant 8 : i32
      %broadcast_in_dim3A_94 = vector.broadcast %broadcast_in_dim3A_93 : i32 to vector<16xi32>
      %select_n3A_95 = arith.select %gt3A_91, %broadcast_in_dim3A_94, %select_n3A_85 : vector<16xi1>, vector<16xi32>
      %get3A_96 = arith.constant 9 : i32
      %get3A_97 = arith.index_cast %get3A_96 : i32 to index
      %get3A_98 = arith.index_cast %mul3A_12 : i32 to index
      %get3A_99 = tpu.vector_load %arg5[%get3A_97, %get3A_98] {strides = array<i32>} : memref<64x256xf32, #tpu.memory_space<vmem>>, vector<1x16xf32>,
      %get3A_100 = vector.shape_cast %get3A_99 : vector<1x16xf32> to vector<16xf32>
      %gt3A_101 = arith.cmpf ogt, %get3A_100, %select_n3A_92 : vector<16xf32>
      %select_n3A_102 = arith.select %gt3A_101, %get3A_100, %select_n3A_92 : vector<16xi1>, vector<16xf32>
      %broadcast_in_dim3A_103 = arith.constant 9 : i32
      %broadcast_in_dim3A_104 = vector.broadcast %broadcast_in_dim3A_103 : i32 to vector<16xi32>
      %select_n3A_105 = arith.select %gt3A_101, %broadcast_in_dim3A_104, %select_n3A_95 : vector<16xi1>, vector<16xi32>
      %get3A_106 = arith.constant 10 : i32
      %get3A_107 = arith.index_cast %get3A_106 : i32 to index
      %get3A_108 = arith.index_cast %mul3A_12 : i32 to index
      %get3A_109 = tpu.vector_load %arg5[%get3A_107, %get3A_108] {strides = array<i32>} : memref<64x256xf32, #tpu.memory_space<vmem>>, vector<1x16xf32>,
      %get3A_110 = vector.shape_cast %get3A_109 : vector<1x16xf32> to vector<16xf32>
      %gt3A_111 = arith.cmpf ogt, %get3A_110, %select_n3A_102 : vector<16xf32>
      %select_n3A_112 = arith.select %gt3A_111, %get3A_110, %select_n3A_102 : vector<16xi1>, vector<16xf32>
      %broadcast_in_dim3A_113 = arith.constant 10 : i32
      %broadcast_in_dim3A_114 = vector.broadcast %broadcast_in_dim3A_113 : i32 to vector<16xi32>
      %select_n3A_115 = arith.select %gt3A_111, %broadcast_in_dim3A_114, %select_n3A_105 : vector<16xi1>, vector<16xi32>
      %get3A_116 = arith.constant 11 : i32
      %get3A_117 = arith.index_cast %get3A_116 : i32 to index
      %get3A_118 = arith.index_cast %mul3A_12 : i32 to index
      %get3A_119 = tpu.vector_load %arg5[%get3A_117, %get3A_118] {strides = array<i32>} : memref<64x256xf32, #tpu.memory_space<vmem>>, vector<1x16xf32>,
      %get3A_120 = vector.shape_cast %get3A_119 : vector<1x16xf32> to vector<16xf32>
      %gt3A_121 = arith.cmpf ogt, %get3A_120, %select_n3A_112 : vector<16xf32>
      %select_n3A_122 = arith.select %gt3A_121, %get3A_120, %select_n3A_112 : vector<16xi1>, vector<16xf32>
      %broadcast_in_dim3A_123 = arith.constant 11 : i32
      %broadcast_in_dim3A_124 = vector.broadcast %broadcast_in_dim3A_123 : i32 to vector<16xi32>
      %select_n3A_125 = arith.select %gt3A_121, %broadcast_in_dim3A_124, %select_n3A_115 : vector<16xi1>, vector<16xi32>
      %get3A_126 = arith.constant 12 : i32
      %get3A_127 = arith.index_cast %get3A_126 : i32 to index
      %get3A_128 = arith.index_cast %mul3A_12 : i32 to index
      %get3A_129 = tpu.vector_load %arg5[%get3A_127, %get3A_128] {strides = array<i32>} : memref<64x256xf32, #tpu.memory_space<vmem>>, vector<1x16xf32>,
      %get3A_130 = vector.shape_cast %get3A_129 : vector<1x16xf32> to vector<16xf32>
      %gt3A_131 = arith.cmpf ogt, %get3A_130, %select_n3A_122 : vector<16xf32>
      %select_n3A_132 = arith.select %gt3A_131, %get3A_130, %select_n3A_122 : vector<16xi1>, vector<16xf32>
      %broadcast_in_dim3A_133 = arith.constant 12 : i32
      %broadcast_in_dim3A_134 = vector.broadcast %broadcast_in_dim3A_133 : i32 to vector<16xi32>
      %select_n3A_135 = arith.select %gt3A_131, %broadcast_in_dim3A_134, %select_n3A_125 : vector<16xi1>, vector<16xi32>
      %get3A_136 = arith.constant 13 : i32
      %get3A_137 = arith.index_cast %get3A_136 : i32 to index
      %get3A_138 = arith.index_cast %mul3A_12 : i32 to index
      %get3A_139 = tpu.vector_load %arg5[%get3A_137, %get3A_138] {strides = array<i32>} : memref<64x256xf32, #tpu.memory_space<vmem>>, vector<1x16xf32>,
      %get3A_140 = vector.shape_cast %get3A_139 : vector<1x16xf32> to vector<16xf32>
      %gt3A_141 = arith.cmpf ogt, %get3A_140, %select_n3A_132 : vector<16xf32>
      %select_n3A_142 = arith.select %gt3A_141, %get3A_140, %select_n3A_132 : vector<16xi1>, vector<16xf32>
      %broadcast_in_dim3A_143 = arith.constant 13 : i32
      %broadcast_in_dim3A_144 = vector.broadcast %broadcast_in_dim3A_143 : i32 to vector<16xi32>
      %select_n3A_145 = arith.select %gt3A_141, %broadcast_in_dim3A_144, %select_n3A_135 : vector<16xi1>, vector<16xi32>
      %get3A_146 = arith.constant 14 : i32
      %get3A_147 = arith.index_cast %get3A_146 : i32 to index
      %get3A_148 = arith.index_cast %mul3A_12 : i32 to index
      %get3A_149 = tpu.vector_load %arg5[%get3A_147, %get3A_148] {strides = array<i32>} : memref<64x256xf32, #tpu.memory_space<vmem>>, vector<1x16xf32>,
      %get3A_150 = vector.shape_cast %get3A_149 : vector<1x16xf32> to vector<16xf32>
      %gt3A_151 = arith.cmpf ogt, %get3A_150, %select_n3A_142 : vector<16xf32>
      %select_n3A_152 = arith.select %gt3A_151, %get3A_150, %select_n3A_142 : vector<16xi1>, vector<16xf32>
      %broadcast_in_dim3A_153 = arith.constant 14 : i32
      %broadcast_in_dim3A_154 = vector.broadcast %broadcast_in_dim3A_153 : i32 to vector<16xi32>
      %select_n3A_155 = arith.select %gt3A_151, %broadcast_in_dim3A_154, %select_n3A_145 : vector<16xi1>, vector<16xi32>
      %get3A_156 = arith.constant 15 : i32
      %get3A_157 = arith.index_cast %get3A_156 : i32 to index
      %get3A_158 = arith.index_cast %mul3A_12 : i32 to index
      %get3A_159 = tpu.vector_load %arg5[%get3A_157, %get3A_158] {strides = array<i32>} : memref<64x256xf32, #tpu.memory_space<vmem>>, vector<1x16xf32>,
      %get3A_160 = vector.shape_cast %get3A_159 : vector<1x16xf32> to vector<16xf32>
      %gt3A_161 = arith.cmpf ogt, %get3A_160, %select_n3A_152 : vector<16xf32>
      %select_n3A_162 = arith.select %gt3A_161, %get3A_160, %select_n3A_152 : vector<16xi1>, vector<16xf32>
      %broadcast_in_dim3A_163 = arith.constant 15 : i32
      %broadcast_in_dim3A_164 = vector.broadcast %broadcast_in_dim3A_163 : i32 to vector<16xi32>
      %select_n3A_165 = arith.select %gt3A_161, %broadcast_in_dim3A_164, %select_n3A_155 : vector<16xi1>, vector<16xi32>
      %get3A_166 = arith.constant 16 : i32
      %get3A_167 = arith.index_cast %get3A_166 : i32 to index
      %get3A_168 = arith.index_cast %mul3A_12 : i32 to index
      %get3A_169 = tpu.vector_load %arg5[%get3A_167, %get3A_168] {strides = array<i32>} : memref<64x256xf32, #tpu.memory_space<vmem>>, vector<1x16xf32>,
      %get3A_170 = vector.shape_cast %get3A_169 : vector<1x16xf32> to vector<16xf32>
      %gt3A_171 = arith.cmpf ogt, %get3A_170, %select_n3A_162 : vector<16xf32>
      %select_n3A_172 = arith.select %gt3A_171, %get3A_170, %select_n3A_162 : vector<16xi1>, vector<16xf32>
      %broadcast_in_dim3A_173 = arith.constant 16 : i32
      %broadcast_in_dim3A_174 = vector.broadcast %broadcast_in_dim3A_173 : i32 to vector<16xi32>
      %select_n3A_175 = arith.select %gt3A_171, %broadcast_in_dim3A_174, %select_n3A_165 : vector<16xi1>, vector<16xi32>
      %get3A_176 = arith.constant 17 : i32
      %get3A_177 = arith.index_cast %get3A_176 : i32 to index
      %get3A_178 = arith.index_cast %mul3A_12 : i32 to index
      %get3A_179 = tpu.vector_load %arg5[%get3A_177, %get3A_178] {strides = array<i32>} : memref<64x256xf32, #tpu.memory_space<vmem>>, vector<1x16xf32>,
      %get3A_180 = vector.shape_cast %get3A_179 : vector<1x16xf32> to vector<16xf32>
      %gt3A_181 = arith.cmpf ogt, %get3A_180, %select_n3A_172 : vector<16xf32>
      %select_n3A_182 = arith.select %gt3A_181, %get3A_180, %select_n3A_172 : vector<16xi1>, vector<16xf32>
      %broadcast_in_dim3A_183 = arith.constant 17 : i32
      %broadcast_in_dim3A_184 = vector.broadcast %broadcast_in_dim3A_183 : i32 to vector<16xi32>
      %select_n3A_185 = arith.select %gt3A_181, %broadcast_in_dim3A_184, %select_n3A_175 : vector<16xi1>, vector<16xi32>
      %get3A_186 = arith.constant 18 : i32
      %get3A_187 = arith.index_cast %get3A_186 : i32 to index
      %get3A_188 = arith.index_cast %mul3A_12 : i32 to index
      %get3A_189 = tpu.vector_load %arg5[%get3A_187, %get3A_188] {strides = array<i32>} : memref<64x256xf32, #tpu.memory_space<vmem>>, vector<1x16xf32>,
      %get3A_190 = vector.shape_cast %get3A_189 : vector<1x16xf32> to vector<16xf32>
      %gt3A_191 = arith.cmpf ogt, %get3A_190, %select_n3A_182 : vector<16xf32>
      %select_n3A_192 = arith.select %gt3A_191, %get3A_190, %select_n3A_182 : vector<16xi1>, vector<16xf32>
      %broadcast_in_dim3A_193 = arith.constant 18 : i32
      %broadcast_in_dim3A_194 = vector.broadcast %broadcast_in_dim3A_193 : i32 to vector<16xi32>
      %select_n3A_195 = arith.select %gt3A_191, %broadcast_in_dim3A_194, %select_n3A_185 : vector<16xi1>, vector<16xi32>
      %get3A_196 = arith.constant 19 : i32
      %get3A_197 = arith.index_cast %get3A_196 : i32 to index
      %get3A_198 = arith.index_cast %mul3A_12 : i32 to index
      %get3A_199 = tpu.vector_load %arg5[%get3A_197, %get3A_198] {strides = array<i32>} : memref<64x256xf32, #tpu.memory_space<vmem>>, vector<1x16xf32>,
      %get3A_200 = vector.shape_cast %get3A_199 : vector<1x16xf32> to vector<16xf32>
      %gt3A_201 = arith.cmpf ogt, %get3A_200, %select_n3A_192 : vector<16xf32>
      %select_n3A_202 = arith.select %gt3A_201, %get3A_200, %select_n3A_192 : vector<16xi1>, vector<16xf32>
      %broadcast_in_dim3A_203 = arith.constant 19 : i32
      %broadcast_in_dim3A_204 = vector.broadcast %broadcast_in_dim3A_203 : i32 to vector<16xi32>
      %select_n3A_205 = arith.select %gt3A_201, %broadcast_in_dim3A_204, %select_n3A_195 : vector<16xi1>, vector<16xi32>
      %get3A_206 = arith.constant 20 : i32
      %get3A_207 = arith.index_cast %get3A_206 : i32 to index
      %get3A_208 = arith.index_cast %mul3A_12 : i32 to index
      %get3A_209 = tpu.vector_load %arg5[%get3A_207, %get3A_208] {strides = array<i32>} : memref<64x256xf32, #tpu.memory_space<vmem>>, vector<1x16xf32>,
      %get3A_210 = vector.shape_cast %get3A_209 : vector<1x16xf32> to vector<16xf32>
      %gt3A_211 = arith.cmpf ogt, %get3A_210, %select_n3A_202 : vector<16xf32>
      %select_n3A_212 = arith.select %gt3A_211, %get3A_210, %select_n3A_202 : vector<16xi1>, vector<16xf32>
      %broadcast_in_dim3A_213 = arith.constant 20 : i32
      %broadcast_in_dim3A_214 = vector.broadcast %broadcast_in_dim3A_213 : i32 to vector<16xi32>
      %select_n3A_215 = arith.select %gt3A_211, %broadcast_in_dim3A_214, %select_n3A_205 : vector<16xi1>, vector<16xi32>
      %get3A_216 = arith.constant 21 : i32
      %get3A_217 = arith.index_cast %get3A_216 : i32 to index
      %get3A_218 = arith.index_cast %mul3A_12 : i32 to index
      %get3A_219 = tpu.vector_load %arg5[%get3A_217, %get3A_218] {strides = array<i32>} : memref<64x256xf32, #tpu.memory_space<vmem>>, vector<1x16xf32>,
      %get3A_220 = vector.shape_cast %get3A_219 : vector<1x16xf32> to vector<16xf32>
      %gt3A_221 = arith.cmpf ogt, %get3A_220, %select_n3A_212 : vector<16xf32>
      %select_n3A_222 = arith.select %gt3A_221, %get3A_220, %select_n3A_212 : vector<16xi1>, vector<16xf32>
      %broadcast_in_dim3A_223 = arith.constant 21 : i32
      %broadcast_in_dim3A_224 = vector.broadcast %broadcast_in_dim3A_223 : i32 to vector<16xi32>
      %select_n3A_225 = arith.select %gt3A_221, %broadcast_in_dim3A_224, %select_n3A_215 : vector<16xi1>, vector<16xi32>
      %get3A_226 = arith.constant 22 : i32
      %get3A_227 = arith.index_cast %get3A_226 : i32 to index
      %get3A_228 = arith.index_cast %mul3A_12 : i32 to index
      %get3A_229 = tpu.vector_load %arg5[%get3A_227, %get3A_228] {strides = array<i32>} : memref<64x256xf32, #tpu.memory_space<vmem>>, vector<1x16xf32>,
      %get3A_230 = vector.shape_cast %get3A_229 : vector<1x16xf32> to vector<16xf32>
      %gt3A_231 = arith.cmpf ogt, %get3A_230, %select_n3A_222 : vector<16xf32>
      %select_n3A_232 = arith.select %gt3A_231, %get3A_230, %select_n3A_222 : vector<16xi1>, vector<16xf32>
      %broadcast_in_dim3A_233 = arith.constant 22 : i32
      %broadcast_in_dim3A_234 = vector.broadcast %broadcast_in_dim3A_233 : i32 to vector<16xi32>
      %select_n3A_235 = arith.select %gt3A_231, %broadcast_in_dim3A_234, %select_n3A_225 : vector<16xi1>, vector<16xi32>
      %get3A_236 = arith.constant 23 : i32
      %get3A_237 = arith.index_cast %get3A_236 : i32 to index
      %get3A_238 = arith.index_cast %mul3A_12 : i32 to index
      %get3A_239 = tpu.vector_load %arg5[%get3A_237, %get3A_238] {strides = array<i32>} : memref<64x256xf32, #tpu.memory_space<vmem>>, vector<1x16xf32>,
      %get3A_240 = vector.shape_cast %get3A_239 : vector<1x16xf32> to vector<16xf32>
      %gt3A_241 = arith.cmpf ogt, %get3A_240, %select_n3A_232 : vector<16xf32>
      %select_n3A_242 = arith.select %gt3A_241, %get3A_240, %select_n3A_232 : vector<16xi1>, vector<16xf32>
      %broadcast_in_dim3A_243 = arith.constant 23 : i32
      %broadcast_in_dim3A_244 = vector.broadcast %broadcast_in_dim3A_243 : i32 to vector<16xi32>
      %select_n3A_245 = arith.select %gt3A_241, %broadcast_in_dim3A_244, %select_n3A_235 : vector<16xi1>, vector<16xi32>
      %get3A_246 = arith.constant 24 : i32
      %get3A_247 = arith.index_cast %get3A_246 : i32 to index
      %get3A_248 = arith.index_cast %mul3A_12 : i32 to index
      %get3A_249 = tpu.vector_load %arg5[%get3A_247, %get3A_248] {strides = array<i32>} : memref<64x256xf32, #tpu.memory_space<vmem>>, vector<1x16xf32>,
      %get3A_250 = vector.shape_cast %get3A_249 : vector<1x16xf32> to vector<16xf32>
      %gt3A_251 = arith.cmpf ogt, %get3A_250, %select_n3A_242 : vector<16xf32>
      %select_n3A_252 = arith.select %gt3A_251, %get3A_250, %select_n3A_242 : vector<16xi1>, vector<16xf32>
      %broadcast_in_dim3A_253 = arith.constant 24 : i32
      %broadcast_in_dim3A_254 = vector.broadcast %broadcast_in_dim3A_253 : i32 to vector<16xi32>
      %select_n3A_255 = arith.select %gt3A_251, %broadcast_in_dim3A_254, %select_n3A_245 : vector<16xi1>, vector<16xi32>
      %get3A_256 = arith.constant 25 : i32
      %get3A_257 = arith.index_cast %get3A_256 : i32 to index
      %get3A_258 = arith.index_cast %mul3A_12 : i32 to index
      %get3A_259 = tpu.vector_load %arg5[%get3A_257, %get3A_258] {strides = array<i32>} : memref<64x256xf32, #tpu.memory_space<vmem>>, vector<1x16xf32>,
      %get3A_260 = vector.shape_cast %get3A_259 : vector<1x16xf32> to vector<16xf32>
      %gt3A_261 = arith.cmpf ogt, %get3A_260, %select_n3A_252 : vector<16xf32>
      %select_n3A_262 = arith.select %gt3A_261, %get3A_260, %select_n3A_252 : vector<16xi1>, vector<16xf32>
      %broadcast_in_dim3A_263 = arith.constant 25 : i32
      %broadcast_in_dim3A_264 = vector.broadcast %broadcast_in_dim3A_263 : i32 to vector<16xi32>
      %select_n3A_265 = arith.select %gt3A_261, %broadcast_in_dim3A_264, %select_n3A_255 : vector<16xi1>, vector<16xi32>
      %get3A_266 = arith.constant 26 : i32
      %get3A_267 = arith.index_cast %get3A_266 : i32 to index
      %get3A_268 = arith.index_cast %mul3A_12 : i32 to index
      %get3A_269 = tpu.vector_load %arg5[%get3A_267, %get3A_268] {strides = array<i32>} : memref<64x256xf32, #tpu.memory_space<vmem>>, vector<1x16xf32>,
      %get3A_270 = vector.shape_cast %get3A_269 : vector<1x16xf32> to vector<16xf32>
      %gt3A_271 = arith.cmpf ogt, %get3A_270, %select_n3A_262 : vector<16xf32>
      %select_n3A_272 = arith.select %gt3A_271, %get3A_270, %select_n3A_262 : vector<16xi1>, vector<16xf32>
      %broadcast_in_dim3A_273 = arith.constant 26 : i32
      %broadcast_in_dim3A_274 = vector.broadcast %broadcast_in_dim3A_273 : i32 to vector<16xi32>
      %select_n3A_275 = arith.select %gt3A_271, %broadcast_in_dim3A_274, %select_n3A_265 : vector<16xi1>, vector<16xi32>
      %get3A_276 = arith.constant 27 : i32
      %get3A_277 = arith.index_cast %get3A_276 : i32 to index
      %get3A_278 = arith.index_cast %mul3A_12 : i32 to index
      %get3A_279 = tpu.vector_load %arg5[%get3A_277, %get3A_278] {strides = array<i32>} : memref<64x256xf32, #tpu.memory_space<vmem>>, vector<1x16xf32>,
      %get3A_280 = vector.shape_cast %get3A_279 : vector<1x16xf32> to vector<16xf32>
      %gt3A_281 = arith.cmpf ogt, %get3A_280, %select_n3A_272 : vector<16xf32>
      %select_n3A_282 = arith.select %gt3A_281, %get3A_280, %select_n3A_272 : vector<16xi1>, vector<16xf32>
      %broadcast_in_dim3A_283 = arith.constant 27 : i32
      %broadcast_in_dim3A_284 = vector.broadcast %broadcast_in_dim3A_283 : i32 to vector<16xi32>
      %select_n3A_285 = arith.select %gt3A_281, %broadcast_in_dim3A_284, %select_n3A_275 : vector<16xi1>, vector<16xi32>
      %get3A_286 = arith.constant 28 : i32
      %get3A_287 = arith.index_cast %get3A_286 : i32 to index
      %get3A_288 = arith.index_cast %mul3A_12 : i32 to index
      %get3A_289 = tpu.vector_load %arg5[%get3A_287, %get3A_288] {strides = array<i32>} : memref<64x256xf32, #tpu.memory_space<vmem>>, vector<1x16xf32>,
      %get3A_290 = vector.shape_cast %get3A_289 : vector<1x16xf32> to vector<16xf32>
      %gt3A_291 = arith.cmpf ogt, %get3A_290, %select_n3A_282 : vector<16xf32>
      %select_n3A_292 = arith.select %gt3A_291, %get3A_290, %select_n3A_282 : vector<16xi1>, vector<16xf32>
      %broadcast_in_dim3A_293 = arith.constant 28 : i32
      %broadcast_in_dim3A_294 = vector.broadcast %broadcast_in_dim3A_293 : i32 to vector<16xi32>
      %select_n3A_295 = arith.select %gt3A_291, %broadcast_in_dim3A_294, %select_n3A_285 : vector<16xi1>, vector<16xi32>
      %get3A_296 = arith.constant 29 : i32
      %get3A_297 = arith.index_cast %get3A_296 : i32 to index
      %get3A_298 = arith.index_cast %mul3A_12 : i32 to index
      %get3A_299 = tpu.vector_load %arg5[%get3A_297, %get3A_298] {strides = array<i32>} : memref<64x256xf32, #tpu.memory_space<vmem>>, vector<1x16xf32>,
      %get3A_300 = vector.shape_cast %get3A_299 : vector<1x16xf32> to vector<16xf32>
      %gt3A_301 = arith.cmpf ogt, %get3A_300, %select_n3A_292 : vector<16xf32>
      %select_n3A_302 = arith.select %gt3A_301, %get3A_300, %select_n3A_292 : vector<16xi1>, vector<16xf32>
      %broadcast_in_dim3A_303 = arith.constant 29 : i32
      %broadcast_in_dim3A_304 = vector.broadcast %broadcast_in_dim3A_303 : i32 to vector<16xi32>
      %select_n3A_305 = arith.select %gt3A_301, %broadcast_in_dim3A_304, %select_n3A_295 : vector<16xi1>, vector<16xi32>
      %get3A_306 = arith.constant 30 : i32
      %get3A_307 = arith.index_cast %get3A_306 : i32 to index
      %get3A_308 = arith.index_cast %mul3A_12 : i32 to index
      %get3A_309 = tpu.vector_load %arg5[%get3A_307, %get3A_308] {strides = array<i32>} : memref<64x256xf32, #tpu.memory_space<vmem>>, vector<1x16xf32>,
      %get3A_310 = vector.shape_cast %get3A_309 : vector<1x16xf32> to vector<16xf32>
      %gt3A_311 = arith.cmpf ogt, %get3A_310, %select_n3A_302 : vector<16xf32>
      %select_n3A_312 = arith.select %gt3A_311, %get3A_310, %select_n3A_302 : vector<16xi1>, vector<16xf32>
      %broadcast_in_dim3A_313 = arith.constant 30 : i32
      %broadcast_in_dim3A_314 = vector.broadcast %broadcast_in_dim3A_313 : i32 to vector<16xi32>
      %select_n3A_315 = arith.select %gt3A_311, %broadcast_in_dim3A_314, %select_n3A_305 : vector<16xi1>, vector<16xi32>
      %get3A_316 = arith.constant 31 : i32
      %get3A_317 = arith.index_cast %get3A_316 : i32 to index
      %get3A_318 = arith.index_cast %mul3A_12 : i32 to index
      %get3A_319 = tpu.vector_load %arg5[%get3A_317, %get3A_318] {strides = array<i32>} : memref<64x256xf32, #tpu.memory_space<vmem>>, vector<1x16xf32>,
      %get3A_320 = vector.shape_cast %get3A_319 : vector<1x16xf32> to vector<16xf32>
      %gt3A_321 = arith.cmpf ogt, %get3A_320, %select_n3A_312 : vector<16xf32>
      %select_n3A_322 = arith.select %gt3A_321, %get3A_320, %select_n3A_312 : vector<16xi1>, vector<16xf32>
      %broadcast_in_dim3A_323 = arith.constant 31 : i32
      %broadcast_in_dim3A_324 = vector.broadcast %broadcast_in_dim3A_323 : i32 to vector<16xi32>
      %select_n3A_325 = arith.select %gt3A_321, %broadcast_in_dim3A_324, %select_n3A_315 : vector<16xi1>, vector<16xi32>
      %get3A_326 = arith.constant 32 : i32
      %get3A_327 = arith.index_cast %get3A_326 : i32 to index
      %get3A_328 = arith.index_cast %mul3A_12 : i32 to index
      %get3A_329 = tpu.vector_load %arg5[%get3A_327, %get3A_328] {strides = array<i32>} : memref<64x256xf32, #tpu.memory_space<vmem>>, vector<1x16xf32>,
      %get3A_330 = vector.shape_cast %get3A_329 : vector<1x16xf32> to vector<16xf32>
      %gt3A_331 = arith.cmpf ogt, %get3A_330, %select_n3A_322 : vector<16xf32>
      %select_n3A_332 = arith.select %gt3A_331, %get3A_330, %select_n3A_322 : vector<16xi1>, vector<16xf32>
      %broadcast_in_dim3A_333 = arith.constant 32 : i32
      %broadcast_in_dim3A_334 = vector.broadcast %broadcast_in_dim3A_333 : i32 to vector<16xi32>
      %select_n3A_335 = arith.select %gt3A_331, %broadcast_in_dim3A_334, %select_n3A_325 : vector<16xi1>, vector<16xi32>
      %get3A_336 = arith.constant 33 : i32
      %get3A_337 = arith.index_cast %get3A_336 : i32 to index
      %get3A_338 = arith.index_cast %mul3A_12 : i32 to index
      %get3A_339 = tpu.vector_load %arg5[%get3A_337, %get3A_338] {strides = array<i32>} : memref<64x256xf32, #tpu.memory_space<vmem>>, vector<1x16xf32>,
      %get3A_340 = vector.shape_cast %get3A_339 : vector<1x16xf32> to vector<16xf32>
      %gt3A_341 = arith.cmpf ogt, %get3A_340, %select_n3A_332 : vector<16xf32>
      %select_n3A_342 = arith.select %gt3A_341, %get3A_340, %select_n3A_332 : vector<16xi1>, vector<16xf32>
      %broadcast_in_dim3A_343 = arith.constant 33 : i32
      %broadcast_in_dim3A_344 = vector.broadcast %broadcast_in_dim3A_343 : i32 to vector<16xi32>
      %select_n3A_345 = arith.select %gt3A_341, %broadcast_in_dim3A_344, %select_n3A_335 : vector<16xi1>, vector<16xi32>
      %get3A_346 = arith.constant 34 : i32
      %get3A_347 = arith.index_cast %get3A_346 : i32 to index
      %get3A_348 = arith.index_cast %mul3A_12 : i32 to index
      %get3A_349 = tpu.vector_load %arg5[%get3A_347, %get3A_348] {strides = array<i32>} : memref<64x256xf32, #tpu.memory_space<vmem>>, vector<1x16xf32>,
      %get3A_350 = vector.shape_cast %get3A_349 : vector<1x16xf32> to vector<16xf32>
      %gt3A_351 = arith.cmpf ogt, %get3A_350, %select_n3A_342 : vector<16xf32>
      %select_n3A_352 = arith.select %gt3A_351, %get3A_350, %select_n3A_342 : vector<16xi1>, vector<16xf32>
      %broadcast_in_dim3A_353 = arith.constant 34 : i32
      %broadcast_in_dim3A_354 = vector.broadcast %broadcast_in_dim3A_353 : i32 to vector<16xi32>
      %select_n3A_355 = arith.select %gt3A_351, %broadcast_in_dim3A_354, %select_n3A_345 : vector<16xi1>, vector<16xi32>
      %get3A_356 = arith.constant 35 : i32
      %get3A_357 = arith.index_cast %get3A_356 : i32 to index
      %get3A_358 = arith.index_cast %mul3A_12 : i32 to index
      %get3A_359 = tpu.vector_load %arg5[%get3A_357, %get3A_358] {strides = array<i32>} : memref<64x256xf32, #tpu.memory_space<vmem>>, vector<1x16xf32>,
      %get3A_360 = vector.shape_cast %get3A_359 : vector<1x16xf32> to vector<16xf32>
      %gt3A_361 = arith.cmpf ogt, %get3A_360, %select_n3A_352 : vector<16xf32>
      %select_n3A_362 = arith.select %gt3A_361, %get3A_360, %select_n3A_352 : vector<16xi1>, vector<16xf32>
      %broadcast_in_dim3A_363 = arith.constant 35 : i32
      %broadcast_in_dim3A_364 = vector.broadcast %broadcast_in_dim3A_363 : i32 to vector<16xi32>
      %select_n3A_365 = arith.select %gt3A_361, %broadcast_in_dim3A_364, %select_n3A_355 : vector<16xi1>, vector<16xi32>
      %get3A_366 = arith.constant 36 : i32
      %get3A_367 = arith.index_cast %get3A_366 : i32 to index
      %get3A_368 = arith.index_cast %mul3A_12 : i32 to index
      %get3A_369 = tpu.vector_load %arg5[%get3A_367, %get3A_368] {strides = array<i32>} : memref<64x256xf32, #tpu.memory_space<vmem>>, vector<1x16xf32>,
      %get3A_370 = vector.shape_cast %get3A_369 : vector<1x16xf32> to vector<16xf32>
      %gt3A_371 = arith.cmpf ogt, %get3A_370, %select_n3A_362 : vector<16xf32>
      %select_n3A_372 = arith.select %gt3A_371, %get3A_370, %select_n3A_362 : vector<16xi1>, vector<16xf32>
      %broadcast_in_dim3A_373 = arith.constant 36 : i32
      %broadcast_in_dim3A_374 = vector.broadcast %broadcast_in_dim3A_373 : i32 to vector<16xi32>
      %select_n3A_375 = arith.select %gt3A_371, %broadcast_in_dim3A_374, %select_n3A_365 : vector<16xi1>, vector<16xi32>
      %get3A_376 = arith.constant 37 : i32
      %get3A_377 = arith.index_cast %get3A_376 : i32 to index
      %get3A_378 = arith.index_cast %mul3A_12 : i32 to index
      %get3A_379 = tpu.vector_load %arg5[%get3A_377, %get3A_378] {strides = array<i32>} : memref<64x256xf32, #tpu.memory_space<vmem>>, vector<1x16xf32>,
      %get3A_380 = vector.shape_cast %get3A_379 : vector<1x16xf32> to vector<16xf32>
      %gt3A_381 = arith.cmpf ogt, %get3A_380, %select_n3A_372 : vector<16xf32>
      %select_n3A_382 = arith.select %gt3A_381, %get3A_380, %select_n3A_372 : vector<16xi1>, vector<16xf32>
      %broadcast_in_dim3A_383 = arith.constant 37 : i32
      %broadcast_in_dim3A_384 = vector.broadcast %broadcast_in_dim3A_383 : i32 to vector<16xi32>
      %select_n3A_385 = arith.select %gt3A_381, %broadcast_in_dim3A_384, %select_n3A_375 : vector<16xi1>, vector<16xi32>
      %get3A_386 = arith.constant 38 : i32
      %get3A_387 = arith.index_cast %get3A_386 : i32 to index
      %get3A_388 = arith.index_cast %mul3A_12 : i32 to index
      %get3A_389 = tpu.vector_load %arg5[%get3A_387, %get3A_388] {strides = array<i32>} : memref<64x256xf32, #tpu.memory_space<vmem>>, vector<1x16xf32>,
      %get3A_390 = vector.shape_cast %get3A_389 : vector<1x16xf32> to vector<16xf32>
      %gt3A_391 = arith.cmpf ogt, %get3A_390, %select_n3A_382 : vector<16xf32>
      %select_n3A_392 = arith.select %gt3A_391, %get3A_390, %select_n3A_382 : vector<16xi1>, vector<16xf32>
      %broadcast_in_dim3A_393 = arith.constant 38 : i32
      %broadcast_in_dim3A_394 = vector.broadcast %broadcast_in_dim3A_393 : i32 to vector<16xi32>
      %select_n3A_395 = arith.select %gt3A_391, %broadcast_in_dim3A_394, %select_n3A_385 : vector<16xi1>, vector<16xi32>
      %get3A_396 = arith.constant 39 : i32
      %get3A_397 = arith.index_cast %get3A_396 : i32 to index
      %get3A_398 = arith.index_cast %mul3A_12 : i32 to index
      %get3A_399 = tpu.vector_load %arg5[%get3A_397, %get3A_398] {strides = array<i32>} : memref<64x256xf32, #tpu.memory_space<vmem>>, vector<1x16xf32>,
      %get3A_400 = vector.shape_cast %get3A_399 : vector<1x16xf32> to vector<16xf32>
      %gt3A_401 = arith.cmpf ogt, %get3A_400, %select_n3A_392 : vector<16xf32>
      %select_n3A_402 = arith.select %gt3A_401, %get3A_400, %select_n3A_392 : vector<16xi1>, vector<16xf32>
      %broadcast_in_dim3A_403 = arith.constant 39 : i32
      %broadcast_in_dim3A_404 = vector.broadcast %broadcast_in_dim3A_403 : i32 to vector<16xi32>
      %select_n3A_405 = arith.select %gt3A_401, %broadcast_in_dim3A_404, %select_n3A_395 : vector<16xi1>, vector<16xi32>
      %get3A_406 = arith.constant 40 : i32
      %get3A_407 = arith.index_cast %get3A_406 : i32 to index
      %get3A_408 = arith.index_cast %mul3A_12 : i32 to index
      %get3A_409 = tpu.vector_load %arg5[%get3A_407, %get3A_408] {strides = array<i32>} : memref<64x256xf32, #tpu.memory_space<vmem>>, vector<1x16xf32>,
      %get3A_410 = vector.shape_cast %get3A_409 : vector<1x16xf32> to vector<16xf32>
      %gt3A_411 = arith.cmpf ogt, %get3A_410, %select_n3A_402 : vector<16xf32>
      %select_n3A_412 = arith.select %gt3A_411, %get3A_410, %select_n3A_402 : vector<16xi1>, vector<16xf32>
      %broadcast_in_dim3A_413 = arith.constant 40 : i32
      %broadcast_in_dim3A_414 = vector.broadcast %broadcast_in_dim3A_413 : i32 to vector<16xi32>
      %select_n3A_415 = arith.select %gt3A_411, %broadcast_in_dim3A_414, %select_n3A_405 : vector<16xi1>, vector<16xi32>
      %get3A_416 = arith.constant 41 : i32
      %get3A_417 = arith.index_cast %get3A_416 : i32 to index
      %get3A_418 = arith.index_cast %mul3A_12 : i32 to index
      %get3A_419 = tpu.vector_load %arg5[%get3A_417, %get3A_418] {strides = array<i32>} : memref<64x256xf32, #tpu.memory_space<vmem>>, vector<1x16xf32>,
      %get3A_420 = vector.shape_cast %get3A_419 : vector<1x16xf32> to vector<16xf32>
      %gt3A_421 = arith.cmpf ogt, %get3A_420, %select_n3A_412 : vector<16xf32>
      %select_n3A_422 = arith.select %gt3A_421, %get3A_420, %select_n3A_412 : vector<16xi1>, vector<16xf32>
      %broadcast_in_dim3A_423 = arith.constant 41 : i32
      %broadcast_in_dim3A_424 = vector.broadcast %broadcast_in_dim3A_423 : i32 to vector<16xi32>
      %select_n3A_425 = arith.select %gt3A_421, %broadcast_in_dim3A_424, %select_n3A_415 : vector<16xi1>, vector<16xi32>
      %get3A_426 = arith.constant 42 : i32
      %get3A_427 = arith.index_cast %get3A_426 : i32 to index
      %get3A_428 = arith.index_cast %mul3A_12 : i32 to index
      %get3A_429 = tpu.vector_load %arg5[%get3A_427, %get3A_428] {strides = array<i32>} : memref<64x256xf32, #tpu.memory_space<vmem>>, vector<1x16xf32>,
      %get3A_430 = vector.shape_cast %get3A_429 : vector<1x16xf32> to vector<16xf32>
      %gt3A_431 = arith.cmpf ogt, %get3A_430, %select_n3A_422 : vector<16xf32>
      %select_n3A_432 = arith.select %gt3A_431, %get3A_430, %select_n3A_422 : vector<16xi1>, vector<16xf32>
      %broadcast_in_dim3A_433 = arith.constant 42 : i32
      %broadcast_in_dim3A_434 = vector.broadcast %broadcast_in_dim3A_433 : i32 to vector<16xi32>
      %select_n3A_435 = arith.select %gt3A_431, %broadcast_in_dim3A_434, %select_n3A_425 : vector<16xi1>, vector<16xi32>
      %get3A_436 = arith.constant 43 : i32
      %get3A_437 = arith.index_cast %get3A_436 : i32 to index
      %get3A_438 = arith.index_cast %mul3A_12 : i32 to index
      %get3A_439 = tpu.vector_load %arg5[%get3A_437, %get3A_438] {strides = array<i32>} : memref<64x256xf32, #tpu.memory_space<vmem>>, vector<1x16xf32>,
      %get3A_440 = vector.shape_cast %get3A_439 : vector<1x16xf32> to vector<16xf32>
      %gt3A_441 = arith.cmpf ogt, %get3A_440, %select_n3A_432 : vector<16xf32>
      %select_n3A_442 = arith.select %gt3A_441, %get3A_440, %select_n3A_432 : vector<16xi1>, vector<16xf32>
      %broadcast_in_dim3A_443 = arith.constant 43 : i32
      %broadcast_in_dim3A_444 = vector.broadcast %broadcast_in_dim3A_443 : i32 to vector<16xi32>
      %select_n3A_445 = arith.select %gt3A_441, %broadcast_in_dim3A_444, %select_n3A_435 : vector<16xi1>, vector<16xi32>
      %get3A_446 = arith.constant 44 : i32
      %get3A_447 = arith.index_cast %get3A_446 : i32 to index
      %get3A_448 = arith.index_cast %mul3A_12 : i32 to index
      %get3A_449 = tpu.vector_load %arg5[%get3A_447, %get3A_448] {strides = array<i32>} : memref<64x256xf32, #tpu.memory_space<vmem>>, vector<1x16xf32>,
      %get3A_450 = vector.shape_cast %get3A_449 : vector<1x16xf32> to vector<16xf32>
      %gt3A_451 = arith.cmpf ogt, %get3A_450, %select_n3A_442 : vector<16xf32>
      %select_n3A_452 = arith.select %gt3A_451, %get3A_450, %select_n3A_442 : vector<16xi1>, vector<16xf32>
      %broadcast_in_dim3A_453 = arith.constant 44 : i32
      %broadcast_in_dim3A_454 = vector.broadcast %broadcast_in_dim3A_453 : i32 to vector<16xi32>
      %select_n3A_455 = arith.select %gt3A_451, %broadcast_in_dim3A_454, %select_n3A_445 : vector<16xi1>, vector<16xi32>
      %get3A_456 = arith.constant 45 : i32
      %get3A_457 = arith.index_cast %get3A_456 : i32 to index
      %get3A_458 = arith.index_cast %mul3A_12 : i32 to index
      %get3A_459 = tpu.vector_load %arg5[%get3A_457, %get3A_458] {strides = array<i32>} : memref<64x256xf32, #tpu.memory_space<vmem>>, vector<1x16xf32>,
      %get3A_460 = vector.shape_cast %get3A_459 : vector<1x16xf32> to vector<16xf32>
      %gt3A_461 = arith.cmpf ogt, %get3A_460, %select_n3A_452 : vector<16xf32>
      %select_n3A_462 = arith.select %gt3A_461, %get3A_460, %select_n3A_452 : vector<16xi1>, vector<16xf32>
      %broadcast_in_dim3A_463 = arith.constant 45 : i32
      %broadcast_in_dim3A_464 = vector.broadcast %broadcast_in_dim3A_463 : i32 to vector<16xi32>
      %select_n3A_465 = arith.select %gt3A_461, %broadcast_in_dim3A_464, %select_n3A_455 : vector<16xi1>, vector<16xi32>
      %get3A_466 = arith.constant 46 : i32
      %get3A_467 = arith.index_cast %get3A_466 : i32 to index
      %get3A_468 = arith.index_cast %mul3A_12 : i32 to index
      %get3A_469 = tpu.vector_load %arg5[%get3A_467, %get3A_468] {strides = array<i32>} : memref<64x256xf32, #tpu.memory_space<vmem>>, vector<1x16xf32>,
      %get3A_470 = vector.shape_cast %get3A_469 : vector<1x16xf32> to vector<16xf32>
      %gt3A_471 = arith.cmpf ogt, %get3A_470, %select_n3A_462 : vector<16xf32>
      %select_n3A_472 = arith.select %gt3A_471, %get3A_470, %select_n3A_462 : vector<16xi1>, vector<16xf32>
      %broadcast_in_dim3A_473 = arith.constant 46 : i32
      %broadcast_in_dim3A_474 = vector.broadcast %broadcast_in_dim3A_473 : i32 to vector<16xi32>
      %select_n3A_475 = arith.select %gt3A_471, %broadcast_in_dim3A_474, %select_n3A_465 : vector<16xi1>, vector<16xi32>
      %get3A_476 = arith.constant 47 : i32
      %get3A_477 = arith.index_cast %get3A_476 : i32 to index
      %get3A_478 = arith.index_cast %mul3A_12 : i32 to index
      %get3A_479 = tpu.vector_load %arg5[%get3A_477, %get3A_478] {strides = array<i32>} : memref<64x256xf32, #tpu.memory_space<vmem>>, vector<1x16xf32>,
      %get3A_480 = vector.shape_cast %get3A_479 : vector<1x16xf32> to vector<16xf32>
      %gt3A_481 = arith.cmpf ogt, %get3A_480, %select_n3A_472 : vector<16xf32>
      %select_n3A_482 = arith.select %gt3A_481, %get3A_480, %select_n3A_472 : vector<16xi1>, vector<16xf32>
      %broadcast_in_dim3A_483 = arith.constant 47 : i32
      %broadcast_in_dim3A_484 = vector.broadcast %broadcast_in_dim3A_483 : i32 to vector<16xi32>
      %select_n3A_485 = arith.select %gt3A_481, %broadcast_in_dim3A_484, %select_n3A_475 : vector<16xi1>, vector<16xi32>
      %get3A_486 = arith.constant 48 : i32
      %get3A_487 = arith.index_cast %get3A_486 : i32 to index
      %get3A_488 = arith.index_cast %mul3A_12 : i32 to index
      %get3A_489 = tpu.vector_load %arg5[%get3A_487, %get3A_488] {strides = array<i32>} : memref<64x256xf32, #tpu.memory_space<vmem>>, vector<1x16xf32>,
      %get3A_490 = vector.shape_cast %get3A_489 : vector<1x16xf32> to vector<16xf32>
      %gt3A_491 = arith.cmpf ogt, %get3A_490, %select_n3A_482 : vector<16xf32>
      %select_n3A_492 = arith.select %gt3A_491, %get3A_490, %select_n3A_482 : vector<16xi1>, vector<16xf32>
      %broadcast_in_dim3A_493 = arith.constant 48 : i32
      %broadcast_in_dim3A_494 = vector.broadcast %broadcast_in_dim3A_493 : i32 to vector<16xi32>
      %select_n3A_495 = arith.select %gt3A_491, %broadcast_in_dim3A_494, %select_n3A_485 : vector<16xi1>, vector<16xi32>
      %get3A_496 = arith.constant 49 : i32
      %get3A_497 = arith.index_cast %get3A_496 : i32 to index
      %get3A_498 = arith.index_cast %mul3A_12 : i32 to index
      %get3A_499 = tpu.vector_load %arg5[%get3A_497, %get3A_498] {strides = array<i32>} : memref<64x256xf32, #tpu.memory_space<vmem>>, vector<1x16xf32>,
      %get3A_500 = vector.shape_cast %get3A_499 : vector<1x16xf32> to vector<16xf32>
      %gt3A_501 = arith.cmpf ogt, %get3A_500, %select_n3A_492 : vector<16xf32>
      %select_n3A_502 = arith.select %gt3A_501, %get3A_500, %select_n3A_492 : vector<16xi1>, vector<16xf32>
      %broadcast_in_dim3A_503 = arith.constant 49 : i32
      %broadcast_in_dim3A_504 = vector.broadcast %broadcast_in_dim3A_503 : i32 to vector<16xi32>
      %select_n3A_505 = arith.select %gt3A_501, %broadcast_in_dim3A_504, %select_n3A_495 : vector<16xi1>, vector<16xi32>
      %get3A_506 = arith.constant 50 : i32
      %get3A_507 = arith.index_cast %get3A_506 : i32 to index
      %get3A_508 = arith.index_cast %mul3A_12 : i32 to index
      %get3A_509 = tpu.vector_load %arg5[%get3A_507, %get3A_508] {strides = array<i32>} : memref<64x256xf32, #tpu.memory_space<vmem>>, vector<1x16xf32>,
      %get3A_510 = vector.shape_cast %get3A_509 : vector<1x16xf32> to vector<16xf32>
      %gt3A_511 = arith.cmpf ogt, %get3A_510, %select_n3A_502 : vector<16xf32>
      %select_n3A_512 = arith.select %gt3A_511, %get3A_510, %select_n3A_502 : vector<16xi1>, vector<16xf32>
      %broadcast_in_dim3A_513 = arith.constant 50 : i32
      %broadcast_in_dim3A_514 = vector.broadcast %broadcast_in_dim3A_513 : i32 to vector<16xi32>
      %select_n3A_515 = arith.select %gt3A_511, %broadcast_in_dim3A_514, %select_n3A_505 : vector<16xi1>, vector<16xi32>
      %get3A_516 = arith.constant 51 : i32
      %get3A_517 = arith.index_cast %get3A_516 : i32 to index
      %get3A_518 = arith.index_cast %mul3A_12 : i32 to index
      %get3A_519 = tpu.vector_load %arg5[%get3A_517, %get3A_518] {strides = array<i32>} : memref<64x256xf32, #tpu.memory_space<vmem>>, vector<1x16xf32>,
      %get3A_520 = vector.shape_cast %get3A_519 : vector<1x16xf32> to vector<16xf32>
      %gt3A_521 = arith.cmpf ogt, %get3A_520, %select_n3A_512 : vector<16xf32>
      %select_n3A_522 = arith.select %gt3A_521, %get3A_520, %select_n3A_512 : vector<16xi1>, vector<16xf32>
      %broadcast_in_dim3A_523 = arith.constant 51 : i32
      %broadcast_in_dim3A_524 = vector.broadcast %broadcast_in_dim3A_523 : i32 to vector<16xi32>
      %select_n3A_525 = arith.select %gt3A_521, %broadcast_in_dim3A_524, %select_n3A_515 : vector<16xi1>, vector<16xi32>
      %get3A_526 = arith.constant 52 : i32
      %get3A_527 = arith.index_cast %get3A_526 : i32 to index
      %get3A_528 = arith.index_cast %mul3A_12 : i32 to index
      %get3A_529 = tpu.vector_load %arg5[%get3A_527, %get3A_528] {strides = array<i32>} : memref<64x256xf32, #tpu.memory_space<vmem>>, vector<1x16xf32>,
      %get3A_530 = vector.shape_cast %get3A_529 : vector<1x16xf32> to vector<16xf32>
      %gt3A_531 = arith.cmpf ogt, %get3A_530, %select_n3A_522 : vector<16xf32>
      %select_n3A_532 = arith.select %gt3A_531, %get3A_530, %select_n3A_522 : vector<16xi1>, vector<16xf32>
      %broadcast_in_dim3A_533 = arith.constant 52 : i32
      %broadcast_in_dim3A_534 = vector.broadcast %broadcast_in_dim3A_533 : i32 to vector<16xi32>
      %select_n3A_535 = arith.select %gt3A_531, %broadcast_in_dim3A_534, %select_n3A_525 : vector<16xi1>, vector<16xi32>
      %get3A_536 = arith.constant 53 : i32
      %get3A_537 = arith.index_cast %get3A_536 : i32 to index
      %get3A_538 = arith.index_cast %mul3A_12 : i32 to index
      %get3A_539 = tpu.vector_load %arg5[%get3A_537, %get3A_538] {strides = array<i32>} : memref<64x256xf32, #tpu.memory_space<vmem>>, vector<1x16xf32>,
      %get3A_540 = vector.shape_cast %get3A_539 : vector<1x16xf32> to vector<16xf32>
      %gt3A_541 = arith.cmpf ogt, %get3A_540, %select_n3A_532 : vector<16xf32>
      %select_n3A_542 = arith.select %gt3A_541, %get3A_540, %select_n3A_532 : vector<16xi1>, vector<16xf32>
      %broadcast_in_dim3A_543 = arith.constant 53 : i32
      %broadcast_in_dim3A_544 = vector.broadcast %broadcast_in_dim3A_543 : i32 to vector<16xi32>
      %select_n3A_545 = arith.select %gt3A_541, %broadcast_in_dim3A_544, %select_n3A_535 : vector<16xi1>, vector<16xi32>
      %get3A_546 = arith.constant 54 : i32
      %get3A_547 = arith.index_cast %get3A_546 : i32 to index
      %get3A_548 = arith.index_cast %mul3A_12 : i32 to index
      %get3A_549 = tpu.vector_load %arg5[%get3A_547, %get3A_548] {strides = array<i32>} : memref<64x256xf32, #tpu.memory_space<vmem>>, vector<1x16xf32>,
      %get3A_550 = vector.shape_cast %get3A_549 : vector<1x16xf32> to vector<16xf32>
      %gt3A_551 = arith.cmpf ogt, %get3A_550, %select_n3A_542 : vector<16xf32>
      %select_n3A_552 = arith.select %gt3A_551, %get3A_550, %select_n3A_542 : vector<16xi1>, vector<16xf32>
      %broadcast_in_dim3A_553 = arith.constant 54 : i32
      %broadcast_in_dim3A_554 = vector.broadcast %broadcast_in_dim3A_553 : i32 to vector<16xi32>
      %select_n3A_555 = arith.select %gt3A_551, %broadcast_in_dim3A_554, %select_n3A_545 : vector<16xi1>, vector<16xi32>
      %get3A_556 = arith.constant 55 : i32
      %get3A_557 = arith.index_cast %get3A_556 : i32 to index
      %get3A_558 = arith.index_cast %mul3A_12 : i32 to index
      %get3A_559 = tpu.vector_load %arg5[%get3A_557, %get3A_558] {strides = array<i32>} : memref<64x256xf32, #tpu.memory_space<vmem>>, vector<1x16xf32>,
      %get3A_560 = vector.shape_cast %get3A_559 : vector<1x16xf32> to vector<16xf32>
      %gt3A_561 = arith.cmpf ogt, %get3A_560, %select_n3A_552 : vector<16xf32>
      %select_n3A_562 = arith.select %gt3A_561, %get3A_560, %select_n3A_552 : vector<16xi1>, vector<16xf32>
      %broadcast_in_dim3A_563 = arith.constant 55 : i32
      %broadcast_in_dim3A_564 = vector.broadcast %broadcast_in_dim3A_563 : i32 to vector<16xi32>
      %select_n3A_565 = arith.select %gt3A_561, %broadcast_in_dim3A_564, %select_n3A_555 : vector<16xi1>, vector<16xi32>
      %get3A_566 = arith.constant 56 : i32
      %get3A_567 = arith.index_cast %get3A_566 : i32 to index
      %get3A_568 = arith.index_cast %mul3A_12 : i32 to index
      %get3A_569 = tpu.vector_load %arg5[%get3A_567, %get3A_568] {strides = array<i32>} : memref<64x256xf32, #tpu.memory_space<vmem>>, vector<1x16xf32>,
      %get3A_570 = vector.shape_cast %get3A_569 : vector<1x16xf32> to vector<16xf32>
      %gt3A_571 = arith.cmpf ogt, %get3A_570, %select_n3A_562 : vector<16xf32>
      %select_n3A_572 = arith.select %gt3A_571, %get3A_570, %select_n3A_562 : vector<16xi1>, vector<16xf32>
      %broadcast_in_dim3A_573 = arith.constant 56 : i32
      %broadcast_in_dim3A_574 = vector.broadcast %broadcast_in_dim3A_573 : i32 to vector<16xi32>
      %select_n3A_575 = arith.select %gt3A_571, %broadcast_in_dim3A_574, %select_n3A_565 : vector<16xi1>, vector<16xi32>
      %get3A_576 = arith.constant 57 : i32
      %get3A_577 = arith.index_cast %get3A_576 : i32 to index
      %get3A_578 = arith.index_cast %mul3A_12 : i32 to index
      %get3A_579 = tpu.vector_load %arg5[%get3A_577, %get3A_578] {strides = array<i32>} : memref<64x256xf32, #tpu.memory_space<vmem>>, vector<1x16xf32>,
      %get3A_580 = vector.shape_cast %get3A_579 : vector<1x16xf32> to vector<16xf32>
      %gt3A_581 = arith.cmpf ogt, %get3A_580, %select_n3A_572 : vector<16xf32>
      %select_n3A_582 = arith.select %gt3A_581, %get3A_580, %select_n3A_572 : vector<16xi1>, vector<16xf32>
      %broadcast_in_dim3A_583 = arith.constant 57 : i32
      %broadcast_in_dim3A_584 = vector.broadcast %broadcast_in_dim3A_583 : i32 to vector<16xi32>
      %select_n3A_585 = arith.select %gt3A_581, %broadcast_in_dim3A_584, %select_n3A_575 : vector<16xi1>, vector<16xi32>
      %get3A_586 = arith.constant 58 : i32
      %get3A_587 = arith.index_cast %get3A_586 : i32 to index
      %get3A_588 = arith.index_cast %mul3A_12 : i32 to index
      %get3A_589 = tpu.vector_load %arg5[%get3A_587, %get3A_588] {strides = array<i32>} : memref<64x256xf32, #tpu.memory_space<vmem>>, vector<1x16xf32>,
      %get3A_590 = vector.shape_cast %get3A_589 : vector<1x16xf32> to vector<16xf32>
      %gt3A_591 = arith.cmpf ogt, %get3A_590, %select_n3A_582 : vector<16xf32>
      %select_n3A_592 = arith.select %gt3A_591, %get3A_590, %select_n3A_582 : vector<16xi1>, vector<16xf32>
      %broadcast_in_dim3A_593 = arith.constant 58 : i32
      %broadcast_in_dim3A_594 = vector.broadcast %broadcast_in_dim3A_593 : i32 to vector<16xi32>
      %select_n3A_595 = arith.select %gt3A_591, %broadcast_in_dim3A_594, %select_n3A_585 : vector<16xi1>, vector<16xi32>
      %get3A_596 = arith.constant 59 : i32
      %get3A_597 = arith.index_cast %get3A_596 : i32 to index
      %get3A_598 = arith.index_cast %mul3A_12 : i32 to index
      %get3A_599 = tpu.vector_load %arg5[%get3A_597, %get3A_598] {strides = array<i32>} : memref<64x256xf32, #tpu.memory_space<vmem>>, vector<1x16xf32>,
      %get3A_600 = vector.shape_cast %get3A_599 : vector<1x16xf32> to vector<16xf32>
      %gt3A_601 = arith.cmpf ogt, %get3A_600, %select_n3A_592 : vector<16xf32>
      %select_n3A_602 = arith.select %gt3A_601, %get3A_600, %select_n3A_592 : vector<16xi1>, vector<16xf32>
      %broadcast_in_dim3A_603 = arith.constant 59 : i32
      %broadcast_in_dim3A_604 = vector.broadcast %broadcast_in_dim3A_603 : i32 to vector<16xi32>
      %select_n3A_605 = arith.select %gt3A_601, %broadcast_in_dim3A_604, %select_n3A_595 : vector<16xi1>, vector<16xi32>
      %get3A_606 = arith.constant 60 : i32
      %get3A_607 = arith.index_cast %get3A_606 : i32 to index
      %get3A_608 = arith.index_cast %mul3A_12 : i32 to index
      %get3A_609 = tpu.vector_load %arg5[%get3A_607, %get3A_608] {strides = array<i32>} : memref<64x256xf32, #tpu.memory_space<vmem>>, vector<1x16xf32>,
      %get3A_610 = vector.shape_cast %get3A_609 : vector<1x16xf32> to vector<16xf32>
      %gt3A_611 = arith.cmpf ogt, %get3A_610, %select_n3A_602 : vector<16xf32>
      %select_n3A_612 = arith.select %gt3A_611, %get3A_610, %select_n3A_602 : vector<16xi1>, vector<16xf32>
      %broadcast_in_dim3A_613 = arith.constant 60 : i32
      %broadcast_in_dim3A_614 = vector.broadcast %broadcast_in_dim3A_613 : i32 to vector<16xi32>
      %select_n3A_615 = arith.select %gt3A_611, %broadcast_in_dim3A_614, %select_n3A_605 : vector<16xi1>, vector<16xi32>
      %get3A_616 = arith.constant 61 : i32
      %get3A_617 = arith.index_cast %get3A_616 : i32 to index
      %get3A_618 = arith.index_cast %mul3A_12 : i32 to index
      %get3A_619 = tpu.vector_load %arg5[%get3A_617, %get3A_618] {strides = array<i32>} : memref<64x256xf32, #tpu.memory_space<vmem>>, vector<1x16xf32>,
      %get3A_620 = vector.shape_cast %get3A_619 : vector<1x16xf32> to vector<16xf32>
      %gt3A_621 = arith.cmpf ogt, %get3A_620, %select_n3A_612 : vector<16xf32>
      %select_n3A_622 = arith.select %gt3A_621, %get3A_620, %select_n3A_612 : vector<16xi1>, vector<16xf32>
      %broadcast_in_dim3A_623 = arith.constant 61 : i32
      %broadcast_in_dim3A_624 = vector.broadcast %broadcast_in_dim3A_623 : i32 to vector<16xi32>
      %select_n3A_625 = arith.select %gt3A_621, %broadcast_in_dim3A_624, %select_n3A_615 : vector<16xi1>, vector<16xi32>
      %get3A_626 = arith.constant 62 : i32
      %get3A_627 = arith.index_cast %get3A_626 : i32 to index
      %get3A_628 = arith.index_cast %mul3A_12 : i32 to index
      %get3A_629 = tpu.vector_load %arg5[%get3A_627, %get3A_628] {strides = array<i32>} : memref<64x256xf32, #tpu.memory_space<vmem>>, vector<1x16xf32>,
      %get3A_630 = vector.shape_cast %get3A_629 : vector<1x16xf32> to vector<16xf32>
      %gt3A_631 = arith.cmpf ogt, %get3A_630, %select_n3A_622 : vector<16xf32>
      %select_n3A_632 = arith.select %gt3A_631, %get3A_630, %select_n3A_622 : vector<16xi1>, vector<16xf32>
      %broadcast_in_dim3A_633 = arith.constant 62 : i32
      %broadcast_in_dim3A_634 = vector.broadcast %broadcast_in_dim3A_633 : i32 to vector<16xi32>
      %select_n3A_635 = arith.select %gt3A_631, %broadcast_in_dim3A_634, %select_n3A_625 : vector<16xi1>, vector<16xi32>
      %get3A_636 = arith.constant 63 : i32
      %get3A_637 = arith.index_cast %get3A_636 : i32 to index
      %get3A_638 = arith.index_cast %mul3A_12 : i32 to index
      %get3A_639 = tpu.vector_load %arg5[%get3A_637, %get3A_638] {strides = array<i32>} : memref<64x256xf32, #tpu.memory_space<vmem>>, vector<1x16xf32>,
      %get3A_640 = vector.shape_cast %get3A_639 : vector<1x16xf32> to vector<16xf32>
      %gt3A_641 = arith.cmpf ogt, %get3A_640, %select_n3A_632 : vector<16xf32>
      %select_n3A_642 = arith.select %gt3A_641, %get3A_640, %select_n3A_632 : vector<16xi1>, vector<16xf32>
      %broadcast_in_dim3A_643 = arith.constant 63 : i32
      %broadcast_in_dim3A_644 = vector.broadcast %broadcast_in_dim3A_643 : i32 to vector<16xi32>
      %select_n3A_645 = arith.select %gt3A_641, %broadcast_in_dim3A_644, %select_n3A_635 : vector<16xi1>, vector<16xi32>
      %broadcast_in_dim3A_646 = arith.constant 0xFF800000 : f32
      %broadcast_in_dim3A_647 = vector.broadcast %broadcast_in_dim3A_646 : f32 to vector<16xf32>
      %broadcast_in_dim3A_648 = arith.constant 0 : i32
      %broadcast_in_dim3A_649 = vector.broadcast %broadcast_in_dim3A_648 : i32 to vector<16xi32>
      %get3A_650 = arith.constant 0 : i32
      %get3A_651 = arith.index_cast %get3A_650 : i32 to index
      %get3A_652 = arith.index_cast %mul3A_12 : i32 to index
      %get3A_653 = tpu.vector_load %arg5[%get3A_651, %get3A_652] {strides = array<i32>} : memref<64x256xf32, #tpu.memory_space<vmem>>, vector<1x16xf32>,
      %get3A_654 = vector.shape_cast %get3A_653 : vector<1x16xf32> to vector<16xf32>
      %broadcast_in_dim3A_655 = arith.constant 0 : i32
      %broadcast_in_dim3A_656 = vector.broadcast %broadcast_in_dim3A_655 : i32 to vector<16xi32>
      %gt3A_657 = arith.cmpf ogt, %get3A_654, %broadcast_in_dim3A_647 : vector<16xf32>
      %ne3A = arith.cmpi ne, %select_n3A_645, %broadcast_in_dim3A_656 : vector<16xi32>
      %and3A = arith.andi %gt3A_657, %ne3A : vector<16xi1>
      %select_n3A_658 = arith.select %and3A, %get3A_654, %broadcast_in_dim3A_647 : vector<16xi1>, vector<16xf32>
      %select_n3A_659 = arith.select %and3A, %broadcast_in_dim3A_656, %broadcast_in_dim3A_649 : vector<16xi1>, vector<16xi32>
      %get3A_660 = arith.constant 1 : i32
      %get3A_661 = arith.index_cast %get3A_660 : i32 to index
      %get3A_662 = arith.index_cast %mul3A_12 : i32 to index
      %get3A_663 = tpu.vector_load %arg5[%get3A_661, %get3A_662] {strides = array<i32>} : memref<64x256xf32, #tpu.memory_space<vmem>>, vector<1x16xf32>,
      %get3A_664 = vector.shape_cast %get3A_663 : vector<1x16xf32> to vector<16xf32>
      %broadcast_in_dim3A_665 = arith.constant 1 : i32
      %broadcast_in_dim3A_666 = vector.broadcast %broadcast_in_dim3A_665 : i32 to vector<16xi32>
      %gt3A_667 = arith.cmpf ogt, %get3A_664, %select_n3A_658 : vector<16xf32>
      %ne3A_668 = arith.cmpi ne, %select_n3A_645, %broadcast_in_dim3A_666 : vector<16xi32>
      %and3A_669 = arith.andi %gt3A_667, %ne3A_668 : vector<16xi1>
      %select_n3A_670 = arith.select %and3A_669, %get3A_664, %select_n3A_658 : vector<16xi1>, vector<16xf32>
      %select_n3A_671 = arith.select %and3A_669, %broadcast_in_dim3A_666, %select_n3A_659 : vector<16xi1>, vector<16xi32>
      %get3A_672 = arith.constant 2 : i32
      %get3A_673 = arith.index_cast %get3A_672 : i32 to index
      %get3A_674 = arith.index_cast %mul3A_12 : i32 to index
      %get3A_675 = tpu.vector_load %arg5[%get3A_673, %get3A_674] {strides = array<i32>} : memref<64x256xf32, #tpu.memory_space<vmem>>, vector<1x16xf32>,
      %get3A_676 = vector.shape_cast %get3A_675 : vector<1x16xf32> to vector<16xf32>
      %broadcast_in_dim3A_677 = arith.constant 2 : i32
      %broadcast_in_dim3A_678 = vector.broadcast %broadcast_in_dim3A_677 : i32 to vector<16xi32>
      %gt3A_679 = arith.cmpf ogt, %get3A_676, %select_n3A_670 : vector<16xf32>
      %ne3A_680 = arith.cmpi ne, %select_n3A_645, %broadcast_in_dim3A_678 : vector<16xi32>
      %and3A_681 = arith.andi %gt3A_679, %ne3A_680 : vector<16xi1>
      %select_n3A_682 = arith.select %and3A_681, %get3A_676, %select_n3A_670 : vector<16xi1>, vector<16xf32>
      %select_n3A_683 = arith.select %and3A_681, %broadcast_in_dim3A_678, %select_n3A_671 : vector<16xi1>, vector<16xi32>
      %get3A_684 = arith.constant 3 : i32
      %get3A_685 = arith.index_cast %get3A_684 : i32 to index
      %get3A_686 = arith.index_cast %mul3A_12 : i32 to index
      %get3A_687 = tpu.vector_load %arg5[%get3A_685, %get3A_686] {strides = array<i32>} : memref<64x256xf32, #tpu.memory_space<vmem>>, vector<1x16xf32>,
      %get3A_688 = vector.shape_cast %get3A_687 : vector<1x16xf32> to vector<16xf32>
      %broadcast_in_dim3A_689 = arith.constant 3 : i32
      %broadcast_in_dim3A_690 = vector.broadcast %broadcast_in_dim3A_689 : i32 to vector<16xi32>
      %gt3A_691 = arith.cmpf ogt, %get3A_688, %select_n3A_682 : vector<16xf32>
      %ne3A_692 = arith.cmpi ne, %select_n3A_645, %broadcast_in_dim3A_690 : vector<16xi32>
      %and3A_693 = arith.andi %gt3A_691, %ne3A_692 : vector<16xi1>
      %select_n3A_694 = arith.select %and3A_693, %get3A_688, %select_n3A_682 : vector<16xi1>, vector<16xf32>
      %select_n3A_695 = arith.select %and3A_693, %broadcast_in_dim3A_690, %select_n3A_683 : vector<16xi1>, vector<16xi32>
      %get3A_696 = arith.constant 4 : i32
      %get3A_697 = arith.index_cast %get3A_696 : i32 to index
      %get3A_698 = arith.index_cast %mul3A_12 : i32 to index
      %get3A_699 = tpu.vector_load %arg5[%get3A_697, %get3A_698] {strides = array<i32>} : memref<64x256xf32, #tpu.memory_space<vmem>>, vector<1x16xf32>,
      %get3A_700 = vector.shape_cast %get3A_699 : vector<1x16xf32> to vector<16xf32>
      %broadcast_in_dim3A_701 = arith.constant 4 : i32
      %broadcast_in_dim3A_702 = vector.broadcast %broadcast_in_dim3A_701 : i32 to vector<16xi32>
      %gt3A_703 = arith.cmpf ogt, %get3A_700, %select_n3A_694 : vector<16xf32>
      %ne3A_704 = arith.cmpi ne, %select_n3A_645, %broadcast_in_dim3A_702 : vector<16xi32>
      %and3A_705 = arith.andi %gt3A_703, %ne3A_704 : vector<16xi1>
      %select_n3A_706 = arith.select %and3A_705, %get3A_700, %select_n3A_694 : vector<16xi1>, vector<16xf32>
      %select_n3A_707 = arith.select %and3A_705, %broadcast_in_dim3A_702, %select_n3A_695 : vector<16xi1>, vector<16xi32>
      %get3A_708 = arith.constant 5 : i32
      %get3A_709 = arith.index_cast %get3A_708 : i32 to index
      %get3A_710 = arith.index_cast %mul3A_12 : i32 to index
      %get3A_711 = tpu.vector_load %arg5[%get3A_709, %get3A_710] {strides = array<i32>} : memref<64x256xf32, #tpu.memory_space<vmem>>, vector<1x16xf32>,
      %get3A_712 = vector.shape_cast %get3A_711 : vector<1x16xf32> to vector<16xf32>
      %broadcast_in_dim3A_713 = arith.constant 5 : i32
      %broadcast_in_dim3A_714 = vector.broadcast %broadcast_in_dim3A_713 : i32 to vector<16xi32>
      %gt3A_715 = arith.cmpf ogt, %get3A_712, %select_n3A_706 : vector<16xf32>
      %ne3A_716 = arith.cmpi ne, %select_n3A_645, %broadcast_in_dim3A_714 : vector<16xi32>
      %and3A_717 = arith.andi %gt3A_715, %ne3A_716 : vector<16xi1>
      %select_n3A_718 = arith.select %and3A_717, %get3A_712, %select_n3A_706 : vector<16xi1>, vector<16xf32>
      %select_n3A_719 = arith.select %and3A_717, %broadcast_in_dim3A_714, %select_n3A_707 : vector<16xi1>, vector<16xi32>
      %get3A_720 = arith.constant 6 : i32
      %get3A_721 = arith.index_cast %get3A_720 : i32 to index
      %get3A_722 = arith.index_cast %mul3A_12 : i32 to index
      %get3A_723 = tpu.vector_load %arg5[%get3A_721, %get3A_722] {strides = array<i32>} : memref<64x256xf32, #tpu.memory_space<vmem>>, vector<1x16xf32>,
      %get3A_724 = vector.shape_cast %get3A_723 : vector<1x16xf32> to vector<16xf32>
      %broadcast_in_dim3A_725 = arith.constant 6 : i32
      %broadcast_in_dim3A_726 = vector.broadcast %broadcast_in_dim3A_725 : i32 to vector<16xi32>
      %gt3A_727 = arith.cmpf ogt, %get3A_724, %select_n3A_718 : vector<16xf32>
      %ne3A_728 = arith.cmpi ne, %select_n3A_645, %broadcast_in_dim3A_726 : vector<16xi32>
      %and3A_729 = arith.andi %gt3A_727, %ne3A_728 : vector<16xi1>
      %select_n3A_730 = arith.select %and3A_729, %get3A_724, %select_n3A_718 : vector<16xi1>, vector<16xf32>
      %select_n3A_731 = arith.select %and3A_729, %broadcast_in_dim3A_726, %select_n3A_719 : vector<16xi1>, vector<16xi32>
      %get3A_732 = arith.constant 7 : i32
      %get3A_733 = arith.index_cast %get3A_732 : i32 to index
      %get3A_734 = arith.index_cast %mul3A_12 : i32 to index
      %get3A_735 = tpu.vector_load %arg5[%get3A_733, %get3A_734] {strides = array<i32>} : memref<64x256xf32, #tpu.memory_space<vmem>>, vector<1x16xf32>,
      %get3A_736 = vector.shape_cast %get3A_735 : vector<1x16xf32> to vector<16xf32>
      %broadcast_in_dim3A_737 = arith.constant 7 : i32
      %broadcast_in_dim3A_738 = vector.broadcast %broadcast_in_dim3A_737 : i32 to vector<16xi32>
      %gt3A_739 = arith.cmpf ogt, %get3A_736, %select_n3A_730 : vector<16xf32>
      %ne3A_740 = arith.cmpi ne, %select_n3A_645, %broadcast_in_dim3A_738 : vector<16xi32>
      %and3A_741 = arith.andi %gt3A_739, %ne3A_740 : vector<16xi1>
      %select_n3A_742 = arith.select %and3A_741, %get3A_736, %select_n3A_730 : vector<16xi1>, vector<16xf32>
      %select_n3A_743 = arith.select %and3A_741, %broadcast_in_dim3A_738, %select_n3A_731 : vector<16xi1>, vector<16xi32>
      %get3A_744 = arith.constant 8 : i32
      %get3A_745 = arith.index_cast %get3A_744 : i32 to index
      %get3A_746 = arith.index_cast %mul3A_12 : i32 to index
      %get3A_747 = tpu.vector_load %arg5[%get3A_745, %get3A_746] {strides = array<i32>} : memref<64x256xf32, #tpu.memory_space<vmem>>, vector<1x16xf32>,
      %get3A_748 = vector.shape_cast %get3A_747 : vector<1x16xf32> to vector<16xf32>
      %broadcast_in_dim3A_749 = arith.constant 8 : i32
      %broadcast_in_dim3A_750 = vector.broadcast %broadcast_in_dim3A_749 : i32 to vector<16xi32>
      %gt3A_751 = arith.cmpf ogt, %get3A_748, %select_n3A_742 : vector<16xf32>
      %ne3A_752 = arith.cmpi ne, %select_n3A_645, %broadcast_in_dim3A_750 : vector<16xi32>
      %and3A_753 = arith.andi %gt3A_751, %ne3A_752 : vector<16xi1>
      %select_n3A_754 = arith.select %and3A_753, %get3A_748, %select_n3A_742 : vector<16xi1>, vector<16xf32>
      %select_n3A_755 = arith.select %and3A_753, %broadcast_in_dim3A_750, %select_n3A_743 : vector<16xi1>, vector<16xi32>
      %get3A_756 = arith.constant 9 : i32
      %get3A_757 = arith.index_cast %get3A_756 : i32 to index
      %get3A_758 = arith.index_cast %mul3A_12 : i32 to index
      %get3A_759 = tpu.vector_load %arg5[%get3A_757, %get3A_758] {strides = array<i32>} : memref<64x256xf32, #tpu.memory_space<vmem>>, vector<1x16xf32>,
      %get3A_760 = vector.shape_cast %get3A_759 : vector<1x16xf32> to vector<16xf32>
      %broadcast_in_dim3A_761 = arith.constant 9 : i32
      %broadcast_in_dim3A_762 = vector.broadcast %broadcast_in_dim3A_761 : i32 to vector<16xi32>
      %gt3A_763 = arith.cmpf ogt, %get3A_760, %select_n3A_754 : vector<16xf32>
      %ne3A_764 = arith.cmpi ne, %select_n3A_645, %broadcast_in_dim3A_762 : vector<16xi32>
      %and3A_765 = arith.andi %gt3A_763, %ne3A_764 : vector<16xi1>
      %select_n3A_766 = arith.select %and3A_765, %get3A_760, %select_n3A_754 : vector<16xi1>, vector<16xf32>
      %select_n3A_767 = arith.select %and3A_765, %broadcast_in_dim3A_762, %select_n3A_755 : vector<16xi1>, vector<16xi32>
      %get3A_768 = arith.constant 10 : i32
      %get3A_769 = arith.index_cast %get3A_768 : i32 to index
      %get3A_770 = arith.index_cast %mul3A_12 : i32 to index
      %get3A_771 = tpu.vector_load %arg5[%get3A_769, %get3A_770] {strides = array<i32>} : memref<64x256xf32, #tpu.memory_space<vmem>>, vector<1x16xf32>,
      %get3A_772 = vector.shape_cast %get3A_771 : vector<1x16xf32> to vector<16xf32>
      %broadcast_in_dim3A_773 = arith.constant 10 : i32
      %broadcast_in_dim3A_774 = vector.broadcast %broadcast_in_dim3A_773 : i32 to vector<16xi32>
      %gt3A_775 = arith.cmpf ogt, %get3A_772, %select_n3A_766 : vector<16xf32>
      %ne3A_776 = arith.cmpi ne, %select_n3A_645, %broadcast_in_dim3A_774 : vector<16xi32>
      %and3A_777 = arith.andi %gt3A_775, %ne3A_776 : vector<16xi1>
      %select_n3A_778 = arith.select %and3A_777, %get3A_772, %select_n3A_766 : vector<16xi1>, vector<16xf32>
      %select_n3A_779 = arith.select %and3A_777, %broadcast_in_dim3A_774, %select_n3A_767 : vector<16xi1>, vector<16xi32>
      %get3A_780 = arith.constant 11 : i32
      %get3A_781 = arith.index_cast %get3A_780 : i32 to index
      %get3A_782 = arith.index_cast %mul3A_12 : i32 to index
      %get3A_783 = tpu.vector_load %arg5[%get3A_781, %get3A_782] {strides = array<i32>} : memref<64x256xf32, #tpu.memory_space<vmem>>, vector<1x16xf32>,
      %get3A_784 = vector.shape_cast %get3A_783 : vector<1x16xf32> to vector<16xf32>
      %broadcast_in_dim3A_785 = arith.constant 11 : i32
      %broadcast_in_dim3A_786 = vector.broadcast %broadcast_in_dim3A_785 : i32 to vector<16xi32>
      %gt3A_787 = arith.cmpf ogt, %get3A_784, %select_n3A_778 : vector<16xf32>
      %ne3A_788 = arith.cmpi ne, %select_n3A_645, %broadcast_in_dim3A_786 : vector<16xi32>
      %and3A_789 = arith.andi %gt3A_787, %ne3A_788 : vector<16xi1>
      %select_n3A_790 = arith.select %and3A_789, %get3A_784, %select_n3A_778 : vector<16xi1>, vector<16xf32>
      %select_n3A_791 = arith.select %and3A_789, %broadcast_in_dim3A_786, %select_n3A_779 : vector<16xi1>, vector<16xi32>
      %get3A_792 = arith.constant 12 : i32
      %get3A_793 = arith.index_cast %get3A_792 : i32 to index
      %get3A_794 = arith.index_cast %mul3A_12 : i32 to index
      %get3A_795 = tpu.vector_load %arg5[%get3A_793, %get3A_794] {strides = array<i32>} : memref<64x256xf32, #tpu.memory_space<vmem>>, vector<1x16xf32>,
      %get3A_796 = vector.shape_cast %get3A_795 : vector<1x16xf32> to vector<16xf32>
      %broadcast_in_dim3A_797 = arith.constant 12 : i32
      %broadcast_in_dim3A_798 = vector.broadcast %broadcast_in_dim3A_797 : i32 to vector<16xi32>
      %gt3A_799 = arith.cmpf ogt, %get3A_796, %select_n3A_790 : vector<16xf32>
      %ne3A_800 = arith.cmpi ne, %select_n3A_645, %broadcast_in_dim3A_798 : vector<16xi32>
      %and3A_801 = arith.andi %gt3A_799, %ne3A_800 : vector<16xi1>
      %select_n3A_802 = arith.select %and3A_801, %get3A_796, %select_n3A_790 : vector<16xi1>, vector<16xf32>
      %select_n3A_803 = arith.select %and3A_801, %broadcast_in_dim3A_798, %select_n3A_791 : vector<16xi1>, vector<16xi32>
      %get3A_804 = arith.constant 13 : i32
      %get3A_805 = arith.index_cast %get3A_804 : i32 to index
      %get3A_806 = arith.index_cast %mul3A_12 : i32 to index
      %get3A_807 = tpu.vector_load %arg5[%get3A_805, %get3A_806] {strides = array<i32>} : memref<64x256xf32, #tpu.memory_space<vmem>>, vector<1x16xf32>,
      %get3A_808 = vector.shape_cast %get3A_807 : vector<1x16xf32> to vector<16xf32>
      %broadcast_in_dim3A_809 = arith.constant 13 : i32
      %broadcast_in_dim3A_810 = vector.broadcast %broadcast_in_dim3A_809 : i32 to vector<16xi32>
      %gt3A_811 = arith.cmpf ogt, %get3A_808, %select_n3A_802 : vector<16xf32>
      %ne3A_812 = arith.cmpi ne, %select_n3A_645, %broadcast_in_dim3A_810 : vector<16xi32>
      %and3A_813 = arith.andi %gt3A_811, %ne3A_812 : vector<16xi1>
      %select_n3A_814 = arith.select %and3A_813, %get3A_808, %select_n3A_802 : vector<16xi1>, vector<16xf32>
      %select_n3A_815 = arith.select %and3A_813, %broadcast_in_dim3A_810, %select_n3A_803 : vector<16xi1>, vector<16xi32>
      %get3A_816 = arith.constant 14 : i32
      %get3A_817 = arith.index_cast %get3A_816 : i32 to index
      %get3A_818 = arith.index_cast %mul3A_12 : i32 to index
      %get3A_819 = tpu.vector_load %arg5[%get3A_817, %get3A_818] {strides = array<i32>} : memref<64x256xf32, #tpu.memory_space<vmem>>, vector<1x16xf32>,
      %get3A_820 = vector.shape_cast %get3A_819 : vector<1x16xf32> to vector<16xf32>
      %broadcast_in_dim3A_821 = arith.constant 14 : i32
      %broadcast_in_dim3A_822 = vector.broadcast %broadcast_in_dim3A_821 : i32 to vector<16xi32>
      %gt3A_823 = arith.cmpf ogt, %get3A_820, %select_n3A_814 : vector<16xf32>
      %ne3A_824 = arith.cmpi ne, %select_n3A_645, %broadcast_in_dim3A_822 : vector<16xi32>
      %and3A_825 = arith.andi %gt3A_823, %ne3A_824 : vector<16xi1>
      %select_n3A_826 = arith.select %and3A_825, %get3A_820, %select_n3A_814 : vector<16xi1>, vector<16xf32>
      %select_n3A_827 = arith.select %and3A_825, %broadcast_in_dim3A_822, %select_n3A_815 : vector<16xi1>, vector<16xi32>
      %get3A_828 = arith.constant 15 : i32
      %get3A_829 = arith.index_cast %get3A_828 : i32 to index
      %get3A_830 = arith.index_cast %mul3A_12 : i32 to index
      %get3A_831 = tpu.vector_load %arg5[%get3A_829, %get3A_830] {strides = array<i32>} : memref<64x256xf32, #tpu.memory_space<vmem>>, vector<1x16xf32>,
      %get3A_832 = vector.shape_cast %get3A_831 : vector<1x16xf32> to vector<16xf32>
      %broadcast_in_dim3A_833 = arith.constant 15 : i32
      %broadcast_in_dim3A_834 = vector.broadcast %broadcast_in_dim3A_833 : i32 to vector<16xi32>
      %gt3A_835 = arith.cmpf ogt, %get3A_832, %select_n3A_826 : vector<16xf32>
      %ne3A_836 = arith.cmpi ne, %select_n3A_645, %broadcast_in_dim3A_834 : vector<16xi32>
      %and3A_837 = arith.andi %gt3A_835, %ne3A_836 : vector<16xi1>
      %select_n3A_838 = arith.select %and3A_837, %get3A_832, %select_n3A_826 : vector<16xi1>, vector<16xf32>
      %select_n3A_839 = arith.select %and3A_837, %broadcast_in_dim3A_834, %select_n3A_827 : vector<16xi1>, vector<16xi32>
      %get3A_840 = arith.constant 16 : i32
      %get3A_841 = arith.index_cast %get3A_840 : i32 to index
      %get3A_842 = arith.index_cast %mul3A_12 : i32 to index
      %get3A_843 = tpu.vector_load %arg5[%get3A_841, %get3A_842] {strides = array<i32>} : memref<64x256xf32, #tpu.memory_space<vmem>>, vector<1x16xf32>,
      %get3A_844 = vector.shape_cast %get3A_843 : vector<1x16xf32> to vector<16xf32>
      %broadcast_in_dim3A_845 = arith.constant 16 : i32
      %broadcast_in_dim3A_846 = vector.broadcast %broadcast_in_dim3A_845 : i32 to vector<16xi32>
      %gt3A_847 = arith.cmpf ogt, %get3A_844, %select_n3A_838 : vector<16xf32>
      %ne3A_848 = arith.cmpi ne, %select_n3A_645, %broadcast_in_dim3A_846 : vector<16xi32>
      %and3A_849 = arith.andi %gt3A_847, %ne3A_848 : vector<16xi1>
      %select_n3A_850 = arith.select %and3A_849, %get3A_844, %select_n3A_838 : vector<16xi1>, vector<16xf32>
      %select_n3A_851 = arith.select %and3A_849, %broadcast_in_dim3A_846, %select_n3A_839 : vector<16xi1>, vector<16xi32>
      %get3A_852 = arith.constant 17 : i32
      %get3A_853 = arith.index_cast %get3A_852 : i32 to index
      %get3A_854 = arith.index_cast %mul3A_12 : i32 to index
      %get3A_855 = tpu.vector_load %arg5[%get3A_853, %get3A_854] {strides = array<i32>} : memref<64x256xf32, #tpu.memory_space<vmem>>, vector<1x16xf32>,
      %get3A_856 = vector.shape_cast %get3A_855 : vector<1x16xf32> to vector<16xf32>
      %broadcast_in_dim3A_857 = arith.constant 17 : i32
      %broadcast_in_dim3A_858 = vector.broadcast %broadcast_in_dim3A_857 : i32 to vector<16xi32>
      %gt3A_859 = arith.cmpf ogt, %get3A_856, %select_n3A_850 : vector<16xf32>
      %ne3A_860 = arith.cmpi ne, %select_n3A_645, %broadcast_in_dim3A_858 : vector<16xi32>
      %and3A_861 = arith.andi %gt3A_859, %ne3A_860 : vector<16xi1>
      %select_n3A_862 = arith.select %and3A_861, %get3A_856, %select_n3A_850 : vector<16xi1>, vector<16xf32>
      %select_n3A_863 = arith.select %and3A_861, %broadcast_in_dim3A_858, %select_n3A_851 : vector<16xi1>, vector<16xi32>
      %get3A_864 = arith.constant 18 : i32
      %get3A_865 = arith.index_cast %get3A_864 : i32 to index
      %get3A_866 = arith.index_cast %mul3A_12 : i32 to index
      %get3A_867 = tpu.vector_load %arg5[%get3A_865, %get3A_866] {strides = array<i32>} : memref<64x256xf32, #tpu.memory_space<vmem>>, vector<1x16xf32>,
      %get3A_868 = vector.shape_cast %get3A_867 : vector<1x16xf32> to vector<16xf32>
      %broadcast_in_dim3A_869 = arith.constant 18 : i32
      %broadcast_in_dim3A_870 = vector.broadcast %broadcast_in_dim3A_869 : i32 to vector<16xi32>
      %gt3A_871 = arith.cmpf ogt, %get3A_868, %select_n3A_862 : vector<16xf32>
      %ne3A_872 = arith.cmpi ne, %select_n3A_645, %broadcast_in_dim3A_870 : vector<16xi32>
      %and3A_873 = arith.andi %gt3A_871, %ne3A_872 : vector<16xi1>
      %select_n3A_874 = arith.select %and3A_873, %get3A_868, %select_n3A_862 : vector<16xi1>, vector<16xf32>
      %select_n3A_875 = arith.select %and3A_873, %broadcast_in_dim3A_870, %select_n3A_863 : vector<16xi1>, vector<16xi32>
      %get3A_876 = arith.constant 19 : i32
      %get3A_877 = arith.index_cast %get3A_876 : i32 to index
      %get3A_878 = arith.index_cast %mul3A_12 : i32 to index
      %get3A_879 = tpu.vector_load %arg5[%get3A_877, %get3A_878] {strides = array<i32>} : memref<64x256xf32, #tpu.memory_space<vmem>>, vector<1x16xf32>,
      %get3A_880 = vector.shape_cast %get3A_879 : vector<1x16xf32> to vector<16xf32>
      %broadcast_in_dim3A_881 = arith.constant 19 : i32
      %broadcast_in_dim3A_882 = vector.broadcast %broadcast_in_dim3A_881 : i32 to vector<16xi32>
      %gt3A_883 = arith.cmpf ogt, %get3A_880, %select_n3A_874 : vector<16xf32>
      %ne3A_884 = arith.cmpi ne, %select_n3A_645, %broadcast_in_dim3A_882 : vector<16xi32>
      %and3A_885 = arith.andi %gt3A_883, %ne3A_884 : vector<16xi1>
      %select_n3A_886 = arith.select %and3A_885, %get3A_880, %select_n3A_874 : vector<16xi1>, vector<16xf32>
      %select_n3A_887 = arith.select %and3A_885, %broadcast_in_dim3A_882, %select_n3A_875 : vector<16xi1>, vector<16xi32>
      %get3A_888 = arith.constant 20 : i32
      %get3A_889 = arith.index_cast %get3A_888 : i32 to index
      %get3A_890 = arith.index_cast %mul3A_12 : i32 to index
      %get3A_891 = tpu.vector_load %arg5[%get3A_889, %get3A_890] {strides = array<i32>} : memref<64x256xf32, #tpu.memory_space<vmem>>, vector<1x16xf32>,
      %get3A_892 = vector.shape_cast %get3A_891 : vector<1x16xf32> to vector<16xf32>
      %broadcast_in_dim3A_893 = arith.constant 20 : i32
      %broadcast_in_dim3A_894 = vector.broadcast %broadcast_in_dim3A_893 : i32 to vector<16xi32>
      %gt3A_895 = arith.cmpf ogt, %get3A_892, %select_n3A_886 : vector<16xf32>
      %ne3A_896 = arith.cmpi ne, %select_n3A_645, %broadcast_in_dim3A_894 : vector<16xi32>
      %and3A_897 = arith.andi %gt3A_895, %ne3A_896 : vector<16xi1>
      %select_n3A_898 = arith.select %and3A_897, %get3A_892, %select_n3A_886 : vector<16xi1>, vector<16xf32>
      %select_n3A_899 = arith.select %and3A_897, %broadcast_in_dim3A_894, %select_n3A_887 : vector<16xi1>, vector<16xi32>
      %get3A_900 = arith.constant 21 : i32
      %get3A_901 = arith.index_cast %get3A_900 : i32 to index
      %get3A_902 = arith.index_cast %mul3A_12 : i32 to index
      %get3A_903 = tpu.vector_load %arg5[%get3A_901, %get3A_902] {strides = array<i32>} : memref<64x256xf32, #tpu.memory_space<vmem>>, vector<1x16xf32>,
      %get3A_904 = vector.shape_cast %get3A_903 : vector<1x16xf32> to vector<16xf32>
      %broadcast_in_dim3A_905 = arith.constant 21 : i32
      %broadcast_in_dim3A_906 = vector.broadcast %broadcast_in_dim3A_905 : i32 to vector<16xi32>
      %gt3A_907 = arith.cmpf ogt, %get3A_904, %select_n3A_898 : vector<16xf32>
      %ne3A_908 = arith.cmpi ne, %select_n3A_645, %broadcast_in_dim3A_906 : vector<16xi32>
      %and3A_909 = arith.andi %gt3A_907, %ne3A_908 : vector<16xi1>
      %select_n3A_910 = arith.select %and3A_909, %get3A_904, %select_n3A_898 : vector<16xi1>, vector<16xf32>
      %select_n3A_911 = arith.select %and3A_909, %broadcast_in_dim3A_906, %select_n3A_899 : vector<16xi1>, vector<16xi32>
      %get3A_912 = arith.constant 22 : i32
      %get3A_913 = arith.index_cast %get3A_912 : i32 to index
      %get3A_914 = arith.index_cast %mul3A_12 : i32 to index
      %get3A_915 = tpu.vector_load %arg5[%get3A_913, %get3A_914] {strides = array<i32>} : memref<64x256xf32, #tpu.memory_space<vmem>>, vector<1x16xf32>,
      %get3A_916 = vector.shape_cast %get3A_915 : vector<1x16xf32> to vector<16xf32>
      %broadcast_in_dim3A_917 = arith.constant 22 : i32
      %broadcast_in_dim3A_918 = vector.broadcast %broadcast_in_dim3A_917 : i32 to vector<16xi32>
      %gt3A_919 = arith.cmpf ogt, %get3A_916, %select_n3A_910 : vector<16xf32>
      %ne3A_920 = arith.cmpi ne, %select_n3A_645, %broadcast_in_dim3A_918 : vector<16xi32>
      %and3A_921 = arith.andi %gt3A_919, %ne3A_920 : vector<16xi1>
      %select_n3A_922 = arith.select %and3A_921, %get3A_916, %select_n3A_910 : vector<16xi1>, vector<16xf32>
      %select_n3A_923 = arith.select %and3A_921, %broadcast_in_dim3A_918, %select_n3A_911 : vector<16xi1>, vector<16xi32>
      %get3A_924 = arith.constant 23 : i32
      %get3A_925 = arith.index_cast %get3A_924 : i32 to index
      %get3A_926 = arith.index_cast %mul3A_12 : i32 to index
      %get3A_927 = tpu.vector_load %arg5[%get3A_925, %get3A_926] {strides = array<i32>} : memref<64x256xf32, #tpu.memory_space<vmem>>, vector<1x16xf32>,
      %get3A_928 = vector.shape_cast %get3A_927 : vector<1x16xf32> to vector<16xf32>
      %broadcast_in_dim3A_929 = arith.constant 23 : i32
      %broadcast_in_dim3A_930 = vector.broadcast %broadcast_in_dim3A_929 : i32 to vector<16xi32>
      %gt3A_931 = arith.cmpf ogt, %get3A_928, %select_n3A_922 : vector<16xf32>
      %ne3A_932 = arith.cmpi ne, %select_n3A_645, %broadcast_in_dim3A_930 : vector<16xi32>
      %and3A_933 = arith.andi %gt3A_931, %ne3A_932 : vector<16xi1>
      %select_n3A_934 = arith.select %and3A_933, %get3A_928, %select_n3A_922 : vector<16xi1>, vector<16xf32>
      %select_n3A_935 = arith.select %and3A_933, %broadcast_in_dim3A_930, %select_n3A_923 : vector<16xi1>, vector<16xi32>
      %get3A_936 = arith.constant 24 : i32
      %get3A_937 = arith.index_cast %get3A_936 : i32 to index
      %get3A_938 = arith.index_cast %mul3A_12 : i32 to index
      %get3A_939 = tpu.vector_load %arg5[%get3A_937, %get3A_938] {strides = array<i32>} : memref<64x256xf32, #tpu.memory_space<vmem>>, vector<1x16xf32>,
      %get3A_940 = vector.shape_cast %get3A_939 : vector<1x16xf32> to vector<16xf32>
      %broadcast_in_dim3A_941 = arith.constant 24 : i32
      %broadcast_in_dim3A_942 = vector.broadcast %broadcast_in_dim3A_941 : i32 to vector<16xi32>
      %gt3A_943 = arith.cmpf ogt, %get3A_940, %select_n3A_934 : vector<16xf32>
      %ne3A_944 = arith.cmpi ne, %select_n3A_645, %broadcast_in_dim3A_942 : vector<16xi32>
      %and3A_945 = arith.andi %gt3A_943, %ne3A_944 : vector<16xi1>
      %select_n3A_946 = arith.select %and3A_945, %get3A_940, %select_n3A_934 : vector<16xi1>, vector<16xf32>
      %select_n3A_947 = arith.select %and3A_945, %broadcast_in_dim3A_942, %select_n3A_935 : vector<16xi1>, vector<16xi32>
      %get3A_948 = arith.constant 25 : i32
      %get3A_949 = arith.index_cast %get3A_948 : i32 to index
      %get3A_950 = arith.index_cast %mul3A_12 : i32 to index
      %get3A_951 = tpu.vector_load %arg5[%get3A_949, %get3A_950] {strides = array<i32>} : memref<64x256xf32, #tpu.memory_space<vmem>>, vector<1x16xf32>,
      %get3A_952 = vector.shape_cast %get3A_951 : vector<1x16xf32> to vector<16xf32>
      %broadcast_in_dim3A_953 = arith.constant 25 : i32
      %broadcast_in_dim3A_954 = vector.broadcast %broadcast_in_dim3A_953 : i32 to vector<16xi32>
      %gt3A_955 = arith.cmpf ogt, %get3A_952, %select_n3A_946 : vector<16xf32>
      %ne3A_956 = arith.cmpi ne, %select_n3A_645, %broadcast_in_dim3A_954 : vector<16xi32>
      %and3A_957 = arith.andi %gt3A_955, %ne3A_956 : vector<16xi1>
      %select_n3A_958 = arith.select %and3A_957, %get3A_952, %select_n3A_946 : vector<16xi1>, vector<16xf32>
      %select_n3A_959 = arith.select %and3A_957, %broadcast_in_dim3A_954, %select_n3A_947 : vector<16xi1>, vector<16xi32>
      %get3A_960 = arith.constant 26 : i32
      %get3A_961 = arith.index_cast %get3A_960 : i32 to index
      %get3A_962 = arith.index_cast %mul3A_12 : i32 to index
      %get3A_963 = tpu.vector_load %arg5[%get3A_961, %get3A_962] {strides = array<i32>} : memref<64x256xf32, #tpu.memory_space<vmem>>, vector<1x16xf32>,
      %get3A_964 = vector.shape_cast %get3A_963 : vector<1x16xf32> to vector<16xf32>
      %broadcast_in_dim3A_965 = arith.constant 26 : i32
      %broadcast_in_dim3A_966 = vector.broadcast %broadcast_in_dim3A_965 : i32 to vector<16xi32>
      %gt3A_967 = arith.cmpf ogt, %get3A_964, %select_n3A_958 : vector<16xf32>
      %ne3A_968 = arith.cmpi ne, %select_n3A_645, %broadcast_in_dim3A_966 : vector<16xi32>
      %and3A_969 = arith.andi %gt3A_967, %ne3A_968 : vector<16xi1>
      %select_n3A_970 = arith.select %and3A_969, %get3A_964, %select_n3A_958 : vector<16xi1>, vector<16xf32>
      %select_n3A_971 = arith.select %and3A_969, %broadcast_in_dim3A_966, %select_n3A_959 : vector<16xi1>, vector<16xi32>
      %get3A_972 = arith.constant 27 : i32
      %get3A_973 = arith.index_cast %get3A_972 : i32 to index
      %get3A_974 = arith.index_cast %mul3A_12 : i32 to index
      %get3A_975 = tpu.vector_load %arg5[%get3A_973, %get3A_974] {strides = array<i32>} : memref<64x256xf32, #tpu.memory_space<vmem>>, vector<1x16xf32>,
      %get3A_976 = vector.shape_cast %get3A_975 : vector<1x16xf32> to vector<16xf32>
      %broadcast_in_dim3A_977 = arith.constant 27 : i32
      %broadcast_in_dim3A_978 = vector.broadcast %broadcast_in_dim3A_977 : i32 to vector<16xi32>
      %gt3A_979 = arith.cmpf ogt, %get3A_976, %select_n3A_970 : vector<16xf32>
      %ne3A_980 = arith.cmpi ne, %select_n3A_645, %broadcast_in_dim3A_978 : vector<16xi32>
      %and3A_981 = arith.andi %gt3A_979, %ne3A_980 : vector<16xi1>
      %select_n3A_982 = arith.select %and3A_981, %get3A_976, %select_n3A_970 : vector<16xi1>, vector<16xf32>
      %select_n3A_983 = arith.select %and3A_981, %broadcast_in_dim3A_978, %select_n3A_971 : vector<16xi1>, vector<16xi32>
      %get3A_984 = arith.constant 28 : i32
      %get3A_985 = arith.index_cast %get3A_984 : i32 to index
      %get3A_986 = arith.index_cast %mul3A_12 : i32 to index
      %get3A_987 = tpu.vector_load %arg5[%get3A_985, %get3A_986] {strides = array<i32>} : memref<64x256xf32, #tpu.memory_space<vmem>>, vector<1x16xf32>,
      %get3A_988 = vector.shape_cast %get3A_987 : vector<1x16xf32> to vector<16xf32>
      %broadcast_in_dim3A_989 = arith.constant 28 : i32
      %broadcast_in_dim3A_990 = vector.broadcast %broadcast_in_dim3A_989 : i32 to vector<16xi32>
      %gt3A_991 = arith.cmpf ogt, %get3A_988, %select_n3A_982 : vector<16xf32>
      %ne3A_992 = arith.cmpi ne, %select_n3A_645, %broadcast_in_dim3A_990 : vector<16xi32>
      %and3A_993 = arith.andi %gt3A_991, %ne3A_992 : vector<16xi1>
      %select_n3A_994 = arith.select %and3A_993, %get3A_988, %select_n3A_982 : vector<16xi1>, vector<16xf32>
      %select_n3A_995 = arith.select %and3A_993, %broadcast_in_dim3A_990, %select_n3A_983 : vector<16xi1>, vector<16xi32>
      %get3A_996 = arith.constant 29 : i32
      %get3A_997 = arith.index_cast %get3A_996 : i32 to index
      %get3A_998 = arith.index_cast %mul3A_12 : i32 to index
      %get3A_999 = tpu.vector_load %arg5[%get3A_997, %get3A_998] {strides = array<i32>} : memref<64x256xf32, #tpu.memory_space<vmem>>, vector<1x16xf32>,
      %get3A_1000 = vector.shape_cast %get3A_999 : vector<1x16xf32> to vector<16xf32>
      %broadcast_in_dim3A_1001 = arith.constant 29 : i32
      %broadcast_in_dim3A_1002 = vector.broadcast %broadcast_in_dim3A_1001 : i32 to vector<16xi32>
      %gt3A_1003 = arith.cmpf ogt, %get3A_1000, %select_n3A_994 : vector<16xf32>
      %ne3A_1004 = arith.cmpi ne, %select_n3A_645, %broadcast_in_dim3A_1002 : vector<16xi32>
      %and3A_1005 = arith.andi %gt3A_1003, %ne3A_1004 : vector<16xi1>
      %select_n3A_1006 = arith.select %and3A_1005, %get3A_1000, %select_n3A_994 : vector<16xi1>, vector<16xf32>
      %select_n3A_1007 = arith.select %and3A_1005, %broadcast_in_dim3A_1002, %select_n3A_995 : vector<16xi1>, vector<16xi32>
      %get3A_1008 = arith.constant 30 : i32
      %get3A_1009 = arith.index_cast %get3A_1008 : i32 to index
      %get3A_1010 = arith.index_cast %mul3A_12 : i32 to index
      %get3A_1011 = tpu.vector_load %arg5[%get3A_1009, %get3A_1010] {strides = array<i32>} : memref<64x256xf32, #tpu.memory_space<vmem>>, vector<1x16xf32>,
      %get3A_1012 = vector.shape_cast %get3A_1011 : vector<1x16xf32> to vector<16xf32>
      %broadcast_in_dim3A_1013 = arith.constant 30 : i32
      %broadcast_in_dim3A_1014 = vector.broadcast %broadcast_in_dim3A_1013 : i32 to vector<16xi32>
      %gt3A_1015 = arith.cmpf ogt, %get3A_1012, %select_n3A_1006 : vector<16xf32>
      %ne3A_1016 = arith.cmpi ne, %select_n3A_645, %broadcast_in_dim3A_1014 : vector<16xi32>
      %and3A_1017 = arith.andi %gt3A_1015, %ne3A_1016 : vector<16xi1>
      %select_n3A_1018 = arith.select %and3A_1017, %get3A_1012, %select_n3A_1006 : vector<16xi1>, vector<16xf32>
      %select_n3A_1019 = arith.select %and3A_1017, %broadcast_in_dim3A_1014, %select_n3A_1007 : vector<16xi1>, vector<16xi32>
      %get3A_1020 = arith.constant 31 : i32
      %get3A_1021 = arith.index_cast %get3A_1020 : i32 to index
      %get3A_1022 = arith.index_cast %mul3A_12 : i32 to index
      %get3A_1023 = tpu.vector_load %arg5[%get3A_1021, %get3A_1022] {strides = array<i32>} : memref<64x256xf32, #tpu.memory_space<vmem>>, vector<1x16xf32>,
      %get3A_1024 = vector.shape_cast %get3A_1023 : vector<1x16xf32> to vector<16xf32>
      %broadcast_in_dim3A_1025 = arith.constant 31 : i32
      %broadcast_in_dim3A_1026 = vector.broadcast %broadcast_in_dim3A_1025 : i32 to vector<16xi32>
      %gt3A_1027 = arith.cmpf ogt, %get3A_1024, %select_n3A_1018 : vector<16xf32>
      %ne3A_1028 = arith.cmpi ne, %select_n3A_645, %broadcast_in_dim3A_1026 : vector<16xi32>
      %and3A_1029 = arith.andi %gt3A_1027, %ne3A_1028 : vector<16xi1>
      %select_n3A_1030 = arith.select %and3A_1029, %get3A_1024, %select_n3A_1018 : vector<16xi1>, vector<16xf32>
      %select_n3A_1031 = arith.select %and3A_1029, %broadcast_in_dim3A_1026, %select_n3A_1019 : vector<16xi1>, vector<16xi32>
      %get3A_1032 = arith.constant 32 : i32
      %get3A_1033 = arith.index_cast %get3A_1032 : i32 to index
      %get3A_1034 = arith.index_cast %mul3A_12 : i32 to index
      %get3A_1035 = tpu.vector_load %arg5[%get3A_1033, %get3A_1034] {strides = array<i32>} : memref<64x256xf32, #tpu.memory_space<vmem>>, vector<1x16xf32>,
      %get3A_1036 = vector.shape_cast %get3A_1035 : vector<1x16xf32> to vector<16xf32>
      %broadcast_in_dim3A_1037 = arith.constant 32 : i32
      %broadcast_in_dim3A_1038 = vector.broadcast %broadcast_in_dim3A_1037 : i32 to vector<16xi32>
      %gt3A_1039 = arith.cmpf ogt, %get3A_1036, %select_n3A_1030 : vector<16xf32>
      %ne3A_1040 = arith.cmpi ne, %select_n3A_645, %broadcast_in_dim3A_1038 : vector<16xi32>
      %and3A_1041 = arith.andi %gt3A_1039, %ne3A_1040 : vector<16xi1>
      %select_n3A_1042 = arith.select %and3A_1041, %get3A_1036, %select_n3A_1030 : vector<16xi1>, vector<16xf32>
      %select_n3A_1043 = arith.select %and3A_1041, %broadcast_in_dim3A_1038, %select_n3A_1031 : vector<16xi1>, vector<16xi32>
      %get3A_1044 = arith.constant 33 : i32
      %get3A_1045 = arith.index_cast %get3A_1044 : i32 to index
      %get3A_1046 = arith.index_cast %mul3A_12 : i32 to index
      %get3A_1047 = tpu.vector_load %arg5[%get3A_1045, %get3A_1046] {strides = array<i32>} : memref<64x256xf32, #tpu.memory_space<vmem>>, vector<1x16xf32>,
      %get3A_1048 = vector.shape_cast %get3A_1047 : vector<1x16xf32> to vector<16xf32>
      %broadcast_in_dim3A_1049 = arith.constant 33 : i32
      %broadcast_in_dim3A_1050 = vector.broadcast %broadcast_in_dim3A_1049 : i32 to vector<16xi32>
      %gt3A_1051 = arith.cmpf ogt, %get3A_1048, %select_n3A_1042 : vector<16xf32>
      %ne3A_1052 = arith.cmpi ne, %select_n3A_645, %broadcast_in_dim3A_1050 : vector<16xi32>
      %and3A_1053 = arith.andi %gt3A_1051, %ne3A_1052 : vector<16xi1>
      %select_n3A_1054 = arith.select %and3A_1053, %get3A_1048, %select_n3A_1042 : vector<16xi1>, vector<16xf32>
      %select_n3A_1055 = arith.select %and3A_1053, %broadcast_in_dim3A_1050, %select_n3A_1043 : vector<16xi1>, vector<16xi32>
      %get3A_1056 = arith.constant 34 : i32
      %get3A_1057 = arith.index_cast %get3A_1056 : i32 to index
      %get3A_1058 = arith.index_cast %mul3A_12 : i32 to index
      %get3A_1059 = tpu.vector_load %arg5[%get3A_1057, %get3A_1058] {strides = array<i32>} : memref<64x256xf32, #tpu.memory_space<vmem>>, vector<1x16xf32>,
      %get3A_1060 = vector.shape_cast %get3A_1059 : vector<1x16xf32> to vector<16xf32>
      %broadcast_in_dim3A_1061 = arith.constant 34 : i32
      %broadcast_in_dim3A_1062 = vector.broadcast %broadcast_in_dim3A_1061 : i32 to vector<16xi32>
      %gt3A_1063 = arith.cmpf ogt, %get3A_1060, %select_n3A_1054 : vector<16xf32>
      %ne3A_1064 = arith.cmpi ne, %select_n3A_645, %broadcast_in_dim3A_1062 : vector<16xi32>
      %and3A_1065 = arith.andi %gt3A_1063, %ne3A_1064 : vector<16xi1>
      %select_n3A_1066 = arith.select %and3A_1065, %get3A_1060, %select_n3A_1054 : vector<16xi1>, vector<16xf32>
      %select_n3A_1067 = arith.select %and3A_1065, %broadcast_in_dim3A_1062, %select_n3A_1055 : vector<16xi1>, vector<16xi32>
      %get3A_1068 = arith.constant 35 : i32
      %get3A_1069 = arith.index_cast %get3A_1068 : i32 to index
      %get3A_1070 = arith.index_cast %mul3A_12 : i32 to index
      %get3A_1071 = tpu.vector_load %arg5[%get3A_1069, %get3A_1070] {strides = array<i32>} : memref<64x256xf32, #tpu.memory_space<vmem>>, vector<1x16xf32>,
      %get3A_1072 = vector.shape_cast %get3A_1071 : vector<1x16xf32> to vector<16xf32>
      %broadcast_in_dim3A_1073 = arith.constant 35 : i32
      %broadcast_in_dim3A_1074 = vector.broadcast %broadcast_in_dim3A_1073 : i32 to vector<16xi32>
      %gt3A_1075 = arith.cmpf ogt, %get3A_1072, %select_n3A_1066 : vector<16xf32>
      %ne3A_1076 = arith.cmpi ne, %select_n3A_645, %broadcast_in_dim3A_1074 : vector<16xi32>
      %and3A_1077 = arith.andi %gt3A_1075, %ne3A_1076 : vector<16xi1>
      %select_n3A_1078 = arith.select %and3A_1077, %get3A_1072, %select_n3A_1066 : vector<16xi1>, vector<16xf32>
      %select_n3A_1079 = arith.select %and3A_1077, %broadcast_in_dim3A_1074, %select_n3A_1067 : vector<16xi1>, vector<16xi32>
      %get3A_1080 = arith.constant 36 : i32
      %get3A_1081 = arith.index_cast %get3A_1080 : i32 to index
      %get3A_1082 = arith.index_cast %mul3A_12 : i32 to index
      %get3A_1083 = tpu.vector_load %arg5[%get3A_1081, %get3A_1082] {strides = array<i32>} : memref<64x256xf32, #tpu.memory_space<vmem>>, vector<1x16xf32>,
      %get3A_1084 = vector.shape_cast %get3A_1083 : vector<1x16xf32> to vector<16xf32>
      %broadcast_in_dim3A_1085 = arith.constant 36 : i32
      %broadcast_in_dim3A_1086 = vector.broadcast %broadcast_in_dim3A_1085 : i32 to vector<16xi32>
      %gt3A_1087 = arith.cmpf ogt, %get3A_1084, %select_n3A_1078 : vector<16xf32>
      %ne3A_1088 = arith.cmpi ne, %select_n3A_645, %broadcast_in_dim3A_1086 : vector<16xi32>
      %and3A_1089 = arith.andi %gt3A_1087, %ne3A_1088 : vector<16xi1>
      %select_n3A_1090 = arith.select %and3A_1089, %get3A_1084, %select_n3A_1078 : vector<16xi1>, vector<16xf32>
      %select_n3A_1091 = arith.select %and3A_1089, %broadcast_in_dim3A_1086, %select_n3A_1079 : vector<16xi1>, vector<16xi32>
      %get3A_1092 = arith.constant 37 : i32
      %get3A_1093 = arith.index_cast %get3A_1092 : i32 to index
      %get3A_1094 = arith.index_cast %mul3A_12 : i32 to index
      %get3A_1095 = tpu.vector_load %arg5[%get3A_1093, %get3A_1094] {strides = array<i32>} : memref<64x256xf32, #tpu.memory_space<vmem>>, vector<1x16xf32>,
      %get3A_1096 = vector.shape_cast %get3A_1095 : vector<1x16xf32> to vector<16xf32>
      %broadcast_in_dim3A_1097 = arith.constant 37 : i32
      %broadcast_in_dim3A_1098 = vector.broadcast %broadcast_in_dim3A_1097 : i32 to vector<16xi32>
      %gt3A_1099 = arith.cmpf ogt, %get3A_1096, %select_n3A_1090 : vector<16xf32>
      %ne3A_1100 = arith.cmpi ne, %select_n3A_645, %broadcast_in_dim3A_1098 : vector<16xi32>
      %and3A_1101 = arith.andi %gt3A_1099, %ne3A_1100 : vector<16xi1>
      %select_n3A_1102 = arith.select %and3A_1101, %get3A_1096, %select_n3A_1090 : vector<16xi1>, vector<16xf32>
      %select_n3A_1103 = arith.select %and3A_1101, %broadcast_in_dim3A_1098, %select_n3A_1091 : vector<16xi1>, vector<16xi32>
      %get3A_1104 = arith.constant 38 : i32
      %get3A_1105 = arith.index_cast %get3A_1104 : i32 to index
      %get3A_1106 = arith.index_cast %mul3A_12 : i32 to index
      %get3A_1107 = tpu.vector_load %arg5[%get3A_1105, %get3A_1106] {strides = array<i32>} : memref<64x256xf32, #tpu.memory_space<vmem>>, vector<1x16xf32>,
      %get3A_1108 = vector.shape_cast %get3A_1107 : vector<1x16xf32> to vector<16xf32>
      %broadcast_in_dim3A_1109 = arith.constant 38 : i32
      %broadcast_in_dim3A_1110 = vector.broadcast %broadcast_in_dim3A_1109 : i32 to vector<16xi32>
      %gt3A_1111 = arith.cmpf ogt, %get3A_1108, %select_n3A_1102 : vector<16xf32>
      %ne3A_1112 = arith.cmpi ne, %select_n3A_645, %broadcast_in_dim3A_1110 : vector<16xi32>
      %and3A_1113 = arith.andi %gt3A_1111, %ne3A_1112 : vector<16xi1>
      %select_n3A_1114 = arith.select %and3A_1113, %get3A_1108, %select_n3A_1102 : vector<16xi1>, vector<16xf32>
      %select_n3A_1115 = arith.select %and3A_1113, %broadcast_in_dim3A_1110, %select_n3A_1103 : vector<16xi1>, vector<16xi32>
      %get3A_1116 = arith.constant 39 : i32
      %get3A_1117 = arith.index_cast %get3A_1116 : i32 to index
      %get3A_1118 = arith.index_cast %mul3A_12 : i32 to index
      %get3A_1119 = tpu.vector_load %arg5[%get3A_1117, %get3A_1118] {strides = array<i32>} : memref<64x256xf32, #tpu.memory_space<vmem>>, vector<1x16xf32>,
      %get3A_1120 = vector.shape_cast %get3A_1119 : vector<1x16xf32> to vector<16xf32>
      %broadcast_in_dim3A_1121 = arith.constant 39 : i32
      %broadcast_in_dim3A_1122 = vector.broadcast %broadcast_in_dim3A_1121 : i32 to vector<16xi32>
      %gt3A_1123 = arith.cmpf ogt, %get3A_1120, %select_n3A_1114 : vector<16xf32>
      %ne3A_1124 = arith.cmpi ne, %select_n3A_645, %broadcast_in_dim3A_1122 : vector<16xi32>
      %and3A_1125 = arith.andi %gt3A_1123, %ne3A_1124 : vector<16xi1>
      %select_n3A_1126 = arith.select %and3A_1125, %get3A_1120, %select_n3A_1114 : vector<16xi1>, vector<16xf32>
      %select_n3A_1127 = arith.select %and3A_1125, %broadcast_in_dim3A_1122, %select_n3A_1115 : vector<16xi1>, vector<16xi32>
      %get3A_1128 = arith.constant 40 : i32
      %get3A_1129 = arith.index_cast %get3A_1128 : i32 to index
      %get3A_1130 = arith.index_cast %mul3A_12 : i32 to index
      %get3A_1131 = tpu.vector_load %arg5[%get3A_1129, %get3A_1130] {strides = array<i32>} : memref<64x256xf32, #tpu.memory_space<vmem>>, vector<1x16xf32>,
      %get3A_1132 = vector.shape_cast %get3A_1131 : vector<1x16xf32> to vector<16xf32>
      %broadcast_in_dim3A_1133 = arith.constant 40 : i32
      %broadcast_in_dim3A_1134 = vector.broadcast %broadcast_in_dim3A_1133 : i32 to vector<16xi32>
      %gt3A_1135 = arith.cmpf ogt, %get3A_1132, %select_n3A_1126 : vector<16xf32>
      %ne3A_1136 = arith.cmpi ne, %select_n3A_645, %broadcast_in_dim3A_1134 : vector<16xi32>
      %and3A_1137 = arith.andi %gt3A_1135, %ne3A_1136 : vector<16xi1>
      %select_n3A_1138 = arith.select %and3A_1137, %get3A_1132, %select_n3A_1126 : vector<16xi1>, vector<16xf32>
      %select_n3A_1139 = arith.select %and3A_1137, %broadcast_in_dim3A_1134, %select_n3A_1127 : vector<16xi1>, vector<16xi32>
      %get3A_1140 = arith.constant 41 : i32
      %get3A_1141 = arith.index_cast %get3A_1140 : i32 to index
      %get3A_1142 = arith.index_cast %mul3A_12 : i32 to index
      %get3A_1143 = tpu.vector_load %arg5[%get3A_1141, %get3A_1142] {strides = array<i32>} : memref<64x256xf32, #tpu.memory_space<vmem>>, vector<1x16xf32>,
      %get3A_1144 = vector.shape_cast %get3A_1143 : vector<1x16xf32> to vector<16xf32>
      %broadcast_in_dim3A_1145 = arith.constant 41 : i32
      %broadcast_in_dim3A_1146 = vector.broadcast %broadcast_in_dim3A_1145 : i32 to vector<16xi32>
      %gt3A_1147 = arith.cmpf ogt, %get3A_1144, %select_n3A_1138 : vector<16xf32>
      %ne3A_1148 = arith.cmpi ne, %select_n3A_645, %broadcast_in_dim3A_1146 : vector<16xi32>
      %and3A_1149 = arith.andi %gt3A_1147, %ne3A_1148 : vector<16xi1>
      %select_n3A_1150 = arith.select %and3A_1149, %get3A_1144, %select_n3A_1138 : vector<16xi1>, vector<16xf32>
      %select_n3A_1151 = arith.select %and3A_1149, %broadcast_in_dim3A_1146, %select_n3A_1139 : vector<16xi1>, vector<16xi32>
      %get3A_1152 = arith.constant 42 : i32
      %get3A_1153 = arith.index_cast %get3A_1152 : i32 to index
      %get3A_1154 = arith.index_cast %mul3A_12 : i32 to index
      %get3A_1155 = tpu.vector_load %arg5[%get3A_1153, %get3A_1154] {strides = array<i32>} : memref<64x256xf32, #tpu.memory_space<vmem>>, vector<1x16xf32>,
      %get3A_1156 = vector.shape_cast %get3A_1155 : vector<1x16xf32> to vector<16xf32>
      %broadcast_in_dim3A_1157 = arith.constant 42 : i32
      %broadcast_in_dim3A_1158 = vector.broadcast %broadcast_in_dim3A_1157 : i32 to vector<16xi32>
      %gt3A_1159 = arith.cmpf ogt, %get3A_1156, %select_n3A_1150 : vector<16xf32>
      %ne3A_1160 = arith.cmpi ne, %select_n3A_645, %broadcast_in_dim3A_1158 : vector<16xi32>
      %and3A_1161 = arith.andi %gt3A_1159, %ne3A_1160 : vector<16xi1>
      %select_n3A_1162 = arith.select %and3A_1161, %get3A_1156, %select_n3A_1150 : vector<16xi1>, vector<16xf32>
      %select_n3A_1163 = arith.select %and3A_1161, %broadcast_in_dim3A_1158, %select_n3A_1151 : vector<16xi1>, vector<16xi32>
      %get3A_1164 = arith.constant 43 : i32
      %get3A_1165 = arith.index_cast %get3A_1164 : i32 to index
      %get3A_1166 = arith.index_cast %mul3A_12 : i32 to index
      %get3A_1167 = tpu.vector_load %arg5[%get3A_1165, %get3A_1166] {strides = array<i32>} : memref<64x256xf32, #tpu.memory_space<vmem>>, vector<1x16xf32>,
      %get3A_1168 = vector.shape_cast %get3A_1167 : vector<1x16xf32> to vector<16xf32>
      %broadcast_in_dim3A_1169 = arith.constant 43 : i32
      %broadcast_in_dim3A_1170 = vector.broadcast %broadcast_in_dim3A_1169 : i32 to vector<16xi32>
      %gt3A_1171 = arith.cmpf ogt, %get3A_1168, %select_n3A_1162 : vector<16xf32>
      %ne3A_1172 = arith.cmpi ne, %select_n3A_645, %broadcast_in_dim3A_1170 : vector<16xi32>
      %and3A_1173 = arith.andi %gt3A_1171, %ne3A_1172 : vector<16xi1>
      %select_n3A_1174 = arith.select %and3A_1173, %get3A_1168, %select_n3A_1162 : vector<16xi1>, vector<16xf32>
      %select_n3A_1175 = arith.select %and3A_1173, %broadcast_in_dim3A_1170, %select_n3A_1163 : vector<16xi1>, vector<16xi32>
      %get3A_1176 = arith.constant 44 : i32
      %get3A_1177 = arith.index_cast %get3A_1176 : i32 to index
      %get3A_1178 = arith.index_cast %mul3A_12 : i32 to index
      %get3A_1179 = tpu.vector_load %arg5[%get3A_1177, %get3A_1178] {strides = array<i32>} : memref<64x256xf32, #tpu.memory_space<vmem>>, vector<1x16xf32>,
      %get3A_1180 = vector.shape_cast %get3A_1179 : vector<1x16xf32> to vector<16xf32>
      %broadcast_in_dim3A_1181 = arith.constant 44 : i32
      %broadcast_in_dim3A_1182 = vector.broadcast %broadcast_in_dim3A_1181 : i32 to vector<16xi32>
      %gt3A_1183 = arith.cmpf ogt, %get3A_1180, %select_n3A_1174 : vector<16xf32>
      %ne3A_1184 = arith.cmpi ne, %select_n3A_645, %broadcast_in_dim3A_1182 : vector<16xi32>
      %and3A_1185 = arith.andi %gt3A_1183, %ne3A_1184 : vector<16xi1>
      %select_n3A_1186 = arith.select %and3A_1185, %get3A_1180, %select_n3A_1174 : vector<16xi1>, vector<16xf32>
      %select_n3A_1187 = arith.select %and3A_1185, %broadcast_in_dim3A_1182, %select_n3A_1175 : vector<16xi1>, vector<16xi32>
      %get3A_1188 = arith.constant 45 : i32
      %get3A_1189 = arith.index_cast %get3A_1188 : i32 to index
      %get3A_1190 = arith.index_cast %mul3A_12 : i32 to index
      %get3A_1191 = tpu.vector_load %arg5[%get3A_1189, %get3A_1190] {strides = array<i32>} : memref<64x256xf32, #tpu.memory_space<vmem>>, vector<1x16xf32>,
      %get3A_1192 = vector.shape_cast %get3A_1191 : vector<1x16xf32> to vector<16xf32>
      %broadcast_in_dim3A_1193 = arith.constant 45 : i32
      %broadcast_in_dim3A_1194 = vector.broadcast %broadcast_in_dim3A_1193 : i32 to vector<16xi32>
      %gt3A_1195 = arith.cmpf ogt, %get3A_1192, %select_n3A_1186 : vector<16xf32>
      %ne3A_1196 = arith.cmpi ne, %select_n3A_645, %broadcast_in_dim3A_1194 : vector<16xi32>
      %and3A_1197 = arith.andi %gt3A_1195, %ne3A_1196 : vector<16xi1>
      %select_n3A_1198 = arith.select %and3A_1197, %get3A_1192, %select_n3A_1186 : vector<16xi1>, vector<16xf32>
      %select_n3A_1199 = arith.select %and3A_1197, %broadcast_in_dim3A_1194, %select_n3A_1187 : vector<16xi1>, vector<16xi32>
      %get3A_1200 = arith.constant 46 : i32
      %get3A_1201 = arith.index_cast %get3A_1200 : i32 to index
      %get3A_1202 = arith.index_cast %mul3A_12 : i32 to index
      %get3A_1203 = tpu.vector_load %arg5[%get3A_1201, %get3A_1202] {strides = array<i32>} : memref<64x256xf32, #tpu.memory_space<vmem>>, vector<1x16xf32>,
      %get3A_1204 = vector.shape_cast %get3A_1203 : vector<1x16xf32> to vector<16xf32>
      %broadcast_in_dim3A_1205 = arith.constant 46 : i32
      %broadcast_in_dim3A_1206 = vector.broadcast %broadcast_in_dim3A_1205 : i32 to vector<16xi32>
      %gt3A_1207 = arith.cmpf ogt, %get3A_1204, %select_n3A_1198 : vector<16xf32>
      %ne3A_1208 = arith.cmpi ne, %select_n3A_645, %broadcast_in_dim3A_1206 : vector<16xi32>
      %and3A_1209 = arith.andi %gt3A_1207, %ne3A_1208 : vector<16xi1>
      %select_n3A_1210 = arith.select %and3A_1209, %get3A_1204, %select_n3A_1198 : vector<16xi1>, vector<16xf32>
      %select_n3A_1211 = arith.select %and3A_1209, %broadcast_in_dim3A_1206, %select_n3A_1199 : vector<16xi1>, vector<16xi32>
      %get3A_1212 = arith.constant 47 : i32
      %get3A_1213 = arith.index_cast %get3A_1212 : i32 to index
      %get3A_1214 = arith.index_cast %mul3A_12 : i32 to index
      %get3A_1215 = tpu.vector_load %arg5[%get3A_1213, %get3A_1214] {strides = array<i32>} : memref<64x256xf32, #tpu.memory_space<vmem>>, vector<1x16xf32>,
      %get3A_1216 = vector.shape_cast %get3A_1215 : vector<1x16xf32> to vector<16xf32>
      %broadcast_in_dim3A_1217 = arith.constant 47 : i32
      %broadcast_in_dim3A_1218 = vector.broadcast %broadcast_in_dim3A_1217 : i32 to vector<16xi32>
      %gt3A_1219 = arith.cmpf ogt, %get3A_1216, %select_n3A_1210 : vector<16xf32>
      %ne3A_1220 = arith.cmpi ne, %select_n3A_645, %broadcast_in_dim3A_1218 : vector<16xi32>
      %and3A_1221 = arith.andi %gt3A_1219, %ne3A_1220 : vector<16xi1>
      %select_n3A_1222 = arith.select %and3A_1221, %get3A_1216, %select_n3A_1210 : vector<16xi1>, vector<16xf32>
      %select_n3A_1223 = arith.select %and3A_1221, %broadcast_in_dim3A_1218, %select_n3A_1211 : vector<16xi1>, vector<16xi32>
      %get3A_1224 = arith.constant 48 : i32
      %get3A_1225 = arith.index_cast %get3A_1224 : i32 to index
      %get3A_1226 = arith.index_cast %mul3A_12 : i32 to index
      %get3A_1227 = tpu.vector_load %arg5[%get3A_1225, %get3A_1226] {strides = array<i32>} : memref<64x256xf32, #tpu.memory_space<vmem>>, vector<1x16xf32>,
      %get3A_1228 = vector.shape_cast %get3A_1227 : vector<1x16xf32> to vector<16xf32>
      %broadcast_in_dim3A_1229 = arith.constant 48 : i32
      %broadcast_in_dim3A_1230 = vector.broadcast %broadcast_in_dim3A_1229 : i32 to vector<16xi32>
      %gt3A_1231 = arith.cmpf ogt, %get3A_1228, %select_n3A_1222 : vector<16xf32>
      %ne3A_1232 = arith.cmpi ne, %select_n3A_645, %broadcast_in_dim3A_1230 : vector<16xi32>
      %and3A_1233 = arith.andi %gt3A_1231, %ne3A_1232 : vector<16xi1>
      %select_n3A_1234 = arith.select %and3A_1233, %get3A_1228, %select_n3A_1222 : vector<16xi1>, vector<16xf32>
      %select_n3A_1235 = arith.select %and3A_1233, %broadcast_in_dim3A_1230, %select_n3A_1223 : vector<16xi1>, vector<16xi32>
      %get3A_1236 = arith.constant 49 : i32
      %get3A_1237 = arith.index_cast %get3A_1236 : i32 to index
      %get3A_1238 = arith.index_cast %mul3A_12 : i32 to index
      %get3A_1239 = tpu.vector_load %arg5[%get3A_1237, %get3A_1238] {strides = array<i32>} : memref<64x256xf32, #tpu.memory_space<vmem>>, vector<1x16xf32>,
      %get3A_1240 = vector.shape_cast %get3A_1239 : vector<1x16xf32> to vector<16xf32>
      %broadcast_in_dim3A_1241 = arith.constant 49 : i32
      %broadcast_in_dim3A_1242 = vector.broadcast %broadcast_in_dim3A_1241 : i32 to vector<16xi32>
      %gt3A_1243 = arith.cmpf ogt, %get3A_1240, %select_n3A_1234 : vector<16xf32>
      %ne3A_1244 = arith.cmpi ne, %select_n3A_645, %broadcast_in_dim3A_1242 : vector<16xi32>
      %and3A_1245 = arith.andi %gt3A_1243, %ne3A_1244 : vector<16xi1>
      %select_n3A_1246 = arith.select %and3A_1245, %get3A_1240, %select_n3A_1234 : vector<16xi1>, vector<16xf32>
      %select_n3A_1247 = arith.select %and3A_1245, %broadcast_in_dim3A_1242, %select_n3A_1235 : vector<16xi1>, vector<16xi32>
      %get3A_1248 = arith.constant 50 : i32
      %get3A_1249 = arith.index_cast %get3A_1248 : i32 to index
      %get3A_1250 = arith.index_cast %mul3A_12 : i32 to index
      %get3A_1251 = tpu.vector_load %arg5[%get3A_1249, %get3A_1250] {strides = array<i32>} : memref<64x256xf32, #tpu.memory_space<vmem>>, vector<1x16xf32>,
      %get3A_1252 = vector.shape_cast %get3A_1251 : vector<1x16xf32> to vector<16xf32>
      %broadcast_in_dim3A_1253 = arith.constant 50 : i32
      %broadcast_in_dim3A_1254 = vector.broadcast %broadcast_in_dim3A_1253 : i32 to vector<16xi32>
      %gt3A_1255 = arith.cmpf ogt, %get3A_1252, %select_n3A_1246 : vector<16xf32>
      %ne3A_1256 = arith.cmpi ne, %select_n3A_645, %broadcast_in_dim3A_1254 : vector<16xi32>
      %and3A_1257 = arith.andi %gt3A_1255, %ne3A_1256 : vector<16xi1>
      %select_n3A_1258 = arith.select %and3A_1257, %get3A_1252, %select_n3A_1246 : vector<16xi1>, vector<16xf32>
      %select_n3A_1259 = arith.select %and3A_1257, %broadcast_in_dim3A_1254, %select_n3A_1247 : vector<16xi1>, vector<16xi32>
      %get3A_1260 = arith.constant 51 : i32
      %get3A_1261 = arith.index_cast %get3A_1260 : i32 to index
      %get3A_1262 = arith.index_cast %mul3A_12 : i32 to index
      %get3A_1263 = tpu.vector_load %arg5[%get3A_1261, %get3A_1262] {strides = array<i32>} : memref<64x256xf32, #tpu.memory_space<vmem>>, vector<1x16xf32>,
      %get3A_1264 = vector.shape_cast %get3A_1263 : vector<1x16xf32> to vector<16xf32>
      %broadcast_in_dim3A_1265 = arith.constant 51 : i32
      %broadcast_in_dim3A_1266 = vector.broadcast %broadcast_in_dim3A_1265 : i32 to vector<16xi32>
      %gt3A_1267 = arith.cmpf ogt, %get3A_1264, %select_n3A_1258 : vector<16xf32>
      %ne3A_1268 = arith.cmpi ne, %select_n3A_645, %broadcast_in_dim3A_1266 : vector<16xi32>
      %and3A_1269 = arith.andi %gt3A_1267, %ne3A_1268 : vector<16xi1>
      %select_n3A_1270 = arith.select %and3A_1269, %get3A_1264, %select_n3A_1258 : vector<16xi1>, vector<16xf32>
      %select_n3A_1271 = arith.select %and3A_1269, %broadcast_in_dim3A_1266, %select_n3A_1259 : vector<16xi1>, vector<16xi32>
      %get3A_1272 = arith.constant 52 : i32
      %get3A_1273 = arith.index_cast %get3A_1272 : i32 to index
      %get3A_1274 = arith.index_cast %mul3A_12 : i32 to index
      %get3A_1275 = tpu.vector_load %arg5[%get3A_1273, %get3A_1274] {strides = array<i32>} : memref<64x256xf32, #tpu.memory_space<vmem>>, vector<1x16xf32>,
      %get3A_1276 = vector.shape_cast %get3A_1275 : vector<1x16xf32> to vector<16xf32>
      %broadcast_in_dim3A_1277 = arith.constant 52 : i32
      %broadcast_in_dim3A_1278 = vector.broadcast %broadcast_in_dim3A_1277 : i32 to vector<16xi32>
      %gt3A_1279 = arith.cmpf ogt, %get3A_1276, %select_n3A_1270 : vector<16xf32>
      %ne3A_1280 = arith.cmpi ne, %select_n3A_645, %broadcast_in_dim3A_1278 : vector<16xi32>
      %and3A_1281 = arith.andi %gt3A_1279, %ne3A_1280 : vector<16xi1>
      %select_n3A_1282 = arith.select %and3A_1281, %get3A_1276, %select_n3A_1270 : vector<16xi1>, vector<16xf32>
      %select_n3A_1283 = arith.select %and3A_1281, %broadcast_in_dim3A_1278, %select_n3A_1271 : vector<16xi1>, vector<16xi32>
      %get3A_1284 = arith.constant 53 : i32
      %get3A_1285 = arith.index_cast %get3A_1284 : i32 to index
      %get3A_1286 = arith.index_cast %mul3A_12 : i32 to index
      %get3A_1287 = tpu.vector_load %arg5[%get3A_1285, %get3A_1286] {strides = array<i32>} : memref<64x256xf32, #tpu.memory_space<vmem>>, vector<1x16xf32>,
      %get3A_1288 = vector.shape_cast %get3A_1287 : vector<1x16xf32> to vector<16xf32>
      %broadcast_in_dim3A_1289 = arith.constant 53 : i32
      %broadcast_in_dim3A_1290 = vector.broadcast %broadcast_in_dim3A_1289 : i32 to vector<16xi32>
      %gt3A_1291 = arith.cmpf ogt, %get3A_1288, %select_n3A_1282 : vector<16xf32>
      %ne3A_1292 = arith.cmpi ne, %select_n3A_645, %broadcast_in_dim3A_1290 : vector<16xi32>
      %and3A_1293 = arith.andi %gt3A_1291, %ne3A_1292 : vector<16xi1>
      %select_n3A_1294 = arith.select %and3A_1293, %get3A_1288, %select_n3A_1282 : vector<16xi1>, vector<16xf32>
      %select_n3A_1295 = arith.select %and3A_1293, %broadcast_in_dim3A_1290, %select_n3A_1283 : vector<16xi1>, vector<16xi32>
      %get3A_1296 = arith.constant 54 : i32
      %get3A_1297 = arith.index_cast %get3A_1296 : i32 to index
      %get3A_1298 = arith.index_cast %mul3A_12 : i32 to index
      %get3A_1299 = tpu.vector_load %arg5[%get3A_1297, %get3A_1298] {strides = array<i32>} : memref<64x256xf32, #tpu.memory_space<vmem>>, vector<1x16xf32>,
      %get3A_1300 = vector.shape_cast %get3A_1299 : vector<1x16xf32> to vector<16xf32>
      %broadcast_in_dim3A_1301 = arith.constant 54 : i32
      %broadcast_in_dim3A_1302 = vector.broadcast %broadcast_in_dim3A_1301 : i32 to vector<16xi32>
      %gt3A_1303 = arith.cmpf ogt, %get3A_1300, %select_n3A_1294 : vector<16xf32>
      %ne3A_1304 = arith.cmpi ne, %select_n3A_645, %broadcast_in_dim3A_1302 : vector<16xi32>
      %and3A_1305 = arith.andi %gt3A_1303, %ne3A_1304 : vector<16xi1>
      %select_n3A_1306 = arith.select %and3A_1305, %get3A_1300, %select_n3A_1294 : vector<16xi1>, vector<16xf32>
      %select_n3A_1307 = arith.select %and3A_1305, %broadcast_in_dim3A_1302, %select_n3A_1295 : vector<16xi1>, vector<16xi32>
      %get3A_1308 = arith.constant 55 : i32
      %get3A_1309 = arith.index_cast %get3A_1308 : i32 to index
      %get3A_1310 = arith.index_cast %mul3A_12 : i32 to index
      %get3A_1311 = tpu.vector_load %arg5[%get3A_1309, %get3A_1310] {strides = array<i32>} : memref<64x256xf32, #tpu.memory_space<vmem>>, vector<1x16xf32>,
      %get3A_1312 = vector.shape_cast %get3A_1311 : vector<1x16xf32> to vector<16xf32>
      %broadcast_in_dim3A_1313 = arith.constant 55 : i32
      %broadcast_in_dim3A_1314 = vector.broadcast %broadcast_in_dim3A_1313 : i32 to vector<16xi32>
      %gt3A_1315 = arith.cmpf ogt, %get3A_1312, %select_n3A_1306 : vector<16xf32>
      %ne3A_1316 = arith.cmpi ne, %select_n3A_645, %broadcast_in_dim3A_1314 : vector<16xi32>
      %and3A_1317 = arith.andi %gt3A_1315, %ne3A_1316 : vector<16xi1>
      %select_n3A_1318 = arith.select %and3A_1317, %get3A_1312, %select_n3A_1306 : vector<16xi1>, vector<16xf32>
      %select_n3A_1319 = arith.select %and3A_1317, %broadcast_in_dim3A_1314, %select_n3A_1307 : vector<16xi1>, vector<16xi32>
      %get3A_1320 = arith.constant 56 : i32
      %get3A_1321 = arith.index_cast %get3A_1320 : i32 to index
      %get3A_1322 = arith.index_cast %mul3A_12 : i32 to index
      %get3A_1323 = tpu.vector_load %arg5[%get3A_1321, %get3A_1322] {strides = array<i32>} : memref<64x256xf32, #tpu.memory_space<vmem>>, vector<1x16xf32>,
      %get3A_1324 = vector.shape_cast %get3A_1323 : vector<1x16xf32> to vector<16xf32>
      %broadcast_in_dim3A_1325 = arith.constant 56 : i32
      %broadcast_in_dim3A_1326 = vector.broadcast %broadcast_in_dim3A_1325 : i32 to vector<16xi32>
      %gt3A_1327 = arith.cmpf ogt, %get3A_1324, %select_n3A_1318 : vector<16xf32>
      %ne3A_1328 = arith.cmpi ne, %select_n3A_645, %broadcast_in_dim3A_1326 : vector<16xi32>
      %and3A_1329 = arith.andi %gt3A_1327, %ne3A_1328 : vector<16xi1>
      %select_n3A_1330 = arith.select %and3A_1329, %get3A_1324, %select_n3A_1318 : vector<16xi1>, vector<16xf32>
      %select_n3A_1331 = arith.select %and3A_1329, %broadcast_in_dim3A_1326, %select_n3A_1319 : vector<16xi1>, vector<16xi32>
      %get3A_1332 = arith.constant 57 : i32
      %get3A_1333 = arith.index_cast %get3A_1332 : i32 to index
      %get3A_1334 = arith.index_cast %mul3A_12 : i32 to index
      %get3A_1335 = tpu.vector_load %arg5[%get3A_1333, %get3A_1334] {strides = array<i32>} : memref<64x256xf32, #tpu.memory_space<vmem>>, vector<1x16xf32>,
      %get3A_1336 = vector.shape_cast %get3A_1335 : vector<1x16xf32> to vector<16xf32>
      %broadcast_in_dim3A_1337 = arith.constant 57 : i32
      %broadcast_in_dim3A_1338 = vector.broadcast %broadcast_in_dim3A_1337 : i32 to vector<16xi32>
      %gt3A_1339 = arith.cmpf ogt, %get3A_1336, %select_n3A_1330 : vector<16xf32>
      %ne3A_1340 = arith.cmpi ne, %select_n3A_645, %broadcast_in_dim3A_1338 : vector<16xi32>
      %and3A_1341 = arith.andi %gt3A_1339, %ne3A_1340 : vector<16xi1>
      %select_n3A_1342 = arith.select %and3A_1341, %get3A_1336, %select_n3A_1330 : vector<16xi1>, vector<16xf32>
      %select_n3A_1343 = arith.select %and3A_1341, %broadcast_in_dim3A_1338, %select_n3A_1331 : vector<16xi1>, vector<16xi32>
      %get3A_1344 = arith.constant 58 : i32
      %get3A_1345 = arith.index_cast %get3A_1344 : i32 to index
      %get3A_1346 = arith.index_cast %mul3A_12 : i32 to index
      %get3A_1347 = tpu.vector_load %arg5[%get3A_1345, %get3A_1346] {strides = array<i32>} : memref<64x256xf32, #tpu.memory_space<vmem>>, vector<1x16xf32>,
      %get3A_1348 = vector.shape_cast %get3A_1347 : vector<1x16xf32> to vector<16xf32>
      %broadcast_in_dim3A_1349 = arith.constant 58 : i32
      %broadcast_in_dim3A_1350 = vector.broadcast %broadcast_in_dim3A_1349 : i32 to vector<16xi32>
      %gt3A_1351 = arith.cmpf ogt, %get3A_1348, %select_n3A_1342 : vector<16xf32>
      %ne3A_1352 = arith.cmpi ne, %select_n3A_645, %broadcast_in_dim3A_1350 : vector<16xi32>
      %and3A_1353 = arith.andi %gt3A_1351, %ne3A_1352 : vector<16xi1>
      %select_n3A_1354 = arith.select %and3A_1353, %get3A_1348, %select_n3A_1342 : vector<16xi1>, vector<16xf32>
      %select_n3A_1355 = arith.select %and3A_1353, %broadcast_in_dim3A_1350, %select_n3A_1343 : vector<16xi1>, vector<16xi32>
      %get3A_1356 = arith.constant 59 : i32
      %get3A_1357 = arith.index_cast %get3A_1356 : i32 to index
      %get3A_1358 = arith.index_cast %mul3A_12 : i32 to index
      %get3A_1359 = tpu.vector_load %arg5[%get3A_1357, %get3A_1358] {strides = array<i32>} : memref<64x256xf32, #tpu.memory_space<vmem>>, vector<1x16xf32>,
      %get3A_1360 = vector.shape_cast %get3A_1359 : vector<1x16xf32> to vector<16xf32>
      %broadcast_in_dim3A_1361 = arith.constant 59 : i32
      %broadcast_in_dim3A_1362 = vector.broadcast %broadcast_in_dim3A_1361 : i32 to vector<16xi32>
      %gt3A_1363 = arith.cmpf ogt, %get3A_1360, %select_n3A_1354 : vector<16xf32>
      %ne3A_1364 = arith.cmpi ne, %select_n3A_645, %broadcast_in_dim3A_1362 : vector<16xi32>
      %and3A_1365 = arith.andi %gt3A_1363, %ne3A_1364 : vector<16xi1>
      %select_n3A_1366 = arith.select %and3A_1365, %get3A_1360, %select_n3A_1354 : vector<16xi1>, vector<16xf32>
      %select_n3A_1367 = arith.select %and3A_1365, %broadcast_in_dim3A_1362, %select_n3A_1355 : vector<16xi1>, vector<16xi32>
      %get3A_1368 = arith.constant 60 : i32
      %get3A_1369 = arith.index_cast %get3A_1368 : i32 to index
      %get3A_1370 = arith.index_cast %mul3A_12 : i32 to index
      %get3A_1371 = tpu.vector_load %arg5[%get3A_1369, %get3A_1370] {strides = array<i32>} : memref<64x256xf32, #tpu.memory_space<vmem>>, vector<1x16xf32>,
      %get3A_1372 = vector.shape_cast %get3A_1371 : vector<1x16xf32> to vector<16xf32>
      %broadcast_in_dim3A_1373 = arith.constant 60 : i32
      %broadcast_in_dim3A_1374 = vector.broadcast %broadcast_in_dim3A_1373 : i32 to vector<16xi32>
      %gt3A_1375 = arith.cmpf ogt, %get3A_1372, %select_n3A_1366 : vector<16xf32>
      %ne3A_1376 = arith.cmpi ne, %select_n3A_645, %broadcast_in_dim3A_1374 : vector<16xi32>
      %and3A_1377 = arith.andi %gt3A_1375, %ne3A_1376 : vector<16xi1>
      %select_n3A_1378 = arith.select %and3A_1377, %get3A_1372, %select_n3A_1366 : vector<16xi1>, vector<16xf32>
      %select_n3A_1379 = arith.select %and3A_1377, %broadcast_in_dim3A_1374, %select_n3A_1367 : vector<16xi1>, vector<16xi32>
      %get3A_1380 = arith.constant 61 : i32
      %get3A_1381 = arith.index_cast %get3A_1380 : i32 to index
      %get3A_1382 = arith.index_cast %mul3A_12 : i32 to index
      %get3A_1383 = tpu.vector_load %arg5[%get3A_1381, %get3A_1382] {strides = array<i32>} : memref<64x256xf32, #tpu.memory_space<vmem>>, vector<1x16xf32>,
      %get3A_1384 = vector.shape_cast %get3A_1383 : vector<1x16xf32> to vector<16xf32>
      %broadcast_in_dim3A_1385 = arith.constant 61 : i32
      %broadcast_in_dim3A_1386 = vector.broadcast %broadcast_in_dim3A_1385 : i32 to vector<16xi32>
      %gt3A_1387 = arith.cmpf ogt, %get3A_1384, %select_n3A_1378 : vector<16xf32>
      %ne3A_1388 = arith.cmpi ne, %select_n3A_645, %broadcast_in_dim3A_1386 : vector<16xi32>
      %and3A_1389 = arith.andi %gt3A_1387, %ne3A_1388 : vector<16xi1>
      %select_n3A_1390 = arith.select %and3A_1389, %get3A_1384, %select_n3A_1378 : vector<16xi1>, vector<16xf32>
      %select_n3A_1391 = arith.select %and3A_1389, %broadcast_in_dim3A_1386, %select_n3A_1379 : vector<16xi1>, vector<16xi32>
      %get3A_1392 = arith.constant 62 : i32
      %get3A_1393 = arith.index_cast %get3A_1392 : i32 to index
      %get3A_1394 = arith.index_cast %mul3A_12 : i32 to index
      %get3A_1395 = tpu.vector_load %arg5[%get3A_1393, %get3A_1394] {strides = array<i32>} : memref<64x256xf32, #tpu.memory_space<vmem>>, vector<1x16xf32>,
      %get3A_1396 = vector.shape_cast %get3A_1395 : vector<1x16xf32> to vector<16xf32>
      %broadcast_in_dim3A_1397 = arith.constant 62 : i32
      %broadcast_in_dim3A_1398 = vector.broadcast %broadcast_in_dim3A_1397 : i32 to vector<16xi32>
      %gt3A_1399 = arith.cmpf ogt, %get3A_1396, %select_n3A_1390 : vector<16xf32>
      %ne3A_1400 = arith.cmpi ne, %select_n3A_645, %broadcast_in_dim3A_1398 : vector<16xi32>
      %and3A_1401 = arith.andi %gt3A_1399, %ne3A_1400 : vector<16xi1>
      %select_n3A_1402 = arith.select %and3A_1401, %get3A_1396, %select_n3A_1390 : vector<16xi1>, vector<16xf32>
      %select_n3A_1403 = arith.select %and3A_1401, %broadcast_in_dim3A_1398, %select_n3A_1391 : vector<16xi1>, vector<16xi32>
      %get3A_1404 = arith.constant 63 : i32
      %get3A_1405 = arith.index_cast %get3A_1404 : i32 to index
      %get3A_1406 = arith.index_cast %mul3A_12 : i32 to index
      %get3A_1407 = tpu.vector_load %arg5[%get3A_1405, %get3A_1406] {strides = array<i32>} : memref<64x256xf32, #tpu.memory_space<vmem>>, vector<1x16xf32>,
      %get3A_1408 = vector.shape_cast %get3A_1407 : vector<1x16xf32> to vector<16xf32>
      %broadcast_in_dim3A_1409 = arith.constant 63 : i32
      %broadcast_in_dim3A_1410 = vector.broadcast %broadcast_in_dim3A_1409 : i32 to vector<16xi32>
      %gt3A_1411 = arith.cmpf ogt, %get3A_1408, %select_n3A_1402 : vector<16xf32>
      %ne3A_1412 = arith.cmpi ne, %select_n3A_645, %broadcast_in_dim3A_1410 : vector<16xi32>
      %and3A_1413 = arith.andi %gt3A_1411, %ne3A_1412 : vector<16xi1>
      %select_n3A_1414 = arith.select %and3A_1413, %get3A_1408, %select_n3A_1402 : vector<16xi1>, vector<16xf32>
      %select_n3A_1415 = arith.select %and3A_1413, %broadcast_in_dim3A_1410, %select_n3A_1403 : vector<16xi1>, vector<16xi32>
      %sub3A = arith.subf %select_n3A_1414, %select_n3A_642 : vector<16xf32>
      %exp3A = math.exp %sub3A : vector<16xf32>
      %add3A_1416 = arith.constant 1.000000e+00 : f32
      %add3A_1417 = vector.broadcast %add3A_1416 : f32 to vector<16xf32>
      %add3A_1418 = arith.addf %add3A_1417, %exp3A : vector<16xf32>
      %div3A = arith.constant 1.000000e+00 : f32
      %div3A_1419 = vector.broadcast %div3A : f32 to vector<16xf32>
      %div3A_1420 = arith.divf %div3A_1419, %add3A_1418 : vector<16xf32>
      %swap3A = arith.constant 0 : i32
      %swap3A_1421 = arith.index_cast %swap3A : i32 to index
      %swap3A_1422 = arith.index_cast %mul3A_12 : i32 to index
      %swap3A_1423 = tpu.vector_load %arg6[%swap3A_1421, %swap3A_1422] {strides = array<i32>} : memref<2x256xf32, #tpu.memory_space<vmem>>, vector<1x16xf32>,
      %swap3A_1424 = vector.shape_cast %swap3A_1423 : vector<1x16xf32> to vector<16xf32>
      %swap3A_1425 = vector.shape_cast %div3A_1420 : vector<16xf32> to vector<1x16xf32>
      tpu.vector_store %arg6[%swap3A_1421, %swap3A_1422], %swap3A_1425 {strides = array<i32>} : memref<2x256xf32, #tpu.memory_space<vmem>>, vector<1x16xf32>,
      %sub3A_1426 = arith.constant 1.000000e+00 : f32
      %sub3A_1427 = vector.broadcast %sub3A_1426 : f32 to vector<16xf32>
      %sub3A_1428 = arith.subf %sub3A_1427, %div3A_1420 : vector<16xf32>
      %swap3A_1429 = arith.constant 1 : i32
      %swap3A_1430 = arith.index_cast %swap3A_1429 : i32 to index
      %swap3A_1431 = arith.index_cast %mul3A_12 : i32 to index
      %swap3A_1432 = tpu.vector_load %arg6[%swap3A_1430, %swap3A_1431] {strides = array<i32>} : memref<2x256xf32, #tpu.memory_space<vmem>>, vector<1x16xf32>,
      %swap3A_1433 = vector.shape_cast %swap3A_1432 : vector<1x16xf32> to vector<16xf32>
      %swap3A_1434 = vector.shape_cast %sub3A_1428 : vector<16xf32> to vector<1x16xf32>
      tpu.vector_store %arg6[%swap3A_1430, %swap3A_1431], %swap3A_1434 {strides = array<i32>} : memref<2x256xf32, #tpu.memory_space<vmem>>, vector<1x16xf32>,
      %swap3A_1435 = arith.constant 0 : i32
      %swap3A_1436 = arith.index_cast %swap3A_1435 : i32 to index
      %swap3A_1437 = arith.index_cast %mul3A_12 : i32 to index
      %swap3A_1438 = tpu.vector_load %arg7[%swap3A_1436, %swap3A_1437] {strides = array<i32>} : memref<2x256xi32, #tpu.memory_space<vmem>>, vector<1x16xi32>,
      %swap3A_1439 = vector.shape_cast %swap3A_1438 : vector<1x16xi32> to vector<16xi32>
      %swap3A_1440 = vector.shape_cast %select_n3A_645 : vector<16xi32> to vector<1x16xi32>
      tpu.vector_store %arg7[%swap3A_1436, %swap3A_1437], %swap3A_1440 {strides = array<i32>} : memref<2x256xi32, #tpu.memory_space<vmem>>, vector<1x16xi32>,
      %swap3A_1441 = arith.constant 1 : i32
      %swap3A_1442 = arith.index_cast %swap3A_1441 : i32 to index
      %swap3A_1443 = arith.index_cast %mul3A_12 : i32 to index
      %swap3A_1444 = tpu.vector_load %arg7[%swap3A_1442, %swap3A_1443] {strides = array<i32>} : memref<2x256xi32, #tpu.memory_space<vmem>>, vector<1x16xi32>,
      %swap3A_1445 = vector.shape_cast %swap3A_1444 : vector<1x16xi32> to vector<16xi32>
      %swap3A_1446 = vector.shape_cast %select_n3A_1415 : vector<16xi32> to vector<1x16xi32>
      tpu.vector_store %arg7[%swap3A_1442, %swap3A_1443], %swap3A_1446 {strides = array<i32>} : memref<2x256xi32, #tpu.memory_space<vmem>>, vector<1x16xi32>,
      %scan3A_1447 = arith.constant 0 : i32
      scf.yield %scan3A_1447 : i32
    }
    %scan3A_8 = arith.constant 16 : i32
    "tpu.region"() ({
      %run_scoped3A = tpu.sem_alloc : memref<!tpu.dma_semaphore, #tpu.memory_space<semaphore_mem>>
      %dma_start3A = arith.constant 0 : i32
      %dma_start3A_9 = tpu.memref_slice %arg3[%dma_start3A, %mul3A_2] : memref<2x8192xf32, #tpu.memory_space<hbm>> -> memref<2x256xf32, #tpu.memory_space<hbm>>
      %dma_start3A_10 = arith.constant 0 : i32
      %dma_start3A_11 = tpu.memref_slice %arg3[%dma_start3A_10, %mul3A_2] : memref<2x8192xf32, #tpu.memory_space<hbm>> -> memref<2x256xf32, #tpu.memory_space<hbm>>
      tpu.enqueue_dma source(%arg6 : memref<2x256xf32, #tpu.memory_space<vmem>>) target(%dma_start3A_11 : memref<2x256xf32, #tpu.memory_space<hbm>>) target_semaphore(%run_scoped3A : memref<!tpu.dma_semaphore, #tpu.memory_space<semaphore_mem>>)
      %dma_wait3A = arith.constant 0 : i32
      %dma_wait3A_12 = tpu.memref_slice %arg3[%dma_wait3A, %mul3A_2] : memref<2x8192xf32, #tpu.memory_space<hbm>> -> memref<2x256xf32, #tpu.memory_space<hbm>>
      %dma_wait3A_13 = arith.constant 0 : i32
      %dma_wait3A_14 = tpu.memref_slice %arg3[%dma_wait3A_13, %mul3A_2] : memref<2x8192xf32, #tpu.memory_space<hbm>> -> memref<2x256xf32, #tpu.memory_space<hbm>>
      tpu.wait_dma2 semaphore(%run_scoped3A : memref<!tpu.dma_semaphore, #tpu.memory_space<semaphore_mem>>) src(%arg6 : memref<2x256xf32, #tpu.memory_space<vmem>>) dst(%dma_wait3A_14 : memref<2x256xf32, #tpu.memory_space<hbm>>)
      tpu.yield
    }) : () -> ()
    "tpu.region"() ({
      %run_scoped3A = tpu.sem_alloc : memref<!tpu.dma_semaphore, #tpu.memory_space<semaphore_mem>>
      %dma_start3A = arith.constant 0 : i32
      %dma_start3A_9 = tpu.memref_slice %arg4[%dma_start3A, %mul3A_2] : memref<2x8192xi32, #tpu.memory_space<hbm>> -> memref<2x256xi32, #tpu.memory_space<hbm>>
      %dma_start3A_10 = arith.constant 0 : i32
      %dma_start3A_11 = tpu.memref_slice %arg4[%dma_start3A_10, %mul3A_2] : memref<2x8192xi32, #tpu.memory_space<hbm>> -> memref<2x256xi32, #tpu.memory_space<hbm>>
      tpu.enqueue_dma source(%arg7 : memref<2x256xi32, #tpu.memory_space<vmem>>) target(%dma_start3A_11 : memref<2x256xi32, #tpu.memory_space<hbm>>) target_semaphore(%run_scoped3A : memref<!tpu.dma_semaphore, #tpu.memory_space<semaphore_mem>>)
      %dma_wait3A = arith.constant 0 : i32
      %dma_wait3A_12 = tpu.memref_slice %arg4[%dma_wait3A, %mul3A_2] : memref<2x8192xi32, #tpu.memory_space<hbm>> -> memref<2x256xi32, #tpu.memory_space<hbm>>
      %dma_wait3A_13 = arith.constant 0 : i32
      %dma_wait3A_14 = tpu.memref_slice %arg4[%dma_wait3A_13, %mul3A_2] : memref<2x8192xi32, #tpu.memory_space<hbm>> -> memref<2x256xi32, #tpu.memory_space<hbm>>
      tpu.wait_dma2 semaphore(%run_scoped3A : memref<!tpu.dma_semaphore, #tpu.memory_space<semaphore_mem>>) src(%arg7 : memref<2x256xi32, #tpu.memory_space<vmem>>) dst(%dma_wait3A_14 : memref<2x256xi32, #tpu.memory_space<hbm>>)
      tpu.yield
    }) : () -> ()
    return
  }
}

module attributes {stable_mosaic.version = 14 : i64} {
  func.func @_logits_kernel(%arg0: i32, %arg1: memref<1024x2048xf32, #tpu.memory_space<vmem>>, %arg2: memref<2048x2048xf32, #tpu.memory_space<vmem>>, %arg3: memref<1x2048xf32, #tpu.memory_space<vmem>>, %arg4: memref<2048x64xf32, #tpu.memory_space<vmem>>, %arg5: memref<1x64xf32, #tpu.memory_space<vmem>>, %arg6: memref<64x1024xf32, #tpu.memory_space<vmem>>) attributes {dimension_semantics = [#tpu.dimension_semantics<arbitrary>], iteration_bounds = array<i64: 8>, scalar_prefetch = 0 : i64, scratch_operands = 0 : i64, tpu.core_type = #tpu.core_type<tc>, window_params = [{transform_indices = @transform_0, window_bounds = array<i64: 1024, 2048>}, {pipeline_mode = #tpu.pipeline_mode<synchronous>, transform_indices = @transform_1, window_bounds = array<i64: 2048, 2048>}, {pipeline_mode = #tpu.pipeline_mode<synchronous>, transform_indices = @transform_2, window_bounds = array<i64: 1, 2048>}, {pipeline_mode = #tpu.pipeline_mode<synchronous>, transform_indices = @transform_3, window_bounds = array<i64: 2048, 64>}, {pipeline_mode = #tpu.pipeline_mode<synchronous>, transform_indices = @transform_4, window_bounds = array<i64: 1, 64>}, {transform_indices = @transform_5, window_bounds = array<i64: 64, 1024>}]} {
    %get3A = arith.constant 0 : index
    %get3A_0 = arith.constant 0 : index
    %get3A_1 = vector.load %arg1[%get3A, %get3A_0] : memref<1024x2048xf32, #tpu.memory_space<vmem>>, vector<1024x2048xf32>
    %get3A_2 = arith.constant 0 : index
    %get3A_3 = arith.constant 0 : index
    %get3A_4 = vector.load %arg2[%get3A_2, %get3A_3] : memref<2048x2048xf32, #tpu.memory_space<vmem>>, vector<2048x2048xf32>
    %dot_general3A = arith.constant dense<0.000000e+00> : vector<1024x2048xf32>
    %dot_general3A_5 = tpu.matmul %get3A_1, %get3A_4, %dot_general3A {dimension_numbers = #tpu.dot_dimension_numbers<[1], [0], [0], [1], [0, 0, 1, 1], [], []>, transpose_lhs_hint = false} : vector<1024x2048xf32>, vector<2048x2048xf32>, vector<1024x2048xf32> -> vector<1024x2048xf32>
    %get3A_6 = arith.constant 0 : index
    %get3A_7 = arith.constant 0 : index
    %get3A_8 = vector.load %arg3[%get3A_6, %get3A_7] : memref<1x2048xf32, #tpu.memory_space<vmem>>, vector<1x2048xf32>
    %add3A = vector.broadcast %get3A_8 : vector<1x2048xf32> to vector<1024x2048xf32>
    %add3A_9 = arith.addf %dot_general3A_5, %add3A : vector<1024x2048xf32>
    %max3A = arith.constant 0.000000e+00 : f32
    %max3A_10 = vector.broadcast %max3A : f32 to vector<1024x2048xf32>
    %max3A_11 = arith.maximumf %add3A_9, %max3A_10 : vector<1024x2048xf32>
    %get3A_12 = arith.constant 0 : index
    %get3A_13 = arith.constant 0 : index
    %get3A_14 = vector.load %arg4[%get3A_12, %get3A_13] : memref<2048x64xf32, #tpu.memory_space<vmem>>, vector<2048x64xf32>
    %dot_general3A_15 = arith.constant dense<0.000000e+00> : vector<1024x64xf32>
    %dot_general3A_16 = tpu.matmul %max3A_11, %get3A_14, %dot_general3A_15 {dimension_numbers = #tpu.dot_dimension_numbers<[1], [0], [0], [1], [0, 0, 1, 1], [], []>, transpose_lhs_hint = false} : vector<1024x2048xf32>, vector<2048x64xf32>, vector<1024x64xf32> -> vector<1024x64xf32>
    %get3A_17 = arith.constant 0 : index
    %get3A_18 = arith.constant 0 : index
    %get3A_19 = vector.load %arg5[%get3A_17, %get3A_18] : memref<1x64xf32, #tpu.memory_space<vmem>>, vector<1x64xf32>
    %add3A_20 = vector.broadcast %get3A_19 : vector<1x64xf32> to vector<1024x64xf32>
    %add3A_21 = arith.addf %dot_general3A_16, %add3A_20 : vector<1024x64xf32>
    %transpose3A = tpu.transpose %add3A_21, [1, 0] : vector<1024x64xf32> -> vector<64x1024xf32>
    %swap3A = arith.constant 0 : index
    %swap3A_22 = arith.constant 0 : index
    %swap3A_23 = vector.load %arg6[%swap3A, %swap3A_22] : memref<64x1024xf32, #tpu.memory_space<vmem>>, vector<64x1024xf32>
    tpu.vector_store %arg6[%swap3A, %swap3A_22], %transpose3A {strides = array<i32>} : memref<64x1024xf32, #tpu.memory_space<vmem>>, vector<64x1024xf32>,
    return
  }
  func.func @transform_0(%arg0: i32) -> (i32, i32) {
    %c0_i32 = arith.constant 0 : i32
    %c0_i32_0 = arith.constant 0 : i32
    return %arg0, %c0_i32 : i32, i32
  }
  func.func @transform_1(%arg0: i32) -> (i32, i32) {
    %c0_i32 = arith.constant 0 : i32
    %c0_i32_0 = arith.constant 0 : i32
    %c0_i32_1 = arith.constant 0 : i32
    return %c0_i32, %c0_i32_0 : i32, i32
  }
  func.func @transform_2(%arg0: i32) -> (i32, i32) {
    %c0_i32 = arith.constant 0 : i32
    %c0_i32_0 = arith.constant 0 : i32
    %c0_i32_1 = arith.constant 0 : i32
    return %c0_i32, %c0_i32_0 : i32, i32
  }
  func.func @transform_3(%arg0: i32) -> (i32, i32) {
    %c0_i32 = arith.constant 0 : i32
    %c0_i32_0 = arith.constant 0 : i32
    %c0_i32_1 = arith.constant 0 : i32
    return %c0_i32, %c0_i32_0 : i32, i32
  }
  func.func @transform_4(%arg0: i32) -> (i32, i32) {
    %c0_i32 = arith.constant 0 : i32
    %c0_i32_0 = arith.constant 0 : i32
    %c0_i32_1 = arith.constant 0 : i32
    return %c0_i32, %c0_i32_0 : i32, i32
  }
  func.func @transform_5(%arg0: i32) -> (i32, i32) {
    %c0_i32 = arith.constant 0 : i32
    %c0_i32_0 = arith.constant 0 : i32
    return %c0_i32, %arg0 : i32, i32
  }
}

</mosaic_0001>

<sc_bundles>
// kernel: kernel.4.cloned.1.call-start
scs
__scs_entry_jumppad:
0x0: {  	(pc) =	sbr.rel $0x88, $3  }
0x1: {  	(tag) =	ssettag $0x0;
	lr =	simm.s32 $0x1  }
0x2: {  	[smem:$0x3F9C] =	sst lr;
	_ =	strace $0xD0000000  }
0x3: {  	_ = 	snop  }
0x4: {  	_ = 	snop  }
0x5: {  	_ = 	snop  }
0x6: {  	_ = 	snop  }
0x7: {  	_ = 	snop  }
__scs_overlays_trampoline_lowered:
0x8: {  	[smem:$0x3FAB] =	sst s0  }
0x9: {  	[smem:$0x3FAC] =	sst s1  }
0xa: {  	[smem:$0x3FAD] =	sst s2  }
0xb: {  	[smem:$0x3FAE] =	sst s3  }
0xc: {  	[smem:$0x3FAF] =	sst s4  }
0xd: {  	[smem:$0x3FB0] =	sst s5  }
0xe: {  	[smem:$0x3FB1] =	sst s6  }
0xf: {  	[smem:$0x3FB2] =	sst s7  }
0x10: {  	[smem:$0x3FB3] =	sst s8  }
0x11: {  	[smem:$0x3FB4] =	sst s9;
	s0 =	simm.s32 @!p0 $0x0  }
0x12: {  	s1 =	sld [smem:$0x3F9A];
	s0 =	simm.s32 @p0 $0x1  }
0x13: {  	[smem:$0x3FB5] =	sst s0;
	s0 =	simm.s32 @!p1 $0x0  }
0x14: {  	s2 =	sld [smem:$0x3F99];
	s0 =	simm.s32 @p1 $0x1  }
0x15: {  	[smem:$0x3FB6] =	sst s0;
	s0 =	simm.s32 @!p2 $0x0  }
0x16: {  	s3 =	sld [smem:$0x3FDB];
	s0 =	simm.s32 @p2 $0x1  }
0x17: {  	s4 =	simm.s32 $0x1BF5;
	[smem:$0x3FB8] =	sst s0  }
0x18: {  	s0 =	sld [smem:$0x3F9B];
	_ =	swait.ge [sflag:s4], $0x0  }
0x19: {  	s7 =	sld [smem:$0x3F9C]  }
0x1a: {  	s8 =	sadd.s32 $0xFFFFE003, lr  }
0x1b: {  	s9 =	sadd.s32 $0xFFFFFEF7, lr;
	s5 =	simm.s32 $0xFFFFFFFF;
	p2 =	slt.u32 s8, $0xFFFFF086  }
0x1c: {  	p1 =	slt.u32 s9, $0xF7A;
	s5 =	simm.s32 @!p2 $0x0  }
0x1d: {  	s5 =	simm.s32 @p1 $0x1;
	p0 =	seq.s32 s7, s2  }
0x1e: {  	s7 =	smul.u32 @!p0 $0xF7A, s2;
	p2 =	seq.s32 @!p0 s5, $0x0  }
0x1f: {  	s9 =	smul.u32 $0xF7A, s1;
	s8 =	simm.s32 @!p0 $0x1BF5;
	p2 =	por !p2, p0  }
0x20: {  	[sflag:s8] =	ssyncset.s32 @!p0 $0xFFFFF086;
	s6 =	sadd.s32 @!p0 s3, s7;
	s7 =	simm.s32 @!p0 $0x108  }
0x21: {  	s3 =	sadd.s32 s3, s9;
	s6 =	sadd.s32 @!p0 $0x88, s6;
	s7 =	simm.s32 @p2 $0x1082  }
0x22: {  	[simem:s7], [sflag:s8] =	dma.local @!p0 [hbm:s6], $0xF7A  }
0x23: {  	s9 =	sor.u32 $0xD0000000, s2;
	s6 =	simm.s32 $0x108;
	_ =	swait.ge @!p0 [sflag:s8], $0x0  }
0x24: {  	s3 =	sadd.s32 $0x88, s3;
	s6 =	simm.s32 @!p1 $0x1082;
	[sflag:s4] =	ssyncset.s32 $0xFFFFF086  }
0x25: {  	[simem:s6], [sflag:s4] =	dma.local [hbm:s3], $0xF7A  }
0x26: {  	[smem:$0x3F9C] =	sst s1;
	(tag) =	ssettag s2;
	_ =	strace s9  }
0x27: {  	s1 =	sld [smem:$0x3FAC]  }
0x28: {  	s2 =	sld [smem:$0x3FAD]  }
0x29: {  	s4 =	sld [smem:$0x3FAF]  }
0x2a: {  	p0 =	seq.s32 s5, $0x0;
	s5 =	sld [smem:$0x3FB0]  }
0x2b: {  	s6 =	sld [smem:$0x3FB1]  }
0x2c: {  	s7 =	sld [smem:$0x3FB2]  }
0x2d: {  	s3 =	simm.s32 $0x108;
	s8 =	sld [smem:$0x3FB3]  }
0x2e: {  	s3 =	simm.s32 @!p0 $0x1082;
	s9 =	sld [smem:$0x3FB4]  }
0x2f: {  	lr =	sadd.s32 s0, s3;
	s0 =	sld [smem:$0x3FAB]  }
0x30: {  	s3 =	sld [smem:$0x3FAE]  }
0x31: {  	[smem:$0x3FB7] =	sst s10  }
0x32: {  	s10 =	sld [smem:$0x3FB5];
	_ =	sdelay $0x3  }
0x33: {  	p0 =	seq.s32 s10, $0x1;
	s10 =	sld [smem:$0x3FB7];
	_ =	sdelay $0x3  }
0x34: {  	[smem:$0x3FB7] =	sst s10  }
0x35: {  	s10 =	sld [smem:$0x3FB6];
	_ =	sdelay $0x3  }
0x36: {  	p1 =	seq.s32 s10, $0x1;
	s10 =	sld [smem:$0x3FB7];
	_ =	sdelay $0x3  }
0x37: {  	[smem:$0x3FB7] =	sst s10  }
0x38: {  	s10 =	sld [smem:$0x3FB8]  }
0x39: {  	_ = 	snop;
	(pc) =	sbr.ind lr, $3  }
0x3a: {  	_ = 	snop  }
0x3b: {  	_ = 	snop  }
0x3c: {  	p2 =	seq.s32 s10, $0x1;
	s10 =	sld [smem:$0x3FB7]  }
0x3d: {  	_ =	shalt  }
0x3e: {  	_ =	shalt  }
0x3f: {  	_ =	shalt  }
0x40: {  	_ =	shalt  }
0x41: {  	_ =	shalt  }
0x42: {  	_ =	shalt  }
0x43: {  	_ =	shalt  }
0x44: {  	_ =	shalt  }
0x45: {  	_ =	shalt  }
0x46: {  	_ =	shalt  }
0x47: {  	_ =	shalt  }
0x48: {  	_ =	shalt  }
0x49: {  	_ =	shalt  }
0x4a: {  	_ =	shalt  }
0x4b: {  	_ =	shalt  }
0x4c: {  	_ =	shalt  }
0x4d: {  	_ =	shalt  }
0x4e: {  	_ =	shalt  }
0x4f: {  	_ =	shalt  }
0x50: {  	_ =	shalt  }
0x51: {  	_ =	shalt  }
0x52: {  	_ =	shalt  }
0x53: {  	_ =	shalt  }
0x54: {  	_ =	shalt  }
0x55: {  	_ =	shalt  }
0x56: {  	_ =	shalt  }
0x57: {  	_ =	shalt  }
0x58: {  	_ =	shalt  }
0x59: {  	_ =	shalt  }
0x5a: {  	_ =	shalt  }
0x5b: {  	_ =	shalt  }
0x5c: {  	_ =	shalt  }
0x5d: {  	_ =	shalt  }
0x5e: {  	_ =	shalt  }
0x5f: {  	_ =	shalt  }
0x60: {  	_ =	shalt  }
0x61: {  	_ =	shalt  }
0x62: {  	_ =	shalt  }
0x63: {  	_ =	shalt  }
0x64: {  	_ =	shalt  }
0x65: {  	_ =	shalt  }
0x66: {  	_ =	shalt  }
0x67: {  	_ =	shalt  }
0x68: {  	_ =	shalt  }
0x69: {  	_ =	shalt  }
0x6a: {  	_ =	shalt  }
0x6b: {  	_ =	shalt  }
0x6c: {  	_ =	shalt  }
0x6d: {  	_ =	shalt  }
0x6e: {  	_ =	shalt  }
0x6f: {  	_ =	shalt  }
0x70: {  	_ =	shalt  }
0x71: {  	_ =	shalt  }
0x72: {  	_ =	shalt  }
0x73: {  	_ =	shalt  }
0x74: {  	_ =	shalt  }
0x75: {  	_ =	shalt  }
0x76: {  	_ =	shalt  }
0x77: {  	_ =	shalt  }
0x78: {  	_ =	shalt  }
0x79: {  	_ =	shalt  }
0x7a: {  	_ =	shalt  }
0x7b: {  	_ =	shalt  }
0x7c: {  	_ =	shalt  }
0x7d: {  	_ =	shalt  }
0x7e: {  	_ =	shalt  }
0x7f: {  	_ =	shalt  }
0x80: {  	_ =	shalt  }
0x81: {  	_ =	shalt  }
0x82: {  	_ =	shalt  }
0x83: {  	_ =	shalt  }
0x84: {  	_ =	shalt  }
0x85: {  	_ =	shalt  }
0x86: {  	_ =	shalt  }
0x87: {  	_ =	shalt  }
.Lfunc_end0:
.L_simem_size_0:
called_computation_lowered:
.L_overlay_start_0:
0x88: {  	s2 =	sld [smem:$0x3FD9]  }
0x89: {  	s3 =	sld [smem:$0x3FFE];
	_ =	sdelay $0x1  }
0x8a: {  	s1 =	srdreg.scid  }
0x8b: {  	s0 =	sand.u32 $0x1, s1  }
0x8c: {  	s14 =	sshll.u32 s0, $0xA;
	s2 =	sadd.s32 s3, s2  }
0x8d: {  	s2 =	sadd.s32 s2, s14  }
0x8e: {  	[smem:$0x3FC3] =	sst s2  }
0x8f: {  	_ = 	snop  }
0x90: {  	s2 =	sld [smem:$0x3FD0];
	_ =	sdelay $0x2  }
0x91: {  	s15 =	simm.s32 $0xA;
	s4 =	simm.s32 $0x10  }
0x92: {  	[smem:s4], [sflag:s15] =	dma.local [hbm:s2], $0x1  }
0x93: {  	_ =	swait.eq [sflag:s15], $0x1  }
0x94: {  	[sflag:s15] =	ssyncset.done $0x0  }
0x95: {  	s16 =	sld [smem:$0x10];
	[sflag:s15] =	ssyncadd.s32 $0xFFFFFFFF  }
0x96: {  	s17 =	sld [smem:$0x11];
	(tm) =	ssettm $0x1  }
0x97: {  	s18 =	sld [smem:$0x3FFB];
	_ =	sdelay $0x3  }
0x98: {  	_ =	strace s18  }
0x99: {  	s4 =	sld [smem:$0x3FFC];
	_ =	sdelay $0x3  }
0x9a: {  	_ =	strace s4  }
0x9b: {  	s4 =	sld [smem:$0x3FFD];
	_ =	sdelay $0x3  }
0x9c: {  	_ =	strace s4  }
0x9d: {  	_ =	strace $0x8FFFFFFF  }
0x9e: {  	s19 =	sld [smem:$0x3FDB];
	_ =	sdelay $0x1  }
0x9f: {  	s5 =	simm.s32 $_scs_section_size  }
0xa0: {  	s6 =	simm.s32 $_size__tile_overlayer_lowered;
	s7 =	simm.s32 $_tile_overlayer_lowered  }
0xa1: {  	s22 =	simm.s32 $0x1BFF;
	s21 =	sshll.u32 s7, $0x1;
	s4 =	sadd.s32 s5, s19  }
0xa2: {  	s8 =	simm.s32 $0x0;
	s20 =	sshll.u32 s6, $0x1;
	s6 =	sadd.s32 s21, s4  }
0xa3: {  	[timem:s8], [sflag:s22] =	dma.local [hbm:s6], s20  }
0xa4: {  	_ =	swait.ge [sflag:s22], s20  }
0xa5: {  	s5 =	ssub.s32 $0x0, s20;
	[sflag:s22] =	ssyncset.done $0x0  }
0xa6: {  	[sflag:s22] =	ssyncadd.s32 s5;
	_ =	sdelay $0x1  }
0xa7: {  	s23 =	simm.s32 $0x1B8B  }
0xa8: {  	_ =	swait.ge [sflag:s23], $0x1  }
0xa9: {  	[sflag:s23] =	ssyncset.done $0x0  }
0xaa: {  	s25 =	simm.s32 $0x1B8E;
	s24 =	sld [smem:$0x3FFE];
	[sflag:s23] =	ssyncadd.s32 $0xFFFFFFFF  }
0xab: {  	s26 =	simm.s32 $execute0_lowered;
	[smem:$0x3FD2] =	sst s25  }
0xac: {  	s6 =	sshll.u32 s26, $0x1;
	_ =	strace $0x80000046;
	[dreg:$0x1] =	wrdreg $0xFFFFFFFF  }
0xad: {  	s28 =	simm.s32 $_size_execute0_lowered;
	s4 =	sadd.s32 s4, s6;
	[dreg:$0x0] =	wrdreg $0x0  }
0xae: {  	s6 =	sshll.u32 s28, $0x1;
	[dreg:$0x2] =	wrdreg s4  }
0xaf: {  	[dreg:$0x3] =	wrdreg s6  }
0xb0: {  	[dreg:$0x4] =	wrdreg $0xC0  }
0xb1: {  	_ =	task [dreg:s8], $0x5FFFF  }
0xb2: {  	[dreg:$0x1] =	wrdreg $0xFFFFFFFF  }
0xb3: {  	[dreg:$0x0] =	wrdreg $0x60  }
0xb4: {  	[dreg:$0x2] =	wrdreg s24  }
0xb5: {  	[dreg:$0x3] =	wrdreg s16  }
0xb6: {  	[dreg:$0x4] =	wrdreg s17  }
0xb7: {  	[dreg:$0x5] =	wrdreg $0x9  }
0xb8: {  	_ =	task.clear_ibuf [dreg:s8], $0x6FFFF;
	_ =	strace $0x90000046  }
0xb9: {  	s29 =	simm.s32 $0x9;
	_ =	strace $0x80000048  }
0xba: {  	_ =	swait.ge [sflag:s29], $0x1  }
0xbb: {  	[sflag:s29] =	ssyncadd.s32 $0xFFFFFFFF  }
0xbc: {  	_ =	strace $0x90000048  }
0xbd: {  	_ =	sfence  }
0xbe: {  	s30 =	sld [smem:$0x0];
	_ =	sdelay $0x2  }
0xbf: {  	s31 =	sshll.u32 s1, $0xD;
	s1 =	sshrl.u32 s1, $0x2  }
0xc0: {  	s3 =	sand.u32 $0x4000, s31;
	s1 =	sadd.s32 s1, s30  }
0xc1: {  	s0 =	sor.u32 s3, s0;
	s1 =	sshll.u32 s1, $0x11  }
0xc2: {  	s0 =	sor.u32 s1, s0  }
0xc3: {  	s0 =	sadd.s32 $0x8F2B, s0  }
0xc4: {  	[sflag:s0] =	ssyncadd.remote.s32 $0x1  }
0xc5: {  	_ =	sfence.sel $0xFFFF  }
0xc6: {  	[dreg:$0x0] =	wrdreg $0xFFFFFFFF;
	(pc) =	sbr.abs _section_cstart, $3  }
0xc7: {  	[dreg:$0x1] =	wrdreg $0xFFFFFFFF  }
0xc8: {  	_ =	task.clear_ibuf [dreg:s8], $0x2FFFF;
	_ =	strace $0x9FFFFFFF  }
0xc9: {  	(tm) =	ssettm $0x7FFFFFFF  }
tec
execute0_lowered:
.L_overlay_start_1:
0x0: {  	(tag) =	ssettag $0x1  }
0x1: {  	s3 =	rddreg [dreg:$0x0]  }
0x2: {  	s4 =	rddreg [dreg:$0x1]  }
0x3: {  	s5 =	rddreg [dreg:$0x2];
	s2 =	srdreg.scid  }
0x4: {  	s0 =	rddreg [dreg:$0x3];
	s1 =	stileid.u32;
	s9 =	simm.s32 $0x1  }
0x5: {  	s10 =	simm.s32 $0x4000;
	s11 =	simm.s32 $0x4200;
	s12 =	simm.s32 $0x0  }
0x6: {  	s6 =	sand.u32 $0x1, s2;
	s2 =	simm.s32 $0x0;
	s7 =	sshll.u32 s1, $0x9  }
0x7: {  	s8 =	sshll.u32 s6, $0x8;
	[smem:$0x7FF] =	sst s2;
	s6 =	ssub.s32 $0x2, s6  }
0x8: {  	s7 =	sor.u32 s8, s7;
	_ =	strace $0x80000047;
	s31 =	sshrl.u32 s6, $0x1  }
0x9: {  	s8 =	simm.s32 $0x10000;
	s3 =	sadd.s32 s7, s3;
	s7 =	sshrl.u32 s7, $0x2  }
0xa: {  	s6 =	ssub.s32 s6, s31;
	s3 =	sadd.s32 $0x1000, s3;
	s4 =	sadd.s32 s4, s7  }
0xb: {  	s5 =	sadd.s32 s5, s7;
	s6 =	smax.u32 s6, $0x1;
	s7 =	simm.s32 $0x800  }
.LBB2_1:
0xc: {  	[tilespmem:s2], [sflag:$0x1] =	stream.strided.gather [hbm4b:s3+s7], $0x4000, s8, s7, $0x38;
	[tilespmem:$0x4400] =	vst v63  }
0xd: {  	s13 =	simm.s32 $0x0;
	_ =	swait.ge [sflag:s9], $0x4000  }
0xe: {  	s14 =	sand.u32 $0x70, s2;
	s13 =	sand.u32 $0x3FFFFC00, s13;
	[sflag:s9] =	ssyncset.done $0x0  }
0xf: {  	s13 =	sor.u32 s14, s13;
	[sflag:s9] =	ssyncadd.s32 $0xFFFFC000  }
0x10: {  	v4 =	vld [tilespmem:s13+$0x0]  }
0x11: {  	v5 =	vld [tilespmem:s13+$0x80];
	_ =	sdelay $0x1  }
0x12: {  	v63 =	vld [tilespmem:s13+$0x100];
	_ =	sdelay $0x1  }
0x13: {  	v62 =	vld [tilespmem:s13+$0x180]  }
0x14: {  	vm0 =	vgt.f32 v5, v4  }
0x15: {  	v61 =	vld [tilespmem:s13+$0x200];
	v1 =	vsel vm0, v5, v4  }
0x16: {  	vm1 =	vgt.f32 v63, v1  }
0x17: {  	v60 =	vld [tilespmem:s13+$0x280];
	v1 =	vsel vm1, v63, v1  }
0x18: {  	vm2 =	vgt.f32 v62, v1  }
0x19: {  	v59 =	vld [tilespmem:s13+$0x300];
	v1 =	vsel vm2, v62, v1  }
0x1a: {  	vm3 =	vgt.f32 v61, v1  }
0x1b: {  	v58 =	vld [tilespmem:s13+$0x380];
	v1 =	vsel vm3, v61, v1  }
0x1c: {  	vm4 =	vgt.f32 v60, v1  }
0x1d: {  	v57 =	vld [tilespmem:s13+$0x800];
	v1 =	vsel vm4, v60, v1  }
0x1e: {  	vm5 =	vgt.f32 v59, v1  }
0x1f: {  	v56 =	vld [tilespmem:s13+$0x880];
	v1 =	vsel vm5, v59, v1  }
0x20: {  	vm6 =	vgt.f32 v58, v1  }
0x21: {  	v55 =	vld [tilespmem:s13+$0x900];
	v1 =	vsel vm6, v58, v1  }
0x22: {  	vm7 =	vgt.f32 v57, v1  }
0x23: {  	v54 =	vld [tilespmem:s13+$0x980];
	v1 =	vsel vm7, v57, v1  }
0x24: {  	vm8 =	vgt.f32 v56, v1  }
0x25: {  	v53 =	vld [tilespmem:s13+$0xA00];
	v1 =	vsel vm8, v56, v1  }
0x26: {  	vm9 =	vgt.f32 v55, v1  }
0x27: {  	v52 =	vld [tilespmem:s13+$0xA80];
	v1 =	vsel vm9, v55, v1  }
0x28: {  	v0 =	vimm.s32 $0x0;
	vm10 =	vgt.f32 v54, v1  }
0x29: {  	v51 =	vld [tilespmem:s13+$0xB00];
	v0 =	vsel vm10, $0xFFFFFFFF, v0;
	v1 =	vsel vm10, v54, v1  }
0x2a: {  	[tilespmem:$0x1FBC0] =	vst v0;
	vm10 =	vgt.f32 v53, v1;
	v0 =	vimm.s32 $0x0  }
0x2b: {  	v50 =	vld [tilespmem:s13+$0xB80];
	v0 =	vsel vm10, $0xFFFFFFFF, v0;
	v1 =	vsel vm10, v53, v1  }
0x2c: {  	[tilespmem:$0x1FBD0] =	vst v0;
	vm10 =	vgt.f32 v52, v1;
	v0 =	vimm.s32 $0x0  }
0x2d: {  	v49 =	vld [tilespmem:s13+$0x1000];
	v0 =	vsel vm10, $0xFFFFFFFF, v0;
	v1 =	vsel vm10, v52, v1  }
0x2e: {  	[tilespmem:$0x1FBE0] =	vst v0;
	vm10 =	vgt.f32 v51, v1;
	v0 =	vimm.s32 $0x0  }
0x2f: {  	v48 =	vld [tilespmem:s13+$0x1080];
	v0 =	vsel vm10, $0xFFFFFFFF, v0;
	v1 =	vsel vm10, v51, v1  }
0x30: {  	[tilespmem:$0x1FBF0] =	vst v0;
	vm10 =	vgt.f32 v50, v1;
	v0 =	vimm.s32 $0x0  }
0x31: {  	v45 =	vld [tilespmem:s13+$0x1100];
	v0 =	vsel vm10, $0xFFFFFFFF, v0;
	v1 =	vsel vm10, v50, v1  }
0x32: {  	[tilespmem:$0x1FC00] =	vst v0;
	vm10 =	vgt.f32 v49, v1;
	v0 =	vimm.s32 $0x0  }
0x33: {  	v43 =	vld [tilespmem:s13+$0x1180];
	v0 =	vsel vm10, $0xFFFFFFFF, v0;
	v1 =	vsel vm10, v49, v1  }
0x34: {  	[tilespmem:$0x1FC10] =	vst v0;
	vm10 =	vgt.f32 v48, v1;
	v0 =	vimm.s32 $0x0  }
0x35: {  	v40 =	vld [tilespmem:s13+$0x1200];
	v0 =	vsel vm10, $0xFFFFFFFF, v0;
	v1 =	vsel vm10, v48, v1  }
0x36: {  	[tilespmem:$0x1FC20] =	vst v0;
	vm10 =	vgt.f32 v45, v1;
	v0 =	vimm.s32 $0x0  }
0x37: {  	v38 =	vld [tilespmem:s13+$0x1280];
	v0 =	vsel vm10, $0xFFFFFFFF, v0;
	v1 =	vsel vm10, v45, v1  }
0x38: {  	[tilespmem:$0x1FC30] =	vst v0;
	vm10 =	vgt.f32 v43, v1;
	v0 =	vimm.s32 $0x0  }
0x39: {  	v35 =	vld [tilespmem:s13+$0x1300];
	v0 =	vsel vm10, $0xFFFFFFFF, v0;
	v1 =	vsel vm10, v43, v1  }
0x3a: {  	[tilespmem:$0x1FC40] =	vst v0;
	vm10 =	vgt.f32 v40, v1;
	v0 =	vimm.s32 $0x0  }
0x3b: {  	v33 =	vld [tilespmem:s13+$0x1380];
	v0 =	vsel vm10, $0xFFFFFFFF, v0;
	v1 =	vsel vm10, v40, v1  }
0x3c: {  	[tilespmem:$0x1FC50] =	vst v0;
	vm10 =	vgt.f32 v38, v1;
	v0 =	vimm.s32 $0x0  }
0x3d: {  	v30 =	vld [tilespmem:s13+$0x1800];
	v0 =	vsel vm10, $0xFFFFFFFF, v0;
	v1 =	vsel vm10, v38, v1  }
0x3e: {  	[tilespmem:$0x1FC60] =	vst v0;
	vm10 =	vgt.f32 v35, v1;
	v0 =	vimm.s32 $0x0  }
0x3f: {  	v28 =	vld [tilespmem:s13+$0x1880];
	v0 =	vsel vm10, $0xFFFFFFFF, v0;
	v1 =	vsel vm10, v35, v1  }
0x40: {  	[tilespmem:$0x1FC70] =	vst v0;
	vm10 =	vgt.f32 v33, v1;
	v0 =	vimm.s32 $0x0  }
0x41: {  	v25 =	vld [tilespmem:s13+$0x1900];
	v0 =	vsel vm10, $0xFFFFFFFF, v0;
	v1 =	vsel vm10, v33, v1  }
0x42: {  	[tilespmem:$0x1FC80] =	vst v0;
	vm10 =	vgt.f32 v30, v1;
	v0 =	vimm.s32 $0x0  }
0x43: {  	v23 =	vld [tilespmem:s13+$0x1980];
	v0 =	vsel vm10, $0xFFFFFFFF, v0;
	v1 =	vsel vm10, v30, v1  }
0x44: {  	[tilespmem:$0x1FC90] =	vst v0;
	vm10 =	vgt.f32 v28, v1;
	v0 =	vimm.s32 $0x0  }
0x45: {  	v20 =	vld [tilespmem:s13+$0x1A00];
	v0 =	vsel vm10, $0xFFFFFFFF, v0;
	v1 =	vsel vm10, v28, v1  }
0x46: {  	[tilespmem:$0x1FCA0] =	vst v0;
	vm10 =	vgt.f32 v25, v1;
	v0 =	vimm.s32 $0x0  }
0x47: {  	v18 =	vld [tilespmem:s13+$0x1A80];
	v0 =	vsel vm10, $0xFFFFFFFF, v0;
	v1 =	vsel vm10, v25, v1  }
0x48: {  	[tilespmem:$0x1FCB0] =	vst v0;
	vm10 =	vgt.f32 v23, v1;
	v0 =	vimm.s32 $0x0  }
0x49: {  	v14 =	vld [tilespmem:s13+$0x1B00];
	v0 =	vsel vm10, $0xFFFFFFFF, v0;
	v1 =	vsel vm10, v23, v1  }
0x4a: {  	[tilespmem:$0x1FCC0] =	vst v0;
	vm10 =	vgt.f32 v20, v1;
	v0 =	vimm.s32 $0x0  }
0x4b: {  	v12 =	vld [tilespmem:s13+$0x1B80];
	v0 =	vsel vm10, $0xFFFFFFFF, v0;
	v1 =	vsel vm10, v20, v1  }
0x4c: {  	[tilespmem:$0x1FCD0] =	vst v0;
	vm10 =	vgt.f32 v18, v1;
	v0 =	vimm.s32 $0x0  }
0x4d: {  	v9 =	vld [tilespmem:s13+$0x2000];
	v0 =	vsel vm10, $0xFFFFFFFF, v0;
	v1 =	vsel vm10, v18, v1  }
0x4e: {  	[tilespmem:$0x1FCE0] =	vst v0;
	vm10 =	vgt.f32 v14, v1;
	v0 =	vimm.s32 $0x0  }
0x4f: {  	v0 =	vsel vm10, $0xFFFFFFFF, v0;
	v1 =	vsel vm10, v14, v1  }
0x50: {  	[tilespmem:$0x1FCF0] =	vst v0;
	vm10 =	vgt.f32 v12, v1;
	v0 =	vimm.s32 $0x0  }
0x51: {  	v7 =	vld [tilespmem:s13+$0x2080];
	v0 =	vsel vm10, $0xFFFFFFFF, v0;
	v1 =	vsel vm10, v12, v1  }
0x52: {  	[tilespmem:$0x1FD00] =	vst v0;
	vm10 =	vgt.f32 v9, v1;
	v0 =	vimm.s32 $0x0  }
0x53: {  	v2 =	vld [tilespmem:s13+$0x2100];
	v0 =	vsel vm10, $0xFFFFFFFF, v0  }
0x54: {  	[tilespmem:$0x1FD10] =	vst v0;
	v0 =	vimm.s32 $0x0  }
0x55: {  	v1 =	vsel vm10, v9, v1;
	v3 =	vsel vm0, $0x1, v0;
	v0 =	vld [tilespmem:s13+$0x2180]  }
0x56: {  	vm14 =	vgt.f32 v7, v1  }
0x57: {  	v1 =	vsel vm14, v7, v1  }
0x58: {  	vm13 =	vgt.f32 v2, v1  }
0x59: {  	v1 =	vsel vm13, v2, v1  }
0x5a: {  	vm12 =	vgt.f32 v0, v1  }
0x5b: {  	v3 =	vsel vm1, $0x2, v3;
	[tilespmem:$0x1FD30] =	vst v0;
	v1 =	vsel vm12, v0, v1;
	v0 =	vld [tilespmem:$0x1FBC0]  }
0x5c: {  	v3 =	vsel vm2, $0x3, v3  }
0x5d: {  	v3 =	vsel vm3, $0x4, v3  }
0x5e: {  	v3 =	vsel vm4, $0x5, v3  }
0x5f: {  	v3 =	vsel vm5, $0x6, v3  }
0x60: {  	v3 =	vsel vm6, $0x7, v3;
	vm6 =	vnez.u8 v0;
	v0 =	vld [tilespmem:$0x1FBD0];
	_ =	sdelay $0x4  }
0x61: {  	v3 =	vsel vm7, $0x8, v3;
	vm7 =	vnez.u8 v0;
	v0 =	vld [tilespmem:$0x1FBE0];
	_ =	sdelay $0x4  }
0x62: {  	v3 =	vsel vm8, $0x9, v3;
	vm8 =	vnez.u8 v0;
	v0 =	vld [tilespmem:$0x1FBF0];
	_ =	sdelay $0x4  }
0x63: {  	vm15 =	vnez.u8 v0;
	v0 =	vld [tilespmem:$0x1FC00];
	_ =	sdelay $0x4  }
0x64: {  	vm4 =	vnez.u8 v0;
	v0 =	vld [tilespmem:$0x1FC10];
	_ =	sdelay $0x4  }
0x65: {  	vm5 =	vnez.u8 v0;
	v0 =	vld [tilespmem:$0x1FC20];
	_ =	sdelay $0x3  }
0x66: {  	v3 =	vsel vm9, $0xA, v3  }
0x67: {  	v3 =	vsel vm6, $0xB, v3;
	vm6 =	vnez.u8 v0;
	v0 =	vld [tilespmem:$0x1FC30];
	_ =	sdelay $0x2  }
0x68: {  	v3 =	vsel vm7, $0xC, v3  }
0x69: {  	v3 =	vsel vm8, $0xD, v3  }
0x6a: {  	v3 =	vsel vm15, $0xE, v3;
	vm15 =	vnez.u8 v0;
	v0 =	vld [tilespmem:$0x1FC40];
	_ =	sdelay $0x4  }
0x6b: {  	v3 =	vsel vm4, $0xF, v3;
	vm4 =	vnez.u8 v0;
	v0 =	vld [tilespmem:$0x1FC50];
	_ =	sdelay $0x4  }
0x6c: {  	v3 =	vsel vm5, $0x10, v3;
	vm5 =	vnez.u8 v0;
	v0 =	vld [tilespmem:$0x1FC60];
	_ =	sdelay $0x3  }
0x6d: {  	v3 =	vsel vm6, $0x11, v3  }
0x6e: {  	v3 =	vsel vm15, $0x12, v3;
	vm15 =	vnez.u8 v0;
	v0 =	vld [tilespmem:$0x1FC70];
	_ =	sdelay $0x4  }
0x6f: {  	v3 =	vsel vm4, $0x13, v3;
	vm4 =	vnez.u8 v0;
	v0 =	vld [tilespmem:$0x1FC80];
	_ =	sdelay $0x3  }
0x70: {  	v3 =	vsel vm5, $0x14, v3  }
0x71: {  	v3 =	vsel vm15, $0x15, v3;
	vm15 =	vnez.u8 v0;
	v0 =	vld [tilespmem:$0x1FC90];
	_ =	sdelay $0x3  }
0x72: {  	v3 =	vsel vm4, $0x16, v3  }
0x73: {  	v3 =	vsel vm15, $0x17, v3;
	vm15 =	vnez.u8 v0;
	v0 =	vld [tilespmem:$0x1FCA0];
	_ =	sdelay $0x4  }
0x74: {  	v3 =	vsel vm15, $0x18, v3;
	vm15 =	vnez.u8 v0;
	v0 =	vld [tilespmem:$0x1FCB0];
	_ =	sdelay $0x4  }
0x75: {  	v3 =	vsel vm15, $0x19, v3;
	vm15 =	vnez.u8 v0;
	v0 =	vld [tilespmem:$0x1FCC0];
	_ =	sdelay $0x1  }
0x76: {  	v8 =	vld [tilespmem:s13+$0x2200];
	_ =	sdelay $0x1  }
0x77: {  	v10 =	vld [tilespmem:s13+$0x2280]  }
0x78: {  	v3 =	vsel vm15, $0x1A, v3;
	vm15 =	vnez.u8 v0;
	v0 =	vld [tilespmem:$0x1FCD0]  }
0x79: {  	v13 =	vld [tilespmem:s13+$0x2300]  }
0x7a: {  	vm11 =	vgt.f32 v8, v1  }
0x7b: {  	v15 =	vld [tilespmem:s13+$0x2380];
	v1 =	vsel vm11, v8, v1  }
0x7c: {  	v19 =	vld [tilespmem:s13+$0x2800];
	vm10 =	vgt.f32 v10, v1  }
0x7d: {  	v1 =	vsel vm10, v10, v1;
	v3 =	vsel vm15, $0x1B, v3;
	vm15 =	vnez.u8 v0;
	v0 =	vld [tilespmem:$0x1FCE0]  }
0x7e: {  	vm9 =	vgt.f32 v13, v1  }
0x7f: {  	v21 =	vld [tilespmem:s13+$0x2880];
	v1 =	vsel vm9, v13, v1  }
0x80: {  	vm8 =	vgt.f32 v15, v1  }
0x81: {  	v24 =	vld [tilespmem:s13+$0x2900];
	v1 =	vsel vm8, v15, v1  }
0x82: {  	vm7 =	vgt.f32 v19, v1;
	v3 =	vsel vm15, $0x1C, v3;
	vm15 =	vnez.u8 v0;
	v0 =	vld [tilespmem:$0x1FCF0]  }
0x83: {  	v26 =	vld [tilespmem:s13+$0x2980];
	v1 =	vsel vm7, v19, v1  }
0x84: {  	vm6 =	vgt.f32 v21, v1  }
0x85: {  	v29 =	vld [tilespmem:s13+$0x2A00];
	v1 =	vsel vm6, v21, v1  }
0x86: {  	v31 =	vld [tilespmem:s13+$0x2A80];
	vm5 =	vgt.f32 v24, v1  }
0x87: {  	v1 =	vsel vm5, v24, v1;
	v3 =	vsel vm15, $0x1D, v3;
	vm15 =	vnez.u8 v0;
	v0 =	vld [tilespmem:$0x1FD00]  }
0x88: {  	vm4 =	vgt.f32 v26, v1  }
0x89: {  	v34 =	vld [tilespmem:s13+$0x2B00];
	v1 =	vsel vm4, v26, v1  }
0x8a: {  	vm3 =	vgt.f32 v29, v1  }
0x8b: {  	v36 =	vld [tilespmem:s13+$0x2B80];
	v1 =	vsel vm3, v29, v1  }
0x8c: {  	vm2 =	vgt.f32 v31, v1;
	v3 =	vsel vm15, $0x1E, v3;
	vm15 =	vnez.u8 v0;
	v0 =	vld [tilespmem:$0x1FD10]  }
0x8d: {  	v39 =	vld [tilespmem:s13+$0x3000];
	v1 =	vsel vm2, v31, v1  }
0x8e: {  	vm1 =	vgt.f32 v34, v1  }
0x8f: {  	v41 =	vld [tilespmem:s13+$0x3080];
	v1 =	vsel vm1, v34, v1  }
0x90: {  	vm0 =	vgt.f32 v36, v1  }
0x91: {  	v44 =	vld [tilespmem:s13+$0x3100];
	v1 =	vsel vm0, v36, v1;
	v3 =	vsel vm15, $0x1F, v3;
	vm15 =	vnez.u8 v0  }
0x92: {  	v3 =	vsel vm15, $0x20, v3;
	vm15 =	vgt.f32 v39, v1  }
0x93: {  	v46 =	vld [tilespmem:s13+$0x3180];
	v3 =	vsel vm14, $0x21, v3;
	v1 =	vsel vm15, v39, v1  }
0x94: {  	v3 =	vsel vm13, $0x22, v3;
	vm13 =	vgt.f32 v41, v1  }
0x95: {  	v47 =	vld [tilespmem:s13+$0x3200];
	v3 =	vsel vm12, $0x23, v3;
	v1 =	vsel vm13, v41, v1  }
0x96: {  	v3 =	vsel vm11, $0x24, v3;
	vm11 =	vgt.f32 v44, v1  }
0x97: {  	v42 =	vld [tilespmem:s13+$0x3280];
	v3 =	vsel vm10, $0x25, v3;
	v1 =	vsel vm11, v44, v1  }
0x98: {  	v3 =	vsel vm9, $0x26, v3;
	vm9 =	vgt.f32 v46, v1  }
0x99: {  	v37 =	vld [tilespmem:s13+$0x3300];
	v3 =	vsel vm8, $0x27, v3;
	v1 =	vsel vm9, v46, v1  }
0x9a: {  	v3 =	vsel vm7, $0x28, v3;
	vm7 =	vgt.f32 v47, v1  }
0x9b: {  	v32 =	vld [tilespmem:s13+$0x3380];
	v3 =	vsel vm6, $0x29, v3;
	v1 =	vsel vm7, v47, v1  }
0x9c: {  	v3 =	vsel vm5, $0x2A, v3;
	vm5 =	vgt.f32 v42, v1  }
0x9d: {  	v27 =	vld [tilespmem:s13+$0x3800];
	v3 =	vsel vm4, $0x2B, v3;
	v1 =	vsel vm5, v42, v1  }
0x9e: {  	v3 =	vsel vm3, $0x2C, v3;
	vm10 =	vgt.f32 v37, v1  }
0x9f: {  	v22 =	vld [tilespmem:s13+$0x3880];
	v3 =	vsel vm2, $0x2D, v3;
	v1 =	vsel vm10, v37, v1  }
0xa0: {  	v3 =	vsel vm1, $0x2E, v3;
	vm12 =	vgt.f32 v32, v1  }
0xa1: {  	v16 =	vld [tilespmem:s13+$0x3900];
	v3 =	vsel vm0, $0x2F, v3;
	v1 =	vsel vm12, v32, v1  }
0xa2: {  	v3 =	vsel vm15, $0x30, v3;
	vm14 =	vgt.f32 v27, v1  }
0xa3: {  	v11 =	vld [tilespmem:s13+$0x3980];
	v3 =	vsel vm13, $0x31, v3;
	v1 =	vsel vm14, v27, v1  }
0xa4: {  	v3 =	vsel vm11, $0x32, v3;
	vm15 =	vgt.f32 v22, v1  }
0xa5: {  	v6 =	vld [tilespmem:s13+$0x3A00];
	v3 =	vsel vm9, $0x33, v3;
	v1 =	vsel vm15, v22, v1  }
0xa6: {  	v3 =	vsel vm7, $0x34, v3;
	vm8 =	vgt.f32 v16, v1  }
0xa7: {  	v17 =	vsel vm5, $0x35, v3;
	v3 =	vld [tilespmem:s13+$0x3A80];
	v1 =	vsel vm8, v16, v1  }
0xa8: {  	v17 =	vsel vm10, $0x36, v17;
	vm9 =	vgt.f32 v11, v1  }
0xa9: {  	v0 =	vsel vm12, $0x37, v17;
	v1 =	vsel vm9, v11, v1;
	v17 =	vld [tilespmem:s13+$0x3B00]  }
0xaa: {  	v0 =	vsel vm14, $0x38, v0;
	vm10 =	vgt.f32 v6, v1  }
0xab: {  	[tilespmem:$0x1FD20] =	vst v2;
	v2 =	vsel vm15, $0x39, v0;
	v1 =	vsel vm10, v6, v1;
	v0 =	vld [tilespmem:s13+$0x3B80]  }
0xac: {  	v2 =	vsel vm8, $0x3A, v2;
	vm11 =	vgt.f32 v3, v1  }
0xad: {  	v2 =	vsel vm9, $0x3B, v2;
	v1 =	vsel vm11, v3, v1  }
0xae: {  	v2 =	vsel vm10, $0x3C, v2;
	vm12 =	vgt.f32 v17, v1  }
0xaf: {  	v2 =	vsel vm11, $0x3D, v2;
	v1 =	vsel vm12, v17, v1  }
0xb0: {  	v2 =	vsel vm12, $0x3E, v2;
	vm13 =	vgt.f32 v0, v1  }
0xb1: {  	vm14 =	vlt.f32 v4, $-Inf;
	vm15 =	vgt.f32 v4, $-Inf;
	[tilespmem:$0x1FEE0] =	vst v1;
	v1 =	vsel vm13, $0x3F, v2  }
0xb2: {  	vm0 =	vmor vm15, vm14;
	[tilespmem:$0x1FEC0] =	vst v0;
	v0 =	vimm.s32 $0x0;
	vm4 =	vne.s32 v1, $0x0  }
0xb3: {  	v0 =	vsel vm13, $0xFFFFFFFF, v0;
	vm0 =	vmand vm0, vm4  }
0xb4: {  	[tilespmem:$0x1FEF0] =	vst v0;
	v0 =	vnsel vm0, $0xFF800000, v4  }
0xb5: {  	vm5 =	vne.s32 v1, $0x1;
	vm6 =	vgt.f32 v5, v0  }
0xb6: {  	vm2 =	vmand vm5, vm6  }
0xb7: {  	v0 =	vsel vm2, v5, v0  }
0xb8: {  	vm7 =	vne.s32 v1, $0x2;
	vm8 =	vgt.f32 v63, v0  }
0xb9: {  	vm3 =	vmand vm7, vm8  }
0xba: {  	v0 =	vsel vm3, v63, v0  }
0xbb: {  	vm9 =	vne.s32 v1, $0x3;
	vm10 =	vgt.f32 v62, v0  }
0xbc: {  	vm4 =	vmand vm9, vm10  }
0xbd: {  	v0 =	vsel vm4, v62, v0  }
0xbe: {  	vm11 =	vne.s32 v1, $0x4;
	vm12 =	vgt.f32 v61, v0  }
0xbf: {  	vm5 =	vmand vm11, vm12  }
0xc0: {  	v0 =	vsel vm5, v61, v0  }
0xc1: {  	vm13 =	vne.s32 v1, $0x5;
	vm14 =	vgt.f32 v60, v0  }
0xc2: {  	vm6 =	vmand vm13, vm14  }
0xc3: {  	v0 =	vsel vm6, v60, v0  }
0xc4: {  	vm15 =	vne.s32 v1, $0x6;
	vm7 =	vgt.f32 v59, v0  }
0xc5: {  	vm7 =	vmand vm15, vm7  }
0xc6: {  	v0 =	vsel vm7, v59, v0  }
0xc7: {  	vm8 =	vne.s32 v1, $0x7;
	vm9 =	vgt.f32 v58, v0  }
0xc8: {  	vm8 =	vmand vm8, vm9  }
0xc9: {  	v0 =	vsel vm8, v58, v0  }
0xca: {  	vm10 =	vne.s32 v1, $0x8;
	vm11 =	vgt.f32 v57, v0  }
0xcb: {  	vm9 =	vmand vm10, vm11  }
0xcc: {  	v0 =	vsel vm9, v57, v0  }
0xcd: {  	vm12 =	vne.s32 v1, $0x9;
	vm13 =	vgt.f32 v56, v0  }
0xce: {  	vm0 =	vmand vm12, vm13  }
0xcf: {  	v0 =	vsel vm0, v56, v0  }
0xd0: {  	v2 =	vimm.s32 $0x0;
	vm14 =	vne.s32 v1, $0xA;
	vm15 =	vgt.f32 v55, v0  }
0xd1: {  	v2 =	vsel vm0, $0xFFFFFFFF, v2;
	vm0 =	vmand vm14, vm15  }
0xd2: {  	v0 =	vsel vm0, v55, v0  }
0xd3: {  	vm10 =	vne.s32 v1, $0xB;
	[tilespmem:$0x1FD40] =	vst v2;
	v2 =	vimm.s32 $0x0;
	vm11 =	vgt.f32 v54, v0  }
0xd4: {  	v2 =	vsel vm0, $0xFFFFFFFF, v2;
	vm0 =	vmand vm10, vm11  }
0xd5: {  	v0 =	vsel vm0, v54, v0  }
0xd6: {  	vm12 =	vne.s32 v1, $0xC;
	[tilespmem:$0x1FD50] =	vst v2;
	v2 =	vimm.s32 $0x0;
	vm13 =	vgt.f32 v53, v0  }
0xd7: {  	v2 =	vsel vm0, $0xFFFFFFFF, v2;
	vm0 =	vmand vm12, vm13  }
0xd8: {  	v0 =	vsel vm0, v53, v0  }
0xd9: {  	vm14 =	vne.s32 v1, $0xD;
	[tilespmem:$0x1FD60] =	vst v2;
	v2 =	vimm.s32 $0x0;
	vm15 =	vgt.f32 v52, v0  }
0xda: {  	v2 =	vsel vm0, $0xFFFFFFFF, v2;
	vm0 =	vmand vm14, vm15  }
0xdb: {  	v0 =	vsel vm0, v52, v0  }
0xdc: {  	vm10 =	vne.s32 v1, $0xE;
	[tilespmem:$0x1FD70] =	vst v2;
	v2 =	vimm.s32 $0x0;
	vm11 =	vgt.f32 v51, v0  }
0xdd: {  	v2 =	vsel vm0, $0xFFFFFFFF, v2;
	vm0 =	vmand vm10, vm11  }
0xde: {  	v0 =	vsel vm0, v51, v0  }
0xdf: {  	vm12 =	vne.s32 v1, $0xF;
	[tilespmem:$0x1FD80] =	vst v2;
	v2 =	vimm.s32 $0x0;
	vm13 =	vgt.f32 v50, v0  }
0xe0: {  	v2 =	vsel vm0, $0xFFFFFFFF, v2;
	vm0 =	vmand vm12, vm13  }
0xe1: {  	v0 =	vsel vm0, v50, v0  }
0xe2: {  	vm14 =	vne.s32 v1, $0x10;
	[tilespmem:$0x1FD90] =	vst v2;
	v2 =	vimm.s32 $0x0;
	vm15 =	vgt.f32 v49, v0  }
0xe3: {  	v2 =	vsel vm0, $0xFFFFFFFF, v2;
	vm0 =	vmand vm14, vm15  }
0xe4: {  	v0 =	vsel vm0, v49, v0  }
0xe5: {  	vm10 =	vne.s32 v1, $0x11;
	[tilespmem:$0x1FDA0] =	vst v2;
	v2 =	vimm.s32 $0x0;
	vm11 =	vgt.f32 v48, v0  }
0xe6: {  	v2 =	vsel vm0, $0xFFFFFFFF, v2;
	vm0 =	vmand vm10, vm11  }
0xe7: {  	v0 =	vsel vm0, v48, v0  }
0xe8: {  	vm12 =	vne.s32 v1, $0x12;
	[tilespmem:$0x1FDB0] =	vst v2;
	v2 =	vimm.s32 $0x0;
	vm13 =	vgt.f32 v45, v0  }
0xe9: {  	v2 =	vsel vm0, $0xFFFFFFFF, v2;
	vm0 =	vmand vm12, vm13  }
0xea: {  	v0 =	vsel vm0, v45, v0  }
0xeb: {  	vm14 =	vne.s32 v1, $0x13;
	[tilespmem:$0x1FDC0] =	vst v2;
	v2 =	vimm.s32 $0x0;
	vm15 =	vgt.f32 v43, v0  }
0xec: {  	v2 =	vsel vm0, $0xFFFFFFFF, v2;
	vm0 =	vmand vm14, vm15  }
0xed: {  	v0 =	vsel vm0, v43, v0  }
0xee: {  	vm10 =	vne.s32 v1, $0x14;
	[tilespmem:$0x1FDD0] =	vst v2;
	v2 =	vimm.s32 $0x0;
	vm11 =	vgt.f32 v40, v0  }
0xef: {  	v2 =	vsel vm0, $0xFFFFFFFF, v2;
	vm0 =	vmand vm10, vm11  }
0xf0: {  	v0 =	vsel vm0, v40, v0  }
0xf1: {  	vm12 =	vne.s32 v1, $0x15;
	[tilespmem:$0x1FDE0] =	vst v2;
	v2 =	vimm.s32 $0x0;
	vm13 =	vgt.f32 v38, v0  }
0xf2: {  	v2 =	vsel vm0, $0xFFFFFFFF, v2;
	vm0 =	vmand vm12, vm13  }
0xf3: {  	v0 =	vsel vm0, v38, v0  }
0xf4: {  	vm14 =	vne.s32 v1, $0x16;
	[tilespmem:$0x1FDF0] =	vst v2;
	v2 =	vimm.s32 $0x0;
	vm15 =	vgt.f32 v35, v0  }
0xf5: {  	v2 =	vsel vm0, $0xFFFFFFFF, v2;
	vm0 =	vmand vm14, vm15  }
0xf6: {  	v0 =	vsel vm0, v35, v0  }
0xf7: {  	vm10 =	vne.s32 v1, $0x17;
	[tilespmem:$0x1FE00] =	vst v2;
	v2 =	vimm.s32 $0x0;
	vm11 =	vgt.f32 v33, v0  }
0xf8: {  	v2 =	vsel vm0, $0xFFFFFFFF, v2;
	vm0 =	vmand vm10, vm11  }
0xf9: {  	v0 =	vsel vm0, v33, v0  }
0xfa: {  	vm12 =	vne.s32 v1, $0x18;
	[tilespmem:$0x1FE10] =	vst v2;
	v2 =	vimm.s32 $0x0;
	vm13 =	vgt.f32 v30, v0  }
0xfb: {  	v2 =	vsel vm0, $0xFFFFFFFF, v2;
	vm0 =	vmand vm12, vm13  }
0xfc: {  	v0 =	vsel vm0, v30, v0  }
0xfd: {  	vm14 =	vne.s32 v1, $0x19;
	[tilespmem:$0x1FE20] =	vst v2;
	v2 =	vimm.s32 $0x0;
	vm15 =	vgt.f32 v28, v0  }
0xfe: {  	v2 =	vsel vm0, $0xFFFFFFFF, v2;
	vm0 =	vmand vm14, vm15  }
0xff: {  	v0 =	vsel vm0, v28, v0  }
0x100: {  	vm10 =	vne.s32 v1, $0x1A;
	[tilespmem:$0x1FE30] =	vst v2;
	v2 =	vimm.s32 $0x0;
	vm11 =	vgt.f32 v25, v0  }
0x101: {  	v2 =	vsel vm0, $0xFFFFFFFF, v2;
	vm0 =	vmand vm10, vm11  }
0x102: {  	v0 =	vsel vm0, v25, v0  }
0x103: {  	vm12 =	vne.s32 v1, $0x1B;
	[tilespmem:$0x1FE40] =	vst v2;
	v2 =	vimm.s32 $0x0;
	vm13 =	vgt.f32 v23, v0  }
0x104: {  	v2 =	vsel vm0, $0xFFFFFFFF, v2;
	vm0 =	vmand vm12, vm13  }
0x105: {  	v0 =	vsel vm0, v23, v0  }
0x106: {  	vm14 =	vne.s32 v1, $0x1C;
	[tilespmem:$0x1FE50] =	vst v2;
	v2 =	vimm.s32 $0x0;
	vm15 =	vgt.f32 v20, v0  }
0x107: {  	v2 =	vsel vm0, $0xFFFFFFFF, v2;
	vm0 =	vmand vm14, vm15  }
0x108: {  	v0 =	vsel vm0, v20, v0  }
0x109: {  	vm10 =	vne.s32 v1, $0x1D;
	[tilespmem:$0x1FE60] =	vst v2;
	v2 =	vimm.s32 $0x0;
	vm11 =	vgt.f32 v18, v0  }
0x10a: {  	v2 =	vsel vm0, $0xFFFFFFFF, v2;
	vm0 =	vmand vm10, vm11  }
0x10b: {  	v0 =	vsel vm0, v18, v0  }
0x10c: {  	vm12 =	vne.s32 v1, $0x1E;
	[tilespmem:$0x1FE70] =	vst v2;
	v2 =	vimm.s32 $0x0;
	vm13 =	vgt.f32 v14, v0  }
0x10d: {  	v2 =	vsel vm0, $0xFFFFFFFF, v2;
	vm0 =	vmand vm12, vm13  }
0x10e: {  	v0 =	vsel vm0, v14, v0  }
0x10f: {  	vm14 =	vne.s32 v1, $0x1F;
	[tilespmem:$0x1FE80] =	vst v2;
	v2 =	vimm.s32 $0x0;
	vm15 =	vgt.f32 v12, v0  }
0x110: {  	v2 =	vsel vm0, $0xFFFFFFFF, v2;
	vm0 =	vmand vm14, vm15  }
0x111: {  	v0 =	vsel vm0, v12, v0  }
0x112: {  	vm10 =	vne.s32 v1, $0x20;
	[tilespmem:$0x1FE90] =	vst v2;
	v2 =	vimm.s32 $0x0;
	vm11 =	vgt.f32 v9, v0  }
0x113: {  	v2 =	vsel vm0, $0xFFFFFFFF, v2;
	vm0 =	vmand vm10, vm11  }
0x114: {  	[tilespmem:$0x1FEA0] =	vst v2;
	v2 =	vimm.s32 $0x0;
	v0 =	vsel vm0, v9, v0  }
0x115: {  	vm12 =	vne.s32 v1, $0x21;
	v2 =	vsel vm0, $0xFFFFFFFF, v2;
	vm13 =	vgt.f32 v7, v0  }
0x116: {  	[tilespmem:$0x1FEB0] =	vst v2;
	v2 =	vimm.s32 $0x0;
	vm0 =	vmand vm12, vm13  }
0x117: {  	v2 =	vsel vm0, $0xFFFFFFFF, v2  }
0x118: {  	[tilespmem:$0x1FED0] =	vst v2;
	v2 =	vld [tilespmem:$0x1FD20];
	_ =	sdelay $0x3  }
0x119: {  	v0 =	vsel vm0, v7, v0  }
0x11a: {  	vm14 =	vne.s32 v1, $0x22;
	vm15 =	vgt.f32 v2, v0  }
0x11b: {  	vm0 =	vmand vm14, vm15  }
0x11c: {  	v0 =	vsel vm0, v2, v0;
	v2 =	vld [tilespmem:$0x1FD30];
	_ =	sdelay $0x4  }
0x11d: {  	v35 =	vimm.s32 $0x0;
	vm10 =	vne.s32 v1, $0x23;
	vm11 =	vgt.f32 v2, v0  }
0x11e: {  	v4 =	vsel vm0, $0xFFFFFFFF, v35;
	vm0 =	vmand vm10, vm11  }
0x11f: {  	v0 =	vsel vm0, v2, v0  }
0x120: {  	v38 =	vimm.s32 $0x0;
	vm12 =	vne.s32 v1, $0x24;
	vm13 =	vgt.f32 v8, v0  }
0x121: {  	[tilespmem:$0x1FF00] =	vst v4;
	v4 =	vsel vm0, $0xFFFFFFFF, v38;
	vm0 =	vmand vm12, vm13  }
0x122: {  	v0 =	vsel vm0, v8, v0  }
0x123: {  	vm14 =	vne.s32 v1, $0x25;
	v2 =	vimm.s32 $0x0;
	vm15 =	vgt.f32 v10, v0  }
0x124: {  	v2 =	vsel vm0, $0xFFFFFFFF, v2;
	vm0 =	vmand vm14, vm15  }
0x125: {  	v0 =	vsel vm0, v10, v0  }
0x126: {  	vm10 =	vne.s32 v1, $0x26;
	[tilespmem:$0x1FF20] =	vst v2;
	v2 =	vimm.s32 $0x0;
	vm11 =	vgt.f32 v13, v0  }
0x127: {  	v2 =	vsel vm0, $0xFFFFFFFF, v2;
	vm0 =	vmand vm10, vm11  }
0x128: {  	v0 =	vsel vm0, v13, v0  }
0x129: {  	vm12 =	vne.s32 v1, $0x27;
	[tilespmem:$0x1FF30] =	vst v2;
	v2 =	vimm.s32 $0x0;
	vm13 =	vgt.f32 v15, v0  }
0x12a: {  	v2 =	vsel vm0, $0xFFFFFFFF, v2;
	vm0 =	vmand vm12, vm13  }
0x12b: {  	v0 =	vsel vm0, v15, v0  }
0x12c: {  	vm14 =	vne.s32 v1, $0x28;
	[tilespmem:$0x1FF40] =	vst v2;
	v2 =	vimm.s32 $0x0;
	vm15 =	vgt.f32 v19, v0  }
0x12d: {  	v2 =	vsel vm0, $0xFFFFFFFF, v2;
	vm0 =	vmand vm14, vm15  }
0x12e: {  	v0 =	vsel vm0, v19, v0  }
0x12f: {  	vm10 =	vne.s32 v1, $0x29;
	[tilespmem:$0x1FF50] =	vst v2;
	v2 =	vimm.s32 $0x0;
	vm11 =	vgt.f32 v21, v0  }
0x130: {  	v2 =	vsel vm0, $0xFFFFFFFF, v2;
	vm0 =	vmand vm10, vm11  }
0x131: {  	v0 =	vsel vm0, v21, v0  }
0x132: {  	vm12 =	vne.s32 v1, $0x2A;
	[tilespmem:$0x1FF60] =	vst v2;
	v2 =	vimm.s32 $0x0;
	vm13 =	vgt.f32 v24, v0  }
0x133: {  	v2 =	vsel vm0, $0xFFFFFFFF, v2;
	vm0 =	vmand vm12, vm13  }
0x134: {  	v0 =	vsel vm0, v24, v0  }
0x135: {  	vm14 =	vne.s32 v1, $0x2B;
	[tilespmem:$0x1FF70] =	vst v2;
	v2 =	vimm.s32 $0x0;
	vm15 =	vgt.f32 v26, v0  }
0x136: {  	v2 =	vsel vm0, $0xFFFFFFFF, v2;
	vm0 =	vmand vm14, vm15  }
0x137: {  	v0 =	vsel vm0, v26, v0  }
0x138: {  	vm10 =	vne.s32 v1, $0x2C;
	[tilespmem:$0x1FF80] =	vst v2;
	v2 =	vimm.s32 $0x0;
	vm11 =	vgt.f32 v29, v0  }
0x139: {  	v2 =	vsel vm0, $0xFFFFFFFF, v2;
	vm0 =	vmand vm10, vm11  }
0x13a: {  	v0 =	vsel vm0, v29, v0  }
0x13b: {  	vm12 =	vne.s32 v1, $0x2D;
	[tilespmem:$0x1FF90] =	vst v2;
	v2 =	vimm.s32 $0x0;
	vm13 =	vgt.f32 v31, v0  }
0x13c: {  	v2 =	vsel vm0, $0xFFFFFFFF, v2;
	vm0 =	vmand vm12, vm13  }
0x13d: {  	v0 =	vsel vm0, v31, v0  }
0x13e: {  	vm14 =	vne.s32 v1, $0x2E;
	[tilespmem:$0x1FFA0] =	vst v2;
	v2 =	vimm.s32 $0x0;
	vm15 =	vgt.f32 v34, v0  }
0x13f: {  	v2 =	vsel vm0, $0xFFFFFFFF, v2;
	vm0 =	vmand vm14, vm15  }
0x140: {  	v0 =	vsel vm0, v34, v0  }
0x141: {  	vm10 =	vne.s32 v1, $0x2F;
	[tilespmem:$0x1FFB0] =	vst v2;
	v2 =	vimm.s32 $0x0;
	vm11 =	vgt.f32 v36, v0  }
0x142: {  	v2 =	vsel vm0, $0xFFFFFFFF, v2;
	vm0 =	vmand vm10, vm11  }
0x143: {  	v0 =	vsel vm0, v36, v0  }
0x144: {  	vm12 =	vne.s32 v1, $0x30;
	[tilespmem:$0x1FFC0] =	vst v2;
	v2 =	vimm.s32 $0x0;
	vm13 =	vgt.f32 v39, v0  }
0x145: {  	v2 =	vsel vm0, $0xFFFFFFFF, v2;
	vm0 =	vmand vm12, vm13  }
0x146: {  	v0 =	vsel vm0, v39, v0  }
0x147: {  	vm14 =	vne.s32 v1, $0x31;
	[tilespmem:$0x1FFD0] =	vst v2;
	v2 =	vimm.s32 $0x0;
	vm15 =	vgt.f32 v41, v0  }
0x148: {  	v2 =	vsel vm0, $0xFFFFFFFF, v2;
	vm0 =	vmand vm14, vm15  }
0x149: {  	v0 =	vsel vm0, v41, v0  }
0x14a: {  	vm10 =	vne.s32 v1, $0x32;
	vm11 =	vgt.f32 v44, v0  }
0x14b: {  	vm14 =	vmand vm10, vm11  }
0x14c: {  	v0 =	vsel vm14, v44, v0  }
0x14d: {  	vm12 =	vne.s32 v1, $0x33;
	[tilespmem:$0x1FFE0] =	vst v2;
	v2 =	vimm.s32 $0x0;
	vm13 =	vgt.f32 v46, v0  }
0x14e: {  	v2 =	vsel vm0, $0xFFFFFFFF, v2;
	vm13 =	vmand vm12, vm13  }
0x14f: {  	[tilespmem:$0x1FFF0] =	vst v2;
	v2 =	vimm.s32 $0x0;
	v0 =	vsel vm13, v46, v0  }
0x150: {  	vm15 =	vne.s32 v1, $0x34;
	v2 =	vsel vm2, $0x1, v2;
	vm10 =	vgt.f32 v47, v0  }
0x151: {  	v41 =	vld [tilespmem:$0x1FD50];
	v2 =	vsel vm3, $0x2, v2;
	vm12 =	vmand vm15, vm10  }
0x152: {  	v40 =	vld [tilespmem:$0x1FD40];
	v2 =	vsel vm4, $0x3, v2;
	v0 =	vsel vm12, v47, v0  }
0x153: {  	v45 =	vld [tilespmem:$0x1FD90];
	vm11 =	vne.s32 v1, $0x35;
	v2 =	vsel vm5, $0x4, v2;
	vm15 =	vgt.f32 v42, v0  }
0x154: {  	vm0 =	vne.s32 v1, $0x3C;
	v44 =	vld [tilespmem:$0x1FD80];
	v2 =	vsel vm6, $0x5, v2;
	vm11 =	vmand vm11, vm15  }
0x155: {  	vm5 =	vne.s32 v1, $0x36;
	v2 =	vsel vm7, $0x6, v2;
	v0 =	vsel vm11, v42, v0;
	v42 =	vld [tilespmem:$0x1FD60]  }
0x156: {  	v43 =	vld [tilespmem:$0x1FD70];
	vm4 =	vnez.u8 v41;
	v2 =	vsel vm8, $0x7, v2;
	vm6 =	vgt.f32 v37, v0  }
0x157: {  	v2 =	vsel vm9, $0x8, v2;
	vm15 =	vnez.u8 v40;
	vm10 =	vmand vm5, vm6  }
0x158: {  	vm8 =	vne.s32 v1, $0x37;
	v2 =	vsel vm15, $0x9, v2;
	v0 =	vsel vm10, v37, v0  }
0x159: {  	v46 =	vld [tilespmem:$0x1FDA0];
	vm15 =	vnez.u8 v44;
	v2 =	vsel vm4, $0xA, v2;
	vm9 =	vgt.f32 v32, v0  }
0x15a: {  	v47 =	vld [tilespmem:$0x1FDB0];
	vm4 =	vnez.u8 v45;
	vm9 =	vmand vm8, vm9;
	vm5 =	vnez.u8 v42  }
0x15b: {  	v48 =	vld [tilespmem:$0x1FDC0];
	vm8 =	vnez.u8 v43;
	v0 =	vsel vm9, v32, v0;
	v2 =	vsel vm5, $0xB, v2  }
0x15c: {  	v49 =	vld [tilespmem:$0x1FDD0];
	vm6 =	vne.s32 v1, $0x38;
	vm7 =	vgt.f32 v27, v0;
	v2 =	vsel vm8, $0xC, v2  }
0x15d: {  	v50 =	vld [tilespmem:$0x1FDE0];
	vm5 =	vne.s32 v1, $0x39;
	vm8 =	vmand vm6, vm7;
	v2 =	vsel vm15, $0xD, v2  }
0x15e: {  	vm7 =	vnez.u8 v46;
	v0 =	vsel vm8, v27, v0;
	v2 =	vsel vm4, $0xE, v2  }
0x15f: {  	v51 =	vld [tilespmem:$0x1FDF0];
	vm15 =	vnez.u8 v47;
	vm6 =	vgt.f32 v22, v0;
	v2 =	vsel vm7, $0xF, v2  }
0x160: {  	v52 =	vld [tilespmem:$0x1FE00];
	vm4 =	vnez.u8 v48;
	vm7 =	vmand vm5, vm6;
	v2 =	vsel vm15, $0x10, v2  }
0x161: {  	v53 =	vld [tilespmem:$0x1FE10];
	vm5 =	vne.s32 v1, $0x3A;
	vm15 =	vnez.u8 v49;
	v0 =	vsel vm7, v22, v0  }
0x162: {  	v54 =	vld [tilespmem:$0x1FE20];
	v2 =	vsel vm4, $0x11, v2;
	vm4 =	vnez.u8 v50;
	vm6 =	vgt.f32 v16, v0  }
0x163: {  	v55 =	vld [tilespmem:$0x1FE30];
	v2 =	vsel vm15, $0x12, v2;
	vm15 =	vne.s32 v1, $0x3B;
	vm6 =	vmand vm5, vm6  }
0x164: {  	v2 =	vsel vm4, $0x13, v2;
	vm5 =	vnez.u8 v51;
	v0 =	vsel vm6, v16, v0  }
0x165: {  	v2 =	vsel vm5, $0x14, v2;
	vm5 =	vnez.u8 v52;
	vm4 =	vgt.f32 v11, v0  }
0x166: {  	v2 =	vsel vm5, $0x15, v2;
	vm5 =	vmand vm15, vm4;
	vm15 =	vnez.u8 v53  }
0x167: {  	vm4 =	vnez.u8 v54;
	v2 =	vsel vm15, $0x16, v2;
	v0 =	vsel vm5, v11, v0  }
0x168: {  	v2 =	vsel vm4, $0x17, v2;
	vm15 =	vgt.f32 v6, v0;
	vm4 =	vnez.u8 v55  }
0x169: {  	v56 =	vld [tilespmem:$0x1FE40];
	v2 =	vsel vm4, $0x18, v2;
	vm4 =	vmand vm0, vm15  }
0x16a: {  	v57 =	vld [tilespmem:$0x1FE50];
	v0 =	vsel vm4, v6, v0  }
0x16b: {  	v58 =	vld [tilespmem:$0x1FE60];
	vm0 =	vne.s32 v1, $0x3D;
	vm1 =	vgt.f32 v3, v0  }
0x16c: {  	v59 =	vld [tilespmem:$0x1FE70];
	vm3 =	vmand vm0, vm1  }
0x16d: {  	v0 =	vsel vm3, v3, v0;
	v3 =	vld [tilespmem:$0x1FE80]  }
0x16e: {  	vm15 =	vnez.u8 v56  }
0x16f: {  	v2 =	vsel vm15, $0x19, v2;
	vm15 =	vnez.u8 v57  }
0x170: {  	v2 =	vsel vm15, $0x1A, v2;
	vm15 =	vnez.u8 v58  }
0x171: {  	v2 =	vsel vm15, $0x1B, v2;
	vm15 =	vnez.u8 v59  }
0x172: {  	v2 =	vsel vm15, $0x1C, v2;
	vm15 =	vnez.u8 v3;
	v3 =	vld [tilespmem:$0x1FE90];
	_ =	sdelay $0x4  }
0x173: {  	v2 =	vsel vm15, $0x1D, v2;
	vm15 =	vnez.u8 v3;
	v3 =	vld [tilespmem:$0x1FEA0];
	_ =	sdelay $0x4  }
0x174: {  	v2 =	vsel vm15, $0x1E, v2;
	vm15 =	vnez.u8 v3;
	v3 =	vld [tilespmem:$0x1FEB0];
	_ =	sdelay $0x4  }
0x175: {  	v2 =	vsel vm15, $0x1F, v2;
	vm15 =	vnez.u8 v3;
	v3 =	vld [tilespmem:$0x1FED0];
	_ =	sdelay $0x2  }
0x176: {  	v60 =	vld [tilespmem:$0x1FEC0]  }
0x177: {  	v61 =	vld [tilespmem:$0x1FEF0];
	vm0 =	vne.s32 v1, $0x3E  }
0x178: {  	vm1 =	vgt.f32 v17, v0;
	v2 =	vsel vm15, $0x20, v2;
	vm15 =	vnez.u8 v3;
	v3 =	vld [tilespmem:$0x1FEE0]  }
0x179: {  	vm2 =	vmand vm0, vm1  }
0x17a: {  	v0 =	vsel vm2, v17, v0  }
0x17b: {  	vm1 =	vne.s32 v1, $0x3F;
	vm0 =	vgt.f32 v60, v0  }
0x17c: {  	v62 =	vld [tilespmem:$0x1FF00];
	[tilespmem:$0x1FF10] =	vst v4;
	vm0 =	vmand vm1, vm0;
	v2 =	vsel vm15, $0x21, v2;
	vm15 =	vnez.u8 v61  }
0x17d: {  	v63 =	vld [tilespmem:$0x1FF10];
	v0 =	vsel vm0, v60, v0;
	v3 =	vsel vm15, v60, v3  }
0x17e: {  	v0 =	vsub.f32 v0, v3;
	v3 =	vld [tilespmem:$0x1FF20];
	_ =	sdelay $0x2  }
0x17f: {  	vm15 =	vnez.u8 v62  }
0x180: {  	v2 =	vsel vm15, $0x22, v2;
	vm15 =	vnez.u8 v63  }
0x181: {  	v2 =	vsel vm15, $0x23, v2;
	vm15 =	vnez.u8 v3;
	v3 =	vld [tilespmem:$0x1FF30];
	_ =	sdelay $0x4  }
0x182: {  	v2 =	vsel vm15, $0x24, v2;
	vm15 =	vnez.u8 v3;
	v3 =	vld [tilespmem:$0x1FF40];
	_ =	sdelay $0x3  }
0x183: {  	v0 =	vmul.f32 $1.442695020e+00, v0  }
0x184: {  	v2 =	vsel vm15, $0x25, v2;
	vm15 =	vnez.u8 v3;
	v3 =	vld [tilespmem:$0x1FF50]  }
0x185: {  	(erf) = vpow2.f32 v0;
	v0 =	vld [tilespmem:$0x1FF60];
	_ =	sdelay $0x3  }
0x186: {  	v2 =	vsel vm15, $0x26, v2;
	vm15 =	vnez.u8 v3  }
0x187: {  	v2 =	vsel vm15, $0x27, v2;
	vm15 =	vnez.u8 v0  }
0x188: {  	v0 =	vsel vm15, $0x28, v2;
	v2 =	vld [tilespmem:$0x1FF70];
	_ =	sdelay $0x4  }
0x189: {  	vm15 =	vnez.u8 v2;
	v2 =	vld [tilespmem:$0x1FF80];
	_ =	sdelay $0x4  }
0x18a: {  	v0 =	vsel vm15, $0x29, v0;
	vm15 =	vnez.u8 v2;
	v2 =	vld [tilespmem:$0x1FF90];
	_ =	sdelay $0x4  }
0x18b: {  	v0 =	vsel vm15, $0x2A, v0;
	vm15 =	vnez.u8 v2;
	v2 =	vld [tilespmem:$0x1FFA0];
	_ =	sdelay $0x4  }
0x18c: {  	v0 =	vsel vm15, $0x2B, v0;
	vm15 =	vnez.u8 v2;
	v2 =	vld [tilespmem:$0x1FFB0];
	_ =	sdelay $0x4  }
0x18d: {  	v0 =	vsel vm15, $0x2C, v0;
	vm15 =	vnez.u8 v2;
	v2 =	vld [tilespmem:$0x1FFC0];
	_ =	sdelay $0x4  }
0x18e: {  	v0 =	vsel vm15, $0x2D, v0;
	vm15 =	vnez.u8 v2;
	v2 =	vld [tilespmem:$0x1FFD0];
	_ =	sdelay $0x4  }
0x18f: {  	v0 =	vsel vm15, $0x2E, v0;
	vm15 =	vnez.u8 v2;
	v2 =	vld [tilespmem:$0x1FFE0]  }
0x190: {  	v3 =	vld [tilespmem:$0x1FFF0];
	_ =	sdelay $0x3  }
0x191: {  	v0 =	vsel vm15, $0x2F, v0;
	vm15 =	vnez.u8 v2  }
0x192: {  	v2 =	vpop (erf);
	v0 =	vsel vm15, $0x30, v0;
	vm15 =	vnez.u8 v3  }
0x193: {  	v2 =	vadd.f32 $1.000000000e+00, v2;
	v0 =	vsel vm15, $0x31, v0  }
0x194: {  	v0 =	vsel vm14, $0x32, v0  }
0x195: {  	(erf) = vrcp.f32 v2;
	v0 =	vsel vm13, $0x33, v0  }
0x196: {  	v0 =	vsel vm12, $0x34, v0  }
0x197: {  	v0 =	vsel vm11, $0x35, v0  }
0x198: {  	v0 =	vsel vm10, $0x36, v0  }
0x199: {  	v0 =	vsel vm9, $0x37, v0  }
0x19a: {  	v0 =	vsel vm8, $0x38, v0  }
0x19b: {  	v0 =	vsel vm7, $0x39, v0  }
0x19c: {  	v0 =	vsel vm6, $0x3A, v0  }
0x19d: {  	s31 =	simm.s32 $0x0;
	v0 =	vsel vm5, $0x3B, v0  }
0x19e: {  	s15 =	sand.u32 $0xFFFFFF00, s31;
	v2 =	vpop (erf);
	v0 =	vsel vm4, $0x3C, v0  }
0x19f: {  	s20 =	simm.s32 $0x2;
	s19 =	sor.u32 s14, s15;
	s16 =	sor.u32 s15, s2;
	v3 =	vsub.f32 $1.000000000e+00, v2;
	v0 =	vsel vm3, $0x3D, v0  }
0x1a0: {  	s22 =	simm.s32 $0x80;
	s21 =	sor.u32 $0x80, s16;
	s13 =	simm.s32 $0x10;
	[tilespmem:s19+$0x4000] =	vst v2;
	v0 =	vsel vm2, $0x3E, v0  }
0x1a1: {  	s15 =	simm.s32 $0x1;
	s16 =	simm.s32 $0x20;
	s14 =	sand.u32 $0x70, s13;
	[tilespmem:s21+$0x4000] =	vst v3;
	v0 =	vsel vm0, $0x3F, v0  }
.LBB2_2:
0x1a2: {  	s22 =	sand.u32 $0x3FFFFC00, s22;
	[tilespmem:s19+$0x4200] =	vst v1  }
0x1a3: {  	s30 =	sor.u32 s14, s22;
	[tilespmem:s21+$0x4200] =	vst v0  }
0x1a4: {  	v5 =	vld [tilespmem:s30+$0x0]  }
0x1a5: {  	v6 =	vld [tilespmem:s30+$0x80];
	_ =	sdelay $0x1  }
0x1a6: {  	v7 =	vld [tilespmem:s30+$0x100];
	_ =	sdelay $0x1  }
0x1a7: {  	v63 =	vld [tilespmem:s30+$0x180]  }
0x1a8: {  	vm0 =	vlt.f32 v5, $-Inf;
	vm1 =	vgt.f32 v5, $-Inf;
	vm2 =	vgt.f32 v6, v5  }
0x1a9: {  	v0 =	vimm.s32 $0x0;
	v62 =	vld [tilespmem:s30+$0x200];
	vm0 =	vmor vm1, vm0;
	v1 =	vsel vm2, v6, v5  }
0x1aa: {  	v0 =	vsel vm0, $0xFFFFFFFF, v0;
	vm0 =	vgt.f32 v7, v1  }
0x1ab: {  	v61 =	vld [tilespmem:s30+$0x280];
	v1 =	vsel vm0, v7, v1  }
0x1ac: {  	vm1 =	vgt.f32 v63, v1  }
0x1ad: {  	v60 =	vld [tilespmem:s30+$0x300];
	v1 =	vsel vm1, v63, v1  }
0x1ae: {  	vm3 =	vgt.f32 v62, v1  }
0x1af: {  	v59 =	vld [tilespmem:s30+$0x380];
	v1 =	vsel vm3, v62, v1  }
0x1b0: {  	vm4 =	vgt.f32 v61, v1  }
0x1b1: {  	v58 =	vld [tilespmem:s30+$0x800];
	v1 =	vsel vm4, v61, v1  }
0x1b2: {  	vm5 =	vgt.f32 v60, v1  }
0x1b3: {  	v57 =	vld [tilespmem:s30+$0x880];
	v1 =	vsel vm5, v60, v1  }
0x1b4: {  	vm6 =	vgt.f32 v59, v1  }
0x1b5: {  	v56 =	vld [tilespmem:s30+$0x900];
	v1 =	vsel vm6, v59, v1  }
0x1b6: {  	vm7 =	vgt.f32 v58, v1  }
0x1b7: {  	v55 =	vld [tilespmem:s30+$0x980];
	v1 =	vsel vm7, v58, v1  }
0x1b8: {  	vm8 =	vgt.f32 v57, v1  }
0x1b9: {  	v54 =	vld [tilespmem:s30+$0xA00];
	v1 =	vsel vm8, v57, v1  }
0x1ba: {  	vm9 =	vgt.f32 v56, v1  }
0x1bb: {  	v53 =	vld [tilespmem:s30+$0xA80];
	v1 =	vsel vm9, v56, v1  }
0x1bc: {  	[tilespmem:$0x1F8E0] =	vst v0;
	v0 =	vimm.s32 $0x0;
	vm10 =	vgt.f32 v55, v1  }
0x1bd: {  	v52 =	vld [tilespmem:s30+$0xB00];
	v0 =	vsel vm10, $0xFFFFFFFF, v0;
	v1 =	vsel vm10, v55, v1  }
0x1be: {  	[tilespmem:$0x1F790] =	vst v0;
	vm10 =	vgt.f32 v54, v1;
	v0 =	vimm.s32 $0x0  }
0x1bf: {  	v51 =	vld [tilespmem:s30+$0xB80];
	v0 =	vsel vm10, $0xFFFFFFFF, v0;
	v1 =	vsel vm10, v54, v1  }
0x1c0: {  	[tilespmem:$0x1F7A0] =	vst v0;
	vm10 =	vgt.f32 v53, v1;
	v0 =	vimm.s32 $0x0  }
0x1c1: {  	v50 =	vld [tilespmem:s30+$0x1000];
	v0 =	vsel vm10, $0xFFFFFFFF, v0;
	v1 =	vsel vm10, v53, v1  }
0x1c2: {  	[tilespmem:$0x1F7B0] =	vst v0;
	vm10 =	vgt.f32 v52, v1;
	v0 =	vimm.s32 $0x0  }
0x1c3: {  	v49 =	vld [tilespmem:s30+$0x1080];
	v0 =	vsel vm10, $0xFFFFFFFF, v0;
	v1 =	vsel vm10, v52, v1  }
0x1c4: {  	[tilespmem:$0x1F7C0] =	vst v0;
	vm10 =	vgt.f32 v51, v1;
	v0 =	vimm.s32 $0x0  }
0x1c5: {  	v48 =	vld [tilespmem:s30+$0x1100];
	v0 =	vsel vm10, $0xFFFFFFFF, v0;
	v1 =	vsel vm10, v51, v1  }
0x1c6: {  	[tilespmem:$0x1F7D0] =	vst v0;
	vm10 =	vgt.f32 v50, v1;
	v0 =	vimm.s32 $0x0  }
0x1c7: {  	v47 =	vld [tilespmem:s30+$0x1180];
	v0 =	vsel vm10, $0xFFFFFFFF, v0;
	v1 =	vsel vm10, v50, v1  }
0x1c8: {  	[tilespmem:$0x1F7E0] =	vst v0;
	vm10 =	vgt.f32 v49, v1;
	v0 =	vimm.s32 $0x0  }
0x1c9: {  	v46 =	vld [tilespmem:s30+$0x1200];
	v0 =	vsel vm10, $0xFFFFFFFF, v0;
	v1 =	vsel vm10, v49, v1  }
0x1ca: {  	[tilespmem:$0x1F7F0] =	vst v0;
	vm10 =	vgt.f32 v48, v1;
	v0 =	vimm.s32 $0x0  }
0x1cb: {  	v45 =	vld [tilespmem:s30+$0x1280];
	v0 =	vsel vm10, $0xFFFFFFFF, v0;
	v1 =	vsel vm10, v48, v1  }
0x1cc: {  	[tilespmem:$0x1F800] =	vst v0;
	vm10 =	vgt.f32 v47, v1;
	v0 =	vimm.s32 $0x0  }
0x1cd: {  	v44 =	vld [tilespmem:s30+$0x1300];
	v0 =	vsel vm10, $0xFFFFFFFF, v0;
	v1 =	vsel vm10, v47, v1  }
0x1ce: {  	[tilespmem:$0x1F810] =	vst v0;
	vm10 =	vgt.f32 v46, v1;
	v0 =	vimm.s32 $0x0  }
0x1cf: {  	v43 =	vld [tilespmem:s30+$0x1380];
	v0 =	vsel vm10, $0xFFFFFFFF, v0;
	v1 =	vsel vm10, v46, v1  }
0x1d0: {  	[tilespmem:$0x1F820] =	vst v0;
	vm10 =	vgt.f32 v45, v1;
	v0 =	vimm.s32 $0x0  }
0x1d1: {  	v42 =	vld [tilespmem:s30+$0x1800];
	v0 =	vsel vm10, $0xFFFFFFFF, v0;
	v1 =	vsel vm10, v45, v1  }
0x1d2: {  	[tilespmem:$0x1F830] =	vst v0;
	vm10 =	vgt.f32 v44, v1;
	v0 =	vimm.s32 $0x0  }
0x1d3: {  	v41 =	vld [tilespmem:s30+$0x1880];
	v0 =	vsel vm10, $0xFFFFFFFF, v0;
	v1 =	vsel vm10, v44, v1  }
0x1d4: {  	[tilespmem:$0x1F840] =	vst v0;
	vm10 =	vgt.f32 v43, v1;
	v0 =	vimm.s32 $0x0  }
0x1d5: {  	v40 =	vld [tilespmem:s30+$0x1900];
	v0 =	vsel vm10, $0xFFFFFFFF, v0;
	v1 =	vsel vm10, v43, v1  }
0x1d6: {  	[tilespmem:$0x1F850] =	vst v0;
	vm10 =	vgt.f32 v42, v1;
	v0 =	vimm.s32 $0x0  }
0x1d7: {  	v39 =	vld [tilespmem:s30+$0x1980];
	v0 =	vsel vm10, $0xFFFFFFFF, v0;
	v1 =	vsel vm10, v42, v1  }
0x1d8: {  	[tilespmem:$0x1F860] =	vst v0;
	vm10 =	vgt.f32 v41, v1;
	v0 =	vimm.s32 $0x0  }
0x1d9: {  	v38 =	vld [tilespmem:s30+$0x1A00];
	v0 =	vsel vm10, $0xFFFFFFFF, v0;
	v1 =	vsel vm10, v41, v1  }
0x1da: {  	[tilespmem:$0x1F870] =	vst v0;
	vm10 =	vgt.f32 v40, v1;
	v0 =	vimm.s32 $0x0  }
0x1db: {  	v37 =	vld [tilespmem:s30+$0x1A80];
	v0 =	vsel vm10, $0xFFFFFFFF, v0;
	v1 =	vsel vm10, v40, v1  }
0x1dc: {  	[tilespmem:$0x1F880] =	vst v0;
	vm10 =	vgt.f32 v39, v1;
	v0 =	vimm.s32 $0x0  }
0x1dd: {  	v36 =	vld [tilespmem:s30+$0x1B00];
	v0 =	vsel vm10, $0xFFFFFFFF, v0;
	v1 =	vsel vm10, v39, v1  }
0x1de: {  	[tilespmem:$0x1F890] =	vst v0;
	vm10 =	vgt.f32 v38, v1;
	v0 =	vimm.s32 $0x0  }
0x1df: {  	v35 =	vld [tilespmem:s30+$0x1B80];
	v0 =	vsel vm10, $0xFFFFFFFF, v0;
	v1 =	vsel vm10, v38, v1  }
0x1e0: {  	[tilespmem:$0x1F8A0] =	vst v0;
	vm10 =	vgt.f32 v37, v1;
	v0 =	vimm.s32 $0x0  }
0x1e1: {  	v0 =	vsel vm10, $0xFFFFFFFF, v0;
	v1 =	vsel vm10, v37, v1  }
0x1e2: {  	[tilespmem:$0x1F8B0] =	vst v0;
	vm10 =	vgt.f32 v36, v1;
	v0 =	vimm.s32 $0x0  }
0x1e3: {  	v0 =	vsel vm10, $0xFFFFFFFF, v0;
	v1 =	vsel vm10, v36, v1  }
0x1e4: {  	[tilespmem:$0x1F8C0] =	vst v0;
	vm10 =	vgt.f32 v35, v1;
	v0 =	vimm.s32 $0x0  }
0x1e5: {  	v0 =	vsel vm10, $0xFFFFFFFF, v0  }
0x1e6: {  	[tilespmem:$0x1F8D0] =	vst v0;
	v0 =	vimm.s32 $0x0  }
0x1e7: {  	v4 =	vsel vm2, $0x1, v0  }
0x1e8: {  	v4 =	vsel vm0, $0x2, v4  }
0x1e9: {  	v0 =	vld [tilespmem:$0x1F790];
	v4 =	vsel vm1, $0x3, v4  }
0x1ea: {  	v4 =	vsel vm3, $0x4, v4  }
0x1eb: {  	v4 =	vsel vm4, $0x5, v4  }
0x1ec: {  	v4 =	vsel vm5, $0x6, v4  }
0x1ed: {  	v4 =	vsel vm6, $0x7, v4  }
0x1ee: {  	v4 =	vsel vm7, $0x8, v4;
	vm7 =	vnez.u8 v0;
	v0 =	vld [tilespmem:$0x1F7A0];
	_ =	sdelay $0x4  }
0x1ef: {  	v4 =	vsel vm8, $0x9, v4;
	vm8 =	vnez.u8 v0;
	v0 =	vld [tilespmem:$0x1F7B0];
	_ =	sdelay $0x4  }
0x1f0: {  	vm15 =	vnez.u8 v0;
	v0 =	vld [tilespmem:$0x1F7C0];
	_ =	sdelay $0x4  }
0x1f1: {  	vm4 =	vnez.u8 v0;
	v0 =	vld [tilespmem:$0x1F7D0];
	_ =	sdelay $0x4  }
0x1f2: {  	vm5 =	vnez.u8 v0;
	v0 =	vld [tilespmem:$0x1F7E0];
	_ =	sdelay $0x4  }
0x1f3: {  	vm6 =	vnez.u8 v0;
	v0 =	vld [tilespmem:$0x1F7F0];
	_ =	sdelay $0x1  }
0x1f4: {  	v4 =	vsel vm9, $0xA, v4  }
0x1f5: {  	v4 =	vsel vm7, $0xB, v4  }
0x1f6: {  	v4 =	vsel vm8, $0xC, v4  }
0x1f7: {  	v4 =	vsel vm15, $0xD, v4;
	vm15 =	vnez.u8 v0;
	v0 =	vld [tilespmem:$0x1F800];
	_ =	sdelay $0x4  }
0x1f8: {  	v4 =	vsel vm4, $0xE, v4;
	vm4 =	vnez.u8 v0;
	v0 =	vld [tilespmem:$0x1F810];
	_ =	sdelay $0x4  }
0x1f9: {  	v4 =	vsel vm5, $0xF, v4;
	vm5 =	vnez.u8 v0;
	v0 =	vld [tilespmem:$0x1F820];
	_ =	sdelay $0x3  }
0x1fa: {  	v4 =	vsel vm6, $0x10, v4  }
0x1fb: {  	v4 =	vsel vm15, $0x11, v4;
	vm15 =	vnez.u8 v0;
	v0 =	vld [tilespmem:$0x1F830];
	_ =	sdelay $0x4  }
0x1fc: {  	v4 =	vsel vm4, $0x12, v4;
	vm4 =	vnez.u8 v0;
	v0 =	vld [tilespmem:$0x1F840];
	_ =	sdelay $0x3  }
0x1fd: {  	v4 =	vsel vm5, $0x13, v4  }
0x1fe: {  	v4 =	vsel vm15, $0x14, v4;
	vm15 =	vnez.u8 v0;
	v0 =	vld [tilespmem:$0x1F850];
	_ =	sdelay $0x3  }
0x1ff: {  	v4 =	vsel vm4, $0x15, v4  }
0x200: {  	v4 =	vsel vm15, $0x16, v4;
	vm15 =	vnez.u8 v0;
	v0 =	vld [tilespmem:$0x1F860];
	_ =	sdelay $0x4  }
0x201: {  	v4 =	vsel vm15, $0x17, v4;
	vm15 =	vnez.u8 v0;
	v0 =	vld [tilespmem:$0x1F870]  }
0x202: {  	v34 =	vld [tilespmem:s30+$0x2000];
	_ =	sdelay $0x1  }
0x203: {  	v33 =	vld [tilespmem:s30+$0x2080]  }
0x204: {  	v32 =	vld [tilespmem:s30+$0x2100]  }
0x205: {  	v1 =	vsel vm10, v35, v1;
	v4 =	vsel vm15, $0x18, v4;
	vm15 =	vnez.u8 v0;
	v0 =	vld [tilespmem:$0x1F880]  }
0x206: {  	vm14 =	vgt.f32 v34, v1  }
0x207: {  	v15 =	vld [tilespmem:s30+$0x2180];
	v1 =	vsel vm14, v34, v1  }
0x208: {  	vm13 =	vgt.f32 v33, v1  }
0x209: {  	v16 =	vld [tilespmem:s30+$0x2200];
	v1 =	vsel vm13, v33, v1  }
0x20a: {  	vm12 =	vgt.f32 v32, v1;
	v4 =	vsel vm15, $0x19, v4;
	vm15 =	vnez.u8 v0;
	v0 =	vld [tilespmem:$0x1F890]  }
0x20b: {  	v17 =	vld [tilespmem:s30+$0x2280];
	v1 =	vsel vm12, v32, v1  }
0x20c: {  	vm11 =	vgt.f32 v15, v1  }
0x20d: {  	v18 =	vld [tilespmem:s30+$0x2300];
	v1 =	vsel vm11, v15, v1  }
0x20e: {  	v19 =	vld [tilespmem:s30+$0x2380];
	vm10 =	vgt.f32 v16, v1  }
0x20f: {  	v1 =	vsel vm10, v16, v1;
	v4 =	vsel vm15, $0x1A, v4;
	vm15 =	vnez.u8 v0;
	v0 =	vld [tilespmem:$0x1F8A0]  }
0x210: {  	vm9 =	vgt.f32 v17, v1  }
0x211: {  	v20 =	vld [tilespmem:s30+$0x2800];
	v1 =	vsel vm9, v17, v1  }
0x212: {  	vm8 =	vgt.f32 v18, v1  }
0x213: {  	v21 =	vld [tilespmem:s30+$0x2880];
	v1 =	vsel vm8, v18, v1  }
0x214: {  	vm7 =	vgt.f32 v19, v1;
	v4 =	vsel vm15, $0x1B, v4;
	vm15 =	vnez.u8 v0;
	v0 =	vld [tilespmem:$0x1F8B0]  }
0x215: {  	v22 =	vld [tilespmem:s30+$0x2900];
	v1 =	vsel vm7, v19, v1  }
0x216: {  	vm6 =	vgt.f32 v20, v1  }
0x217: {  	v23 =	vld [tilespmem:s30+$0x2980];
	v1 =	vsel vm6, v20, v1  }
0x218: {  	v24 =	vld [tilespmem:s30+$0x2A00];
	vm5 =	vgt.f32 v21, v1  }
0x219: {  	v1 =	vsel vm5, v21, v1;
	v4 =	vsel vm15, $0x1C, v4;
	vm15 =	vnez.u8 v0;
	v0 =	vld [tilespmem:$0x1F8C0]  }
0x21a: {  	vm4 =	vgt.f32 v22, v1  }
0x21b: {  	v25 =	vld [tilespmem:s30+$0x2A80];
	v1 =	vsel vm4, v22, v1  }
0x21c: {  	vm3 =	vgt.f32 v23, v1  }
0x21d: {  	v26 =	vld [tilespmem:s30+$0x2B00];
	v1 =	vsel vm3, v23, v1  }
0x21e: {  	vm2 =	vgt.f32 v24, v1;
	v4 =	vsel vm15, $0x1D, v4;
	vm15 =	vnez.u8 v0;
	v0 =	vld [tilespmem:$0x1F8D0]  }
0x21f: {  	v27 =	vld [tilespmem:s30+$0x2B80];
	v1 =	vsel vm2, v24, v1  }
0x220: {  	vm1 =	vgt.f32 v25, v1  }
0x221: {  	v28 =	vld [tilespmem:s30+$0x3000];
	v1 =	vsel vm1, v25, v1  }
0x222: {  	vm0 =	vgt.f32 v26, v1  }
0x223: {  	v29 =	vld [tilespmem:s30+$0x3080];
	v1 =	vsel vm0, v26, v1;
	v4 =	vsel vm15, $0x1E, v4;
	vm15 =	vnez.u8 v0  }
0x224: {  	v4 =	vsel vm15, $0x1F, v4;
	vm15 =	vgt.f32 v27, v1  }
0x225: {  	v30 =	vld [tilespmem:s30+$0x3100];
	v4 =	vsel vm14, $0x20, v4;
	v1 =	vsel vm15, v27, v1  }
0x226: {  	v4 =	vsel vm13, $0x21, v4;
	vm13 =	vgt.f32 v28, v1  }
0x227: {  	v31 =	vld [tilespmem:s30+$0x3180];
	v4 =	vsel vm12, $0x22, v4;
	v1 =	vsel vm13, v28, v1  }
0x228: {  	v4 =	vsel vm11, $0x23, v4;
	vm11 =	vgt.f32 v29, v1  }
0x229: {  	v14 =	vld [tilespmem:s30+$0x3200];
	v4 =	vsel vm10, $0x24, v4;
	v1 =	vsel vm11, v29, v1  }
0x22a: {  	v4 =	vsel vm9, $0x25, v4;
	vm9 =	vgt.f32 v30, v1  }
0x22b: {  	v13 =	vld [tilespmem:s30+$0x3280];
	v4 =	vsel vm8, $0x26, v4;
	v1 =	vsel vm9, v30, v1  }
0x22c: {  	v4 =	vsel vm7, $0x27, v4;
	vm7 =	vgt.f32 v31, v1  }
0x22d: {  	v12 =	vld [tilespmem:s30+$0x3300];
	v4 =	vsel vm6, $0x28, v4;
	v1 =	vsel vm7, v31, v1  }
0x22e: {  	v4 =	vsel vm5, $0x29, v4;
	vm10 =	vgt.f32 v14, v1  }
0x22f: {  	v11 =	vld [tilespmem:s30+$0x3380];
	v4 =	vsel vm4, $0x2A, v4;
	v1 =	vsel vm10, v14, v1  }
0x230: {  	v4 =	vsel vm3, $0x2B, v4;
	vm12 =	vgt.f32 v13, v1  }
0x231: {  	v10 =	vld [tilespmem:s30+$0x3800];
	v4 =	vsel vm2, $0x2C, v4;
	v1 =	vsel vm12, v13, v1  }
0x232: {  	v4 =	vsel vm1, $0x2D, v4;
	vm14 =	vgt.f32 v12, v1  }
0x233: {  	v9 =	vld [tilespmem:s30+$0x3880];
	v4 =	vsel vm0, $0x2E, v4;
	v1 =	vsel vm14, v12, v1  }
0x234: {  	v4 =	vsel vm15, $0x2F, v4;
	vm15 =	vgt.f32 v11, v1  }
0x235: {  	v0 =	vld [tilespmem:s30+$0x3900];
	v1 =	vsel vm15, v11, v1  }
0x236: {  	v4 =	vsel vm13, $0x30, v4;
	vm8 =	vgt.f32 v10, v1  }
0x237: {  	v2 =	vld [tilespmem:s30+$0x3980];
	v4 =	vsel vm11, $0x31, v4;
	v1 =	vsel vm8, v10, v1  }
0x238: {  	v4 =	vsel vm9, $0x32, v4;
	vm9 =	vgt.f32 v9, v1  }
0x239: {  	v3 =	vld [tilespmem:s30+$0x3A00];
	v4 =	vsel vm7, $0x33, v4;
	v1 =	vsel vm9, v9, v1  }
0x23a: {  	v4 =	vsel vm10, $0x34, v4;
	vm10 =	vgt.f32 v0, v1  }
0x23b: {  	v8 =	vsel vm12, $0x35, v4;
	v4 =	vld [tilespmem:s30+$0x3A80];
	v1 =	vsel vm10, v0, v1  }
0x23c: {  	v8 =	vsel vm14, $0x36, v8;
	vm11 =	vgt.f32 v2, v1  }
0x23d: {  	[tilespmem:$0x1F980] =	vst v0;
	v0 =	vsel vm15, $0x37, v8;
	v8 =	vld [tilespmem:s30+$0x3B00];
	v1 =	vsel vm11, v2, v1  }
0x23e: {  	v0 =	vsel vm8, $0x38, v0;
	vm12 =	vgt.f32 v3, v1  }
0x23f: {  	[tilespmem:$0x1F9C0] =	vst v2;
	v2 =	vsel vm9, $0x39, v0;
	v0 =	vld [tilespmem:s30+$0x3B80];
	v1 =	vsel vm12, v3, v1  }
0x240: {  	vm13 =	vgt.f32 v4, v1  }
0x241: {  	v1 =	vsel vm13, v4, v1  }
0x242: {  	vm14 =	vgt.f32 v8, v1  }
0x243: {  	v1 =	vsel vm14, v8, v1  }
0x244: {  	v2 =	vsel vm10, $0x3A, v2;
	vm15 =	vgt.f32 v0, v1  }
0x245: {  	v2 =	vsel vm11, $0x3B, v2;
	[tilespmem:$0x1FA90] =	vst v0;
	v1 =	vsel vm15, v0, v1;
	v0 =	vld [tilespmem:$0x1F8E0]  }
0x246: {  	v2 =	vsel vm12, $0x3C, v2  }
0x247: {  	v2 =	vsel vm13, $0x3D, v2  }
0x248: {  	v2 =	vsel vm14, $0x3E, v2  }
0x249: {  	[tilespmem:$0x1FAD0] =	vst v1;
	v1 =	vsel vm15, $0x3F, v2  }
0x24a: {  	vm0 =	vne.s32 v1, $0x0;
	vm4 =	vnez.u8 v0  }
0x24b: {  	vm0 =	vmand vm4, vm0  }
0x24c: {  	v0 =	vnsel vm0, $0xFF800000, v5  }
0x24d: {  	vm5 =	vne.s32 v1, $0x1;
	vm6 =	vgt.f32 v6, v0  }
0x24e: {  	vm2 =	vmand vm5, vm6  }
0x24f: {  	v0 =	vsel vm2, v6, v0  }
0x250: {  	vm7 =	vne.s32 v1, $0x2;
	vm8 =	vgt.f32 v7, v0  }
0x251: {  	vm3 =	vmand vm7, vm8  }
0x252: {  	v0 =	vsel vm3, v7, v0  }
0x253: {  	vm9 =	vne.s32 v1, $0x3;
	vm10 =	vgt.f32 v63, v0  }
0x254: {  	vm4 =	vmand vm9, vm10  }
0x255: {  	v0 =	vsel vm4, v63, v0  }
0x256: {  	vm11 =	vne.s32 v1, $0x4;
	vm12 =	vgt.f32 v62, v0  }
0x257: {  	vm5 =	vmand vm11, vm12  }
0x258: {  	v0 =	vsel vm5, v62, v0  }
0x259: {  	vm13 =	vne.s32 v1, $0x5;
	vm14 =	vgt.f32 v61, v0  }
0x25a: {  	vm6 =	vmand vm13, vm14  }
0x25b: {  	v0 =	vsel vm6, v61, v0  }
0x25c: {  	vm15 =	vne.s32 v1, $0x6;
	vm7 =	vgt.f32 v60, v0  }
0x25d: {  	vm7 =	vmand vm15, vm7  }
0x25e: {  	v0 =	vsel vm7, v60, v0  }
0x25f: {  	vm8 =	vne.s32 v1, $0x7;
	vm9 =	vgt.f32 v59, v0  }
0x260: {  	vm8 =	vmand vm8, vm9  }
0x261: {  	v0 =	vsel vm8, v59, v0  }
0x262: {  	vm10 =	vne.s32 v1, $0x8;
	vm11 =	vgt.f32 v58, v0  }
0x263: {  	vm9 =	vmand vm10, vm11  }
0x264: {  	v0 =	vsel vm9, v58, v0  }
0x265: {  	vm12 =	vne.s32 v1, $0x9;
	vm13 =	vgt.f32 v57, v0  }
0x266: {  	vm0 =	vmand vm12, vm13  }
0x267: {  	v0 =	vsel vm0, v57, v0  }
0x268: {  	v2 =	vimm.s32 $0x0;
	vm14 =	vne.s32 v1, $0xA;
	vm15 =	vgt.f32 v56, v0  }
0x269: {  	v2 =	vsel vm0, $0xFFFFFFFF, v2;
	vm0 =	vmand vm14, vm15  }
0x26a: {  	v0 =	vsel vm0, v56, v0  }
0x26b: {  	vm10 =	vne.s32 v1, $0xB;
	[tilespmem:$0x1F8F0] =	vst v2;
	v2 =	vimm.s32 $0x0;
	vm11 =	vgt.f32 v55, v0  }
0x26c: {  	v2 =	vsel vm0, $0xFFFFFFFF, v2;
	vm0 =	vmand vm10, vm11  }
0x26d: {  	v0 =	vsel vm0, v55, v0  }
0x26e: {  	vm12 =	vne.s32 v1, $0xC;
	[tilespmem:$0x1F900] =	vst v2;
	v2 =	vimm.s32 $0x0;
	vm13 =	vgt.f32 v54, v0  }
0x26f: {  	v2 =	vsel vm0, $0xFFFFFFFF, v2;
	vm0 =	vmand vm12, vm13  }
0x270: {  	v0 =	vsel vm0, v54, v0  }
0x271: {  	vm14 =	vne.s32 v1, $0xD;
	[tilespmem:$0x1F910] =	vst v2;
	v2 =	vimm.s32 $0x0;
	vm15 =	vgt.f32 v53, v0  }
0x272: {  	v2 =	vsel vm0, $0xFFFFFFFF, v2;
	vm0 =	vmand vm14, vm15  }
0x273: {  	v0 =	vsel vm0, v53, v0  }
0x274: {  	vm10 =	vne.s32 v1, $0xE;
	[tilespmem:$0x1F920] =	vst v2;
	v2 =	vimm.s32 $0x0;
	vm11 =	vgt.f32 v52, v0  }
0x275: {  	v2 =	vsel vm0, $0xFFFFFFFF, v2;
	vm0 =	vmand vm10, vm11  }
0x276: {  	v0 =	vsel vm0, v52, v0  }
0x277: {  	vm12 =	vne.s32 v1, $0xF;
	[tilespmem:$0x1F930] =	vst v2;
	v2 =	vimm.s32 $0x0;
	vm13 =	vgt.f32 v51, v0  }
0x278: {  	v2 =	vsel vm0, $0xFFFFFFFF, v2;
	vm0 =	vmand vm12, vm13  }
0x279: {  	v0 =	vsel vm0, v51, v0  }
0x27a: {  	vm14 =	vne.s32 v1, $0x10;
	[tilespmem:$0x1F940] =	vst v2;
	v2 =	vimm.s32 $0x0;
	vm15 =	vgt.f32 v50, v0  }
0x27b: {  	v2 =	vsel vm0, $0xFFFFFFFF, v2;
	vm0 =	vmand vm14, vm15  }
0x27c: {  	v0 =	vsel vm0, v50, v0  }
0x27d: {  	vm10 =	vne.s32 v1, $0x11;
	[tilespmem:$0x1F950] =	vst v2;
	v2 =	vimm.s32 $0x0;
	vm11 =	vgt.f32 v49, v0  }
0x27e: {  	v2 =	vsel vm0, $0xFFFFFFFF, v2;
	vm0 =	vmand vm10, vm11  }
0x27f: {  	v0 =	vsel vm0, v49, v0  }
0x280: {  	vm12 =	vne.s32 v1, $0x12;
	[tilespmem:$0x1F960] =	vst v2;
	v2 =	vimm.s32 $0x0;
	vm13 =	vgt.f32 v48, v0  }
0x281: {  	v2 =	vsel vm0, $0xFFFFFFFF, v2;
	vm0 =	vmand vm12, vm13  }
0x282: {  	v0 =	vsel vm0, v48, v0  }
0x283: {  	vm14 =	vne.s32 v1, $0x13;
	[tilespmem:$0x1F970] =	vst v2;
	v2 =	vimm.s32 $0x0;
	vm15 =	vgt.f32 v47, v0  }
0x284: {  	v2 =	vsel vm0, $0xFFFFFFFF, v2;
	vm0 =	vmand vm14, vm15  }
0x285: {  	v0 =	vsel vm0, v47, v0  }
0x286: {  	vm10 =	vne.s32 v1, $0x14;
	[tilespmem:$0x1F990] =	vst v2;
	v2 =	vimm.s32 $0x0;
	vm11 =	vgt.f32 v46, v0  }
0x287: {  	v2 =	vsel vm0, $0xFFFFFFFF, v2;
	vm0 =	vmand vm10, vm11  }
0x288: {  	v0 =	vsel vm0, v46, v0  }
0x289: {  	vm12 =	vne.s32 v1, $0x15;
	[tilespmem:$0x1F9A0] =	vst v2;
	v2 =	vimm.s32 $0x0;
	vm13 =	vgt.f32 v45, v0  }
0x28a: {  	v2 =	vsel vm0, $0xFFFFFFFF, v2;
	vm0 =	vmand vm12, vm13  }
0x28b: {  	v0 =	vsel vm0, v45, v0  }
0x28c: {  	vm14 =	vne.s32 v1, $0x16;
	[tilespmem:$0x1F9B0] =	vst v2;
	v2 =	vimm.s32 $0x0;
	vm15 =	vgt.f32 v44, v0  }
0x28d: {  	v2 =	vsel vm0, $0xFFFFFFFF, v2;
	vm0 =	vmand vm14, vm15  }
0x28e: {  	v0 =	vsel vm0, v44, v0  }
0x28f: {  	vm10 =	vne.s32 v1, $0x17;
	[tilespmem:$0x1F9D0] =	vst v2;
	v2 =	vimm.s32 $0x0;
	vm11 =	vgt.f32 v43, v0  }
0x290: {  	v2 =	vsel vm0, $0xFFFFFFFF, v2;
	vm0 =	vmand vm10, vm11  }
0x291: {  	v0 =	vsel vm0, v43, v0  }
0x292: {  	vm12 =	vne.s32 v1, $0x18;
	[tilespmem:$0x1F9E0] =	vst v2;
	v2 =	vimm.s32 $0x0;
	vm13 =	vgt.f32 v42, v0  }
0x293: {  	v2 =	vsel vm0, $0xFFFFFFFF, v2;
	vm0 =	vmand vm12, vm13  }
0x294: {  	v0 =	vsel vm0, v42, v0  }
0x295: {  	vm14 =	vne.s32 v1, $0x19;
	[tilespmem:$0x1F9F0] =	vst v2;
	v2 =	vimm.s32 $0x0;
	vm15 =	vgt.f32 v41, v0  }
0x296: {  	v2 =	vsel vm0, $0xFFFFFFFF, v2;
	vm0 =	vmand vm14, vm15  }
0x297: {  	v0 =	vsel vm0, v41, v0  }
0x298: {  	vm10 =	vne.s32 v1, $0x1A;
	[tilespmem:$0x1FA00] =	vst v2;
	v2 =	vimm.s32 $0x0;
	vm11 =	vgt.f32 v40, v0  }
0x299: {  	v2 =	vsel vm0, $0xFFFFFFFF, v2;
	vm0 =	vmand vm10, vm11  }
0x29a: {  	v0 =	vsel vm0, v40, v0  }
0x29b: {  	vm12 =	vne.s32 v1, $0x1B;
	[tilespmem:$0x1FA10] =	vst v2;
	v2 =	vimm.s32 $0x0;
	vm13 =	vgt.f32 v39, v0  }
0x29c: {  	v2 =	vsel vm0, $0xFFFFFFFF, v2;
	vm0 =	vmand vm12, vm13  }
0x29d: {  	v0 =	vsel vm0, v39, v0  }
0x29e: {  	vm14 =	vne.s32 v1, $0x1C;
	[tilespmem:$0x1FA20] =	vst v2;
	v2 =	vimm.s32 $0x0;
	vm15 =	vgt.f32 v38, v0  }
0x29f: {  	v2 =	vsel vm0, $0xFFFFFFFF, v2;
	vm0 =	vmand vm14, vm15  }
0x2a0: {  	v0 =	vsel vm0, v38, v0  }
0x2a1: {  	vm10 =	vne.s32 v1, $0x1D;
	[tilespmem:$0x1FA30] =	vst v2;
	v2 =	vimm.s32 $0x0;
	vm11 =	vgt.f32 v37, v0  }
0x2a2: {  	v2 =	vsel vm0, $0xFFFFFFFF, v2;
	vm0 =	vmand vm10, vm11  }
0x2a3: {  	v0 =	vsel vm0, v37, v0  }
0x2a4: {  	vm12 =	vne.s32 v1, $0x1E;
	[tilespmem:$0x1FA40] =	vst v2;
	v2 =	vimm.s32 $0x0;
	vm13 =	vgt.f32 v36, v0  }
0x2a5: {  	v2 =	vsel vm0, $0xFFFFFFFF, v2;
	vm0 =	vmand vm12, vm13  }
0x2a6: {  	v0 =	vsel vm0, v36, v0  }
0x2a7: {  	vm14 =	vne.s32 v1, $0x1F;
	[tilespmem:$0x1FA50] =	vst v2;
	v2 =	vimm.s32 $0x0;
	vm15 =	vgt.f32 v35, v0  }
0x2a8: {  	v2 =	vsel vm0, $0xFFFFFFFF, v2;
	vm0 =	vmand vm14, vm15  }
0x2a9: {  	v0 =	vsel vm0, v35, v0  }
0x2aa: {  	vm10 =	vne.s32 v1, $0x20;
	[tilespmem:$0x1FA60] =	vst v2;
	v2 =	vimm.s32 $0x0;
	vm11 =	vgt.f32 v34, v0  }
0x2ab: {  	v2 =	vsel vm0, $0xFFFFFFFF, v2;
	vm0 =	vmand vm10, vm11  }
0x2ac: {  	v0 =	vsel vm0, v34, v0  }
0x2ad: {  	vm12 =	vne.s32 v1, $0x21;
	[tilespmem:$0x1FA70] =	vst v2;
	v2 =	vimm.s32 $0x0;
	vm13 =	vgt.f32 v33, v0  }
0x2ae: {  	v2 =	vsel vm0, $0xFFFFFFFF, v2;
	vm0 =	vmand vm12, vm13  }
0x2af: {  	v0 =	vsel vm0, v33, v0  }
0x2b0: {  	vm14 =	vne.s32 v1, $0x22;
	[tilespmem:$0x1FA80] =	vst v2;
	v2 =	vimm.s32 $0x0;
	vm15 =	vgt.f32 v32, v0  }
0x2b1: {  	v2 =	vsel vm0, $0xFFFFFFFF, v2;
	vm0 =	vmand vm14, vm15  }
0x2b2: {  	v0 =	vsel vm0, v32, v0  }
0x2b3: {  	vm10 =	vne.s32 v1, $0x23;
	[tilespmem:$0x1FAA0] =	vst v2;
	v2 =	vimm.s32 $0x0;
	vm11 =	vgt.f32 v15, v0  }
0x2b4: {  	v2 =	vsel vm0, $0xFFFFFFFF, v2;
	vm0 =	vmand vm10, vm11  }
0x2b5: {  	v0 =	vsel vm0, v15, v0  }
0x2b6: {  	vm12 =	vne.s32 v1, $0x24;
	[tilespmem:$0x1FAB0] =	vst v2;
	v2 =	vimm.s32 $0x0;
	vm13 =	vgt.f32 v16, v0  }
0x2b7: {  	v2 =	vsel vm0, $0xFFFFFFFF, v2;
	vm0 =	vmand vm12, vm13  }
0x2b8: {  	v0 =	vsel vm0, v16, v0  }
0x2b9: {  	vm14 =	vne.s32 v1, $0x25;
	[tilespmem:$0x1FAC0] =	vst v2;
	v2 =	vimm.s32 $0x0;
	vm15 =	vgt.f32 v17, v0  }
0x2ba: {  	v2 =	vsel vm0, $0xFFFFFFFF, v2;
	vm0 =	vmand vm14, vm15  }
0x2bb: {  	v0 =	vsel vm0, v17, v0  }
0x2bc: {  	vm10 =	vne.s32 v1, $0x26;
	[tilespmem:$0x1FAE0] =	vst v2;
	v2 =	vimm.s32 $0x0;
	vm11 =	vgt.f32 v18, v0  }
0x2bd: {  	v2 =	vsel vm0, $0xFFFFFFFF, v2;
	vm0 =	vmand vm10, vm11  }
0x2be: {  	v0 =	vsel vm0, v18, v0  }
0x2bf: {  	vm12 =	vne.s32 v1, $0x27;
	[tilespmem:$0x1FAF0] =	vst v2;
	v2 =	vimm.s32 $0x0;
	vm13 =	vgt.f32 v19, v0  }
0x2c0: {  	v2 =	vsel vm0, $0xFFFFFFFF, v2;
	vm0 =	vmand vm12, vm13  }
0x2c1: {  	v0 =	vsel vm0, v19, v0  }
0x2c2: {  	vm14 =	vne.s32 v1, $0x28;
	[tilespmem:$0x1FB00] =	vst v2;
	v2 =	vimm.s32 $0x0;
	vm15 =	vgt.f32 v20, v0  }
0x2c3: {  	v2 =	vsel vm0, $0xFFFFFFFF, v2;
	vm0 =	vmand vm14, vm15  }
0x2c4: {  	v0 =	vsel vm0, v20, v0  }
0x2c5: {  	vm10 =	vne.s32 v1, $0x29;
	[tilespmem:$0x1FB10] =	vst v2;
	v2 =	vimm.s32 $0x0;
	vm11 =	vgt.f32 v21, v0  }
0x2c6: {  	v2 =	vsel vm0, $0xFFFFFFFF, v2;
	vm0 =	vmand vm10, vm11  }
0x2c7: {  	v0 =	vsel vm0, v21, v0  }
0x2c8: {  	vm12 =	vne.s32 v1, $0x2A;
	[tilespmem:$0x1FB20] =	vst v2;
	v2 =	vimm.s32 $0x0;
	vm13 =	vgt.f32 v22, v0  }
0x2c9: {  	v2 =	vsel vm0, $0xFFFFFFFF, v2;
	vm0 =	vmand vm12, vm13  }
0x2ca: {  	v0 =	vsel vm0, v22, v0  }
0x2cb: {  	vm14 =	vne.s32 v1, $0x2B;
	[tilespmem:$0x1FB30] =	vst v2;
	v2 =	vimm.s32 $0x0;
	vm15 =	vgt.f32 v23, v0  }
0x2cc: {  	v2 =	vsel vm0, $0xFFFFFFFF, v2;
	vm0 =	vmand vm14, vm15  }
0x2cd: {  	v0 =	vsel vm0, v23, v0  }
0x2ce: {  	vm10 =	vne.s32 v1, $0x2C;
	[tilespmem:$0x1FB40] =	vst v2;
	v2 =	vimm.s32 $0x0;
	vm11 =	vgt.f32 v24, v0  }
0x2cf: {  	v2 =	vsel vm0, $0xFFFFFFFF, v2;
	vm0 =	vmand vm10, vm11  }
0x2d0: {  	v0 =	vsel vm0, v24, v0  }
0x2d1: {  	vm12 =	vne.s32 v1, $0x2D;
	[tilespmem:$0x1FB50] =	vst v2;
	v2 =	vimm.s32 $0x0;
	vm13 =	vgt.f32 v25, v0  }
0x2d2: {  	v2 =	vsel vm0, $0xFFFFFFFF, v2;
	vm0 =	vmand vm12, vm13  }
0x2d3: {  	v0 =	vsel vm0, v25, v0  }
0x2d4: {  	vm14 =	vne.s32 v1, $0x2E;
	[tilespmem:$0x1FB60] =	vst v2;
	v2 =	vimm.s32 $0x0;
	vm15 =	vgt.f32 v26, v0  }
0x2d5: {  	v2 =	vsel vm0, $0xFFFFFFFF, v2;
	vm0 =	vmand vm14, vm15  }
0x2d6: {  	v0 =	vsel vm0, v26, v0  }
0x2d7: {  	vm10 =	vne.s32 v1, $0x2F;
	[tilespmem:$0x1FB70] =	vst v2;
	v2 =	vimm.s32 $0x0;
	vm11 =	vgt.f32 v27, v0  }
0x2d8: {  	v2 =	vsel vm0, $0xFFFFFFFF, v2;
	vm0 =	vmand vm10, vm11  }
0x2d9: {  	v0 =	vsel vm0, v27, v0  }
0x2da: {  	vm12 =	vne.s32 v1, $0x30;
	[tilespmem:$0x1FB80] =	vst v2;
	v2 =	vimm.s32 $0x0;
	vm13 =	vgt.f32 v28, v0  }
0x2db: {  	v2 =	vsel vm0, $0xFFFFFFFF, v2;
	vm0 =	vmand vm12, vm13  }
0x2dc: {  	v0 =	vsel vm0, v28, v0  }
0x2dd: {  	vm14 =	vne.s32 v1, $0x31;
	[tilespmem:$0x1FB90] =	vst v2;
	v2 =	vimm.s32 $0x0;
	vm15 =	vgt.f32 v29, v0  }
0x2de: {  	v2 =	vsel vm0, $0xFFFFFFFF, v2;
	vm0 =	vmand vm14, vm15  }
0x2df: {  	v0 =	vsel vm0, v29, v0  }
0x2e0: {  	vm10 =	vne.s32 v1, $0x32;
	vm11 =	vgt.f32 v30, v0  }
0x2e1: {  	vm14 =	vmand vm10, vm11  }
0x2e2: {  	v0 =	vsel vm14, v30, v0  }
0x2e3: {  	vm12 =	vne.s32 v1, $0x33;
	[tilespmem:$0x1FBA0] =	vst v2;
	v2 =	vimm.s32 $0x0;
	vm13 =	vgt.f32 v31, v0  }
0x2e4: {  	v2 =	vsel vm0, $0xFFFFFFFF, v2;
	vm13 =	vmand vm12, vm13  }
0x2e5: {  	[tilespmem:$0x1FBB0] =	vst v2;
	v2 =	vimm.s32 $0x0;
	v0 =	vsel vm13, v31, v0  }
0x2e6: {  	v43 =	vld [tilespmem:$0x1F8F0];
	vm15 =	vne.s32 v1, $0x34;
	v2 =	vsel vm2, $0x1, v2;
	vm10 =	vgt.f32 v14, v0  }
0x2e7: {  	v2 =	vsel vm3, $0x2, v2;
	vm12 =	vmand vm15, vm10  }
0x2e8: {  	v45 =	vld [tilespmem:$0x1F910];
	v2 =	vsel vm4, $0x3, v2;
	v0 =	vsel vm12, v14, v0  }
0x2e9: {  	v47 =	vld [tilespmem:$0x1F930];
	vm11 =	vne.s32 v1, $0x35;
	v2 =	vsel vm5, $0x4, v2;
	vm15 =	vgt.f32 v13, v0  }
0x2ea: {  	v44 =	vld [tilespmem:$0x1F900];
	vm0 =	vne.s32 v1, $0x3B;
	v2 =	vsel vm6, $0x5, v2;
	vm11 =	vmand vm11, vm15  }
0x2eb: {  	v56 =	vld [tilespmem:$0x1F9C0];
	vm4 =	vnez.u8 v43;
	v2 =	vsel vm7, $0x6, v2;
	v0 =	vsel vm11, v13, v0  }
0x2ec: {  	v46 =	vld [tilespmem:$0x1F920];
	vm5 =	vne.s32 v1, $0x36;
	v2 =	vsel vm8, $0x7, v2;
	vm6 =	vgt.f32 v12, v0  }
0x2ed: {  	v52 =	vld [tilespmem:$0x1F980];
	vm7 =	vnez.u8 v45;
	v2 =	vsel vm9, $0x8, v2;
	vm10 =	vmand vm5, vm6  }
0x2ee: {  	v48 =	vld [tilespmem:$0x1F940];
	vm8 =	vne.s32 v1, $0x37;
	v2 =	vsel vm4, $0x9, v2;
	v0 =	vsel vm10, v12, v0  }
0x2ef: {  	v49 =	vld [tilespmem:$0x1F950];
	vm4 =	vnez.u8 v47;
	vm5 =	vnez.u8 v44;
	vm15 =	vgt.f32 v11, v0  }
0x2f0: {  	v50 =	vld [tilespmem:$0x1F960];
	vm6 =	vne.s32 v1, $0x38;
	v2 =	vsel vm5, $0xA, v2;
	vm9 =	vmand vm8, vm15  }
0x2f1: {  	v51 =	vld [tilespmem:$0x1F970];
	v2 =	vsel vm7, $0xB, v2;
	vm15 =	vnez.u8 v46;
	v0 =	vsel vm9, v11, v0  }
0x2f2: {  	v53 =	vld [tilespmem:$0x1F990];
	vm5 =	vne.s32 v1, $0x39;
	v2 =	vsel vm15, $0xC, v2;
	vm8 =	vgt.f32 v10, v0  }
0x2f3: {  	v54 =	vld [tilespmem:$0x1F9A0];
	v2 =	vsel vm4, $0xD, v2;
	vm8 =	vmand vm6, vm8;
	vm6 =	vnez.u8 v48  }
0x2f4: {  	v55 =	vld [tilespmem:$0x1F9B0];
	vm15 =	vnez.u8 v49;
	v0 =	vsel vm8, v10, v0;
	v2 =	vsel vm6, $0xE, v2  }
0x2f5: {  	v57 =	vld [tilespmem:$0x1F9D0];
	vm4 =	vnez.u8 v50;
	vm7 =	vgt.f32 v9, v0;
	v2 =	vsel vm15, $0xF, v2  }
0x2f6: {  	v58 =	vld [tilespmem:$0x1F9E0];
	vm6 =	vnez.u8 v51;
	vm7 =	vmand vm5, vm7;
	v2 =	vsel vm4, $0x10, v2  }
0x2f7: {  	vm4 =	vnez.u8 v53;
	v0 =	vsel vm7, v9, v0;
	v2 =	vsel vm6, $0x11, v2  }
0x2f8: {  	v59 =	vld [tilespmem:$0x1F9F0];
	vm5 =	vne.s32 v1, $0x3A;
	vm15 =	vgt.f32 v52, v0;
	v2 =	vsel vm4, $0x12, v2  }
0x2f9: {  	v60 =	vld [tilespmem:$0x1FA00];
	vm6 =	vmand vm5, vm15;
	vm5 =	vnez.u8 v54;
	vm15 =	vnez.u8 v55  }
0x2fa: {  	v2 =	vsel vm5, $0x13, v2;
	v0 =	vsel vm6, v52, v0;
	vm5 =	vnez.u8 v57  }
0x2fb: {  	v2 =	vsel vm15, $0x14, v2;
	vm4 =	vgt.f32 v56, v0;
	vm15 =	vnez.u8 v58  }
0x2fc: {  	v2 =	vsel vm5, $0x15, v2;
	vm5 =	vmand vm0, vm4;
	vm0 =	vne.s32 v1, $0x3C  }
0x2fd: {  	vm4 =	vnez.u8 v59;
	v2 =	vsel vm15, $0x16, v2;
	v0 =	vsel vm5, v56, v0  }
0x2fe: {  	v2 =	vsel vm4, $0x17, v2;
	vm15 =	vgt.f32 v3, v0;
	vm4 =	vnez.u8 v60  }
0x2ff: {  	v61 =	vld [tilespmem:$0x1FA10];
	v2 =	vsel vm4, $0x18, v2;
	vm4 =	vmand vm0, vm15  }
0x300: {  	v0 =	vsel vm4, v3, v0;
	v3 =	vld [tilespmem:$0x1FA20];
	_ =	sdelay $0x3  }
0x301: {  	vm15 =	vnez.u8 v61  }
0x302: {  	v2 =	vsel vm15, $0x19, v2;
	vm15 =	vnez.u8 v3;
	v3 =	vld [tilespmem:$0x1FA30];
	_ =	sdelay $0x4  }
0x303: {  	v2 =	vsel vm15, $0x1A, v2;
	vm15 =	vnez.u8 v3;
	v3 =	vld [tilespmem:$0x1FA40];
	_ =	sdelay $0x4  }
0x304: {  	v2 =	vsel vm15, $0x1B, v2;
	vm15 =	vnez.u8 v3;
	v3 =	vld [tilespmem:$0x1FA50];
	_ =	sdelay $0x4  }
0x305: {  	v2 =	vsel vm15, $0x1C, v2;
	vm15 =	vnez.u8 v3;
	v3 =	vld [tilespmem:$0x1FA60];
	_ =	sdelay $0x4  }
0x306: {  	v2 =	vsel vm15, $0x1D, v2;
	vm15 =	vnez.u8 v3;
	v3 =	vld [tilespmem:$0x1FA70];
	_ =	sdelay $0x4  }
0x307: {  	v2 =	vsel vm15, $0x1E, v2;
	vm15 =	vnez.u8 v3;
	v3 =	vld [tilespmem:$0x1FA80];
	_ =	sdelay $0x3  }
0x308: {  	vm0 =	vne.s32 v1, $0x3D;
	vm1 =	vgt.f32 v4, v0  }
0x309: {  	vm3 =	vmand vm0, vm1;
	v2 =	vsel vm15, $0x1F, v2;
	vm15 =	vnez.u8 v3;
	v3 =	vld [tilespmem:$0x1FA90]  }
0x30a: {  	v0 =	vsel vm3, v4, v0  }
0x30b: {  	vm0 =	vne.s32 v1, $0x3E;
	vm1 =	vgt.f32 v8, v0  }
0x30c: {  	vm2 =	vmand vm0, vm1  }
0x30d: {  	v0 =	vsel vm2, v8, v0  }
0x30e: {  	v62 =	vld [tilespmem:$0x1FAA0];
	vm1 =	vne.s32 v1, $0x3F;
	vm0 =	vgt.f32 v3, v0  }
0x30f: {  	v63 =	vld [tilespmem:$0x1FAB0];
	vm0 =	vmand vm1, vm0  }
0x310: {  	v0 =	vsel vm0, v3, v0;
	v3 =	vld [tilespmem:$0x1FAC0];
	_ =	sdelay $0x2  }
0x311: {  	v2 =	vsel vm15, $0x20, v2;
	vm15 =	vnez.u8 v62  }
0x312: {  	v2 =	vsel vm15, $0x21, v2;
	vm15 =	vnez.u8 v63  }
0x313: {  	v2 =	vsel vm15, $0x22, v2;
	vm15 =	vnez.u8 v3;
	v3 =	vld [tilespmem:$0x1FAD0];
	_ =	sdelay $0x4  }
0x314: {  	v0 =	vsub.f32 v0, v3;
	v3 =	vld [tilespmem:$0x1FAE0];
	_ =	sdelay $0x4  }
0x315: {  	v2 =	vsel vm15, $0x23, v2;
	vm15 =	vnez.u8 v3;
	v3 =	vld [tilespmem:$0x1FAF0];
	_ =	sdelay $0x4  }
0x316: {  	v2 =	vsel vm15, $0x24, v2;
	vm15 =	vnez.u8 v3;
	v3 =	vld [tilespmem:$0x1FB00];
	_ =	sdelay $0x3  }
0x317: {  	v0 =	vmul.f32 $1.442695020e+00, v0  }
0x318: {  	v2 =	vsel vm15, $0x25, v2;
	vm15 =	vnez.u8 v3;
	v3 =	vld [tilespmem:$0x1FB10]  }
0x319: {  	(erf) = vpow2.f32 v0;
	v0 =	vld [tilespmem:$0x1FB20];
	_ =	sdelay $0x3  }
0x31a: {  	v2 =	vsel vm15, $0x26, v2;
	vm15 =	vnez.u8 v3  }
0x31b: {  	v2 =	vsel vm15, $0x27, v2;
	vm15 =	vnez.u8 v0  }
0x31c: {  	v0 =	vsel vm15, $0x28, v2;
	v2 =	vld [tilespmem:$0x1FB30];
	_ =	sdelay $0x4  }
0x31d: {  	vm15 =	vnez.u8 v2;
	v2 =	vld [tilespmem:$0x1FB40];
	_ =	sdelay $0x4  }
0x31e: {  	v0 =	vsel vm15, $0x29, v0;
	vm15 =	vnez.u8 v2;
	v2 =	vld [tilespmem:$0x1FB50];
	_ =	sdelay $0x4  }
0x31f: {  	v0 =	vsel vm15, $0x2A, v0;
	vm15 =	vnez.u8 v2;
	v2 =	vld [tilespmem:$0x1FB60];
	_ =	sdelay $0x4  }
0x320: {  	v0 =	vsel vm15, $0x2B, v0;
	vm15 =	vnez.u8 v2;
	v2 =	vld [tilespmem:$0x1FB70];
	_ =	sdelay $0x4  }
0x321: {  	v0 =	vsel vm15, $0x2C, v0;
	vm15 =	vnez.u8 v2;
	v2 =	vld [tilespmem:$0x1FB80];
	_ =	sdelay $0x4  }
0x322: {  	v0 =	vsel vm15, $0x2D, v0;
	vm15 =	vnez.u8 v2;
	v2 =	vld [tilespmem:$0x1FB90];
	_ =	sdelay $0x4  }
0x323: {  	v0 =	vsel vm15, $0x2E, v0;
	vm15 =	vnez.u8 v2;
	v2 =	vld [tilespmem:$0x1FBA0]  }
0x324: {  	v3 =	vld [tilespmem:$0x1FBB0];
	_ =	sdelay $0x3  }
0x325: {  	v0 =	vsel vm15, $0x2F, v0;
	vm15 =	vnez.u8 v2  }
0x326: {  	v2 =	vpop (erf);
	v0 =	vsel vm15, $0x30, v0;
	vm15 =	vnez.u8 v3  }
0x327: {  	v2 =	vadd.f32 $1.000000000e+00, v2;
	v0 =	vsel vm15, $0x31, v0  }
0x328: {  	v0 =	vsel vm14, $0x32, v0  }
0x329: {  	(erf) = vrcp.f32 v2;
	v0 =	vsel vm13, $0x33, v0  }
0x32a: {  	v0 =	vsel vm12, $0x34, v0  }
0x32b: {  	v0 =	vsel vm11, $0x35, v0  }
0x32c: {  	v0 =	vsel vm10, $0x36, v0  }
0x32d: {  	v0 =	vsel vm9, $0x37, v0  }
0x32e: {  	v0 =	vsel vm8, $0x38, v0  }
0x32f: {  	v0 =	vsel vm7, $0x39, v0  }
0x330: {  	s29 =	smov.u32 s20;
	p0 =	sne.s32 s20, $0xF;
	s31 =	sshll.u32 s15, $0x5;
	v0 =	vsel vm6, $0x3A, v0  }
.Ltmp0:
0x331: {  	s17 =	sadd.s32 $0x1, s20;
	s20 =	sand.u32 $0xFFFFFF00, s31;
	v0 =	vsel vm5, $0x3B, v0;
	(pc) =	sbr.rel @p0 .LBB2_2-.Ltmp0, $4  }
0x332: {  	s19 =	sor.u32 s14, s20;
	v2 =	vpop (erf);
	v0 =	vsel vm4, $0x3C, v0  }
0x333: {  	s18 =	sand.u32 $0x70, s16;
	s15 =	smov.u32 s29;
	s13 =	sor.u32 s20, s13;
	[tilespmem:s19+$0x4000] =	vst v2;
	v2 =	vsub.f32 $1.000000000e+00, v2;
	v0 =	vsel vm3, $0x3D, v0  }
0x334: {  	s14 =	smov.u32 s18;
	s22 =	sshll.u32 s15, $0x7;
	s21 =	sor.u32 $0x80, s13;
	v0 =	vsel vm2, $0x3E, v0  }
0x335: {  	s20 =	smov.u32 s17;
	s13 =	smov.u32 s16;
	s16 =	sadd.s32 $0x10, s16;
	[tilespmem:s21+$0x4000] =	vst v2;
	v0 =	vsel vm0, $0x3F, v0  }
0x336: {  	s16 =	sand.u32 $0x3FFFFC00, s22;
	[tilespmem:s19+$0x4200] =	vst v1  }
0x337: {  	s16 =	sor.u32 s14, s16;
	[tilespmem:s21+$0x4200] =	vst v0  }
0x338: {  	v4 =	vld [tilespmem:s16+$0x0]  }
0x339: {  	v5 =	vld [tilespmem:s16+$0x80];
	_ =	sdelay $0x1  }
0x33a: {  	v63 =	vld [tilespmem:s16+$0x100];
	_ =	sdelay $0x1  }
0x33b: {  	v62 =	vld [tilespmem:s16+$0x180]  }
0x33c: {  	vm0 =	vgt.f32 v5, v4  }
0x33d: {  	v61 =	vld [tilespmem:s16+$0x200];
	v8 =	vsel vm0, v5, v4  }
0x33e: {  	vm1 =	vgt.f32 v63, v8  }
0x33f: {  	v60 =	vld [tilespmem:s16+$0x280];
	v0 =	vsel vm1, v63, v8  }
0x340: {  	vm2 =	vgt.f32 v62, v0  }
0x341: {  	v59 =	vld [tilespmem:s16+$0x300];
	v0 =	vsel vm2, v62, v0  }
0x342: {  	vm3 =	vgt.f32 v61, v0  }
0x343: {  	v58 =	vld [tilespmem:s16+$0x380];
	v0 =	vsel vm3, v61, v0  }
0x344: {  	vm4 =	vgt.f32 v60, v0  }
0x345: {  	v57 =	vld [tilespmem:s16+$0x800];
	v0 =	vsel vm4, v60, v0  }
0x346: {  	vm5 =	vgt.f32 v59, v0  }
0x347: {  	v56 =	vld [tilespmem:s16+$0x880];
	v0 =	vsel vm5, v59, v0  }
0x348: {  	vm6 =	vgt.f32 v58, v0  }
0x349: {  	v55 =	vld [tilespmem:s16+$0x900];
	v0 =	vsel vm6, v58, v0  }
0x34a: {  	vm7 =	vgt.f32 v57, v0  }
0x34b: {  	v54 =	vld [tilespmem:s16+$0x980];
	v0 =	vsel vm7, v57, v0  }
0x34c: {  	vm8 =	vgt.f32 v56, v0  }
0x34d: {  	v53 =	vld [tilespmem:s16+$0xA00];
	v0 =	vsel vm8, v56, v0  }
0x34e: {  	vm9 =	vgt.f32 v55, v0  }
0x34f: {  	v52 =	vld [tilespmem:s16+$0xA80];
	v0 =	vsel vm9, v55, v0  }
0x350: {  	vm10 =	vgt.f32 v54, v0  }
0x351: {  	v9 =	vimm.s32 $0x0;
	v51 =	vld [tilespmem:s16+$0xB00];
	v0 =	vsel vm10, v54, v0  }
0x352: {  	v1 =	vsel vm10, $0xFFFFFFFF, v9;
	vm10 =	vgt.f32 v53, v0  }
0x353: {  	v10 =	vimm.s32 $0x0;
	v50 =	vld [tilespmem:s16+$0xB80];
	v0 =	vsel vm10, v53, v0  }
0x354: {  	[tilespmem:$0x1F350] =	vst v1;
	v1 =	vsel vm10, $0xFFFFFFFF, v10;
	vm10 =	vgt.f32 v52, v0  }
0x355: {  	v11 =	vimm.s32 $0x0;
	v49 =	vld [tilespmem:s16+$0x1000];
	v0 =	vsel vm10, v52, v0  }
0x356: {  	[tilespmem:$0x1F360] =	vst v1;
	v1 =	vsel vm10, $0xFFFFFFFF, v11;
	vm10 =	vgt.f32 v51, v0  }
0x357: {  	v12 =	vimm.s32 $0x0;
	v47 =	vld [tilespmem:s16+$0x1080];
	v0 =	vsel vm10, v51, v0  }
0x358: {  	[tilespmem:$0x1F370] =	vst v1;
	v1 =	vsel vm10, $0xFFFFFFFF, v12;
	vm10 =	vgt.f32 v50, v0  }
0x359: {  	v13 =	vimm.s32 $0x0;
	v45 =	vld [tilespmem:s16+$0x1100];
	v0 =	vsel vm10, v50, v0  }
0x35a: {  	[tilespmem:$0x1F380] =	vst v1;
	v1 =	vsel vm10, $0xFFFFFFFF, v13;
	vm10 =	vgt.f32 v49, v0  }
0x35b: {  	v14 =	vimm.s32 $0x0;
	v42 =	vld [tilespmem:s16+$0x1180];
	v0 =	vsel vm10, v49, v0  }
0x35c: {  	[tilespmem:$0x1F390] =	vst v1;
	v1 =	vsel vm10, $0xFFFFFFFF, v14;
	vm10 =	vgt.f32 v47, v0  }
0x35d: {  	v15 =	vimm.s32 $0x0;
	v40 =	vld [tilespmem:s16+$0x1200];
	v0 =	vsel vm10, v47, v0  }
0x35e: {  	[tilespmem:$0x1F3A0] =	vst v1;
	v1 =	vsel vm10, $0xFFFFFFFF, v15;
	vm10 =	vgt.f32 v45, v0  }
0x35f: {  	v16 =	vimm.s32 $0x0;
	v37 =	vld [tilespmem:s16+$0x1280];
	v0 =	vsel vm10, v45, v0  }
0x360: {  	[tilespmem:$0x1F3B0] =	vst v1;
	v1 =	vsel vm10, $0xFFFFFFFF, v16;
	vm10 =	vgt.f32 v42, v0  }
0x361: {  	v17 =	vimm.s32 $0x0;
	v35 =	vld [tilespmem:s16+$0x1300];
	v0 =	vsel vm10, v42, v0  }
0x362: {  	[tilespmem:$0x1F3C0] =	vst v1;
	v1 =	vsel vm10, $0xFFFFFFFF, v17;
	vm10 =	vgt.f32 v40, v0  }
0x363: {  	v18 =	vimm.s32 $0x0;
	v32 =	vld [tilespmem:s16+$0x1380];
	v0 =	vsel vm10, v40, v0  }
0x364: {  	[tilespmem:$0x1F3D0] =	vst v1;
	v1 =	vsel vm10, $0xFFFFFFFF, v18;
	vm10 =	vgt.f32 v37, v0  }
0x365: {  	v19 =	vimm.s32 $0x0;
	v30 =	vld [tilespmem:s16+$0x1800];
	v0 =	vsel vm10, v37, v0  }
0x366: {  	[tilespmem:$0x1F3E0] =	vst v1;
	v1 =	vsel vm10, $0xFFFFFFFF, v19;
	vm10 =	vgt.f32 v35, v0  }
0x367: {  	v20 =	vimm.s32 $0x0;
	v27 =	vld [tilespmem:s16+$0x1880];
	v0 =	vsel vm10, v35, v0  }
0x368: {  	[tilespmem:$0x1F3F0] =	vst v1;
	v1 =	vsel vm10, $0xFFFFFFFF, v20;
	vm10 =	vgt.f32 v32, v0  }
0x369: {  	v21 =	vimm.s32 $0x0;
	v25 =	vld [tilespmem:s16+$0x1900];
	v0 =	vsel vm10, v32, v0  }
0x36a: {  	v22 =	vimm.s32 $0x0;
	v6 =	vld [tilespmem:s16+$0x2080];
	[tilespmem:$0x1F400] =	vst v1;
	v1 =	vsel vm10, $0xFFFFFFFF, v21;
	vm10 =	vgt.f32 v30, v0  }
0x36b: {  	[tilespmem:$0x1F410] =	vst v1;
	v1 =	vsel vm10, $0xFFFFFFFF, v22;
	v22 =	vld [tilespmem:s16+$0x1980];
	v0 =	vsel vm10, v30, v0  }
0x36c: {  	v38 =	vld [tilespmem:s16+$0x2180];
	vm10 =	vgt.f32 v27, v0  }
0x36d: {  	v23 =	vimm.s32 $0x0;
	v20 =	vld [tilespmem:s16+$0x1A00];
	v0 =	vsel vm10, v27, v0  }
0x36e: {  	v7 =	vld [tilespmem:s16+$0x2200];
	[tilespmem:$0x1F420] =	vst v1;
	v1 =	vsel vm10, $0xFFFFFFFF, v23;
	vm10 =	vgt.f32 v25, v0  }
0x36f: {  	v24 =	vimm.s32 $0x0;
	v16 =	vld [tilespmem:s16+$0x1A80];
	v0 =	vsel vm10, v25, v0  }
0x370: {  	v8 =	vld [tilespmem:s16+$0x2100];
	[tilespmem:$0x1F430] =	vst v1;
	v1 =	vsel vm10, $0xFFFFFFFF, v24;
	vm10 =	vgt.f32 v22, v0  }
0x371: {  	v26 =	vimm.s32 $0x0;
	v14 =	vld [tilespmem:s16+$0x1B00];
	v0 =	vsel vm10, v22, v0  }
0x372: {  	v9 =	vld [tilespmem:s16+$0x2000];
	[tilespmem:$0x1F440] =	vst v1;
	v1 =	vsel vm10, $0xFFFFFFFF, v26;
	vm10 =	vgt.f32 v20, v0  }
0x373: {  	v28 =	vimm.s32 $0x0;
	v11 =	vld [tilespmem:s16+$0x1B80];
	v0 =	vsel vm10, v20, v0  }
0x374: {  	v10 =	vld [tilespmem:s16+$0x2280];
	[tilespmem:$0x1F450] =	vst v1;
	v1 =	vsel vm10, $0xFFFFFFFF, v28;
	vm10 =	vgt.f32 v16, v0  }
0x375: {  	v29 =	vimm.s32 $0x0;
	v39 =	vld [tilespmem:$0x1F350];
	v0 =	vsel vm10, v16, v0  }
0x376: {  	v41 =	vld [tilespmem:$0x1F360];
	[tilespmem:$0x1F460] =	vst v1;
	v1 =	vsel vm10, $0xFFFFFFFF, v29;
	vm10 =	vgt.f32 v14, v0  }
0x377: {  	v31 =	vimm.s32 $0x0;
	v12 =	vld [tilespmem:s16+$0x2300];
	v0 =	vsel vm10, v14, v0  }
0x378: {  	v43 =	vld [tilespmem:$0x1F370];
	[tilespmem:$0x1F470] =	vst v1;
	v1 =	vsel vm10, $0xFFFFFFFF, v31;
	vm10 =	vgt.f32 v11, v0  }
0x379: {  	v33 =	vimm.s32 $0x0;
	v36 =	vimm.s32 $0x0;
	v44 =	vld [tilespmem:$0x1F380];
	v0 =	vsel vm10, v11, v0  }
0x37a: {  	v3 =	vsel vm0, $0x1, v36;
	v46 =	vld [tilespmem:$0x1F390];
	[tilespmem:$0x1F480] =	vst v1;
	v1 =	vsel vm10, $0xFFFFFFFF, v33;
	vm10 =	vgt.f32 v9, v0  }
0x37b: {  	v3 =	vsel vm1, $0x2, v3;
	v15 =	vld [tilespmem:s16+$0x2380];
	v0 =	vsel vm10, v9, v0  }
0x37c: {  	v3 =	vsel vm2, $0x3, v3;
	v48 =	vld [tilespmem:$0x1F3A0];
	vm14 =	vgt.f32 v6, v0  }
0x37d: {  	v3 =	vsel vm3, $0x4, v3;
	v17 =	vld [tilespmem:s16+$0x2800];
	v0 =	vsel vm14, v6, v0  }
0x37e: {  	v3 =	vsel vm4, $0x5, v3;
	v13 =	vld [tilespmem:$0x1F3C0];
	vm13 =	vgt.f32 v8, v0  }
0x37f: {  	v3 =	vsel vm5, $0x6, v3;
	v18 =	vld [tilespmem:$0x1F3D0];
	v0 =	vsel vm13, v8, v0  }
0x380: {  	v3 =	vsel vm6, $0x7, v3;
	v19 =	vld [tilespmem:$0x1F3E0];
	vm12 =	vgt.f32 v38, v0  }
0x381: {  	v3 =	vsel vm7, $0x8, v3;
	v21 =	vld [tilespmem:s16+$0x2880];
	v0 =	vsel vm12, v38, v0  }
0x382: {  	v3 =	vsel vm8, $0x9, v3;
	v23 =	vld [tilespmem:s16+$0x2900];
	vm11 =	vgt.f32 v7, v0  }
0x383: {  	v34 =	vimm.s32 $0x0;
	v3 =	vsel vm9, $0xA, v3;
	v24 =	vld [tilespmem:$0x1F3F0];
	v0 =	vsel vm11, v7, v0  }
0x384: {  	vm6 =	vnez.u8 v39;
	v36 =	vld [tilespmem:$0x1F430];
	[tilespmem:$0x1F490] =	vst v1;
	v1 =	vsel vm10, $0xFFFFFFFF, v34;
	vm10 =	vgt.f32 v10, v0  }
0x385: {  	[tilespmem:$0x1F4B0] =	vst v8;
	v3 =	vsel vm6, $0xB, v3;
	vm7 =	vnez.u8 v41;
	v8 =	vld [tilespmem:$0x1F3B0];
	v0 =	vsel vm10, v10, v0  }
0x386: {  	v3 =	vsel vm7, $0xC, v3;
	vm8 =	vnez.u8 v43;
	v26 =	vld [tilespmem:s16+$0x2980];
	vm9 =	vgt.f32 v12, v0  }
0x387: {  	v3 =	vsel vm8, $0xD, v3;
	vm15 =	vnez.u8 v44;
	v28 =	vld [tilespmem:s16+$0x2A00];
	v0 =	vsel vm9, v12, v0  }
0x388: {  	v3 =	vsel vm15, $0xE, v3;
	vm4 =	vnez.u8 v46;
	v39 =	vld [tilespmem:$0x1F450];
	vm8 =	vgt.f32 v15, v0  }
0x389: {  	v3 =	vsel vm4, $0xF, v3;
	vm5 =	vnez.u8 v48;
	v29 =	vld [tilespmem:$0x1F400];
	v0 =	vsel vm8, v15, v0  }
0x38a: {  	v3 =	vsel vm5, $0x10, v3;
	v41 =	vld [tilespmem:$0x1F460];
	vm6 =	vnez.u8 v8;
	vm7 =	vgt.f32 v17, v0  }
0x38b: {  	vm15 =	vnez.u8 v13;
	v33 =	vld [tilespmem:$0x1F410];
	v3 =	vsel vm6, $0x11, v3;
	v0 =	vsel vm7, v17, v0  }
0x38c: {  	vm4 =	vnez.u8 v18;
	v34 =	vld [tilespmem:$0x1F420];
	v3 =	vsel vm15, $0x12, v3;
	vm6 =	vgt.f32 v21, v0  }
0x38d: {  	vm5 =	vnez.u8 v19;
	v31 =	vld [tilespmem:s16+$0x2A80];
	v3 =	vsel vm4, $0x13, v3;
	v0 =	vsel vm6, v21, v0  }
0x38e: {  	[tilespmem:$0x1F4C0] =	vst v38;
	v38 =	vld [tilespmem:$0x1F440];
	vm15 =	vnez.u8 v24;
	v3 =	vsel vm5, $0x14, v3;
	vm5 =	vgt.f32 v23, v0  }
0x38f: {  	v43 =	vld [tilespmem:$0x1F470];
	vm4 =	vnez.u8 v29;
	v3 =	vsel vm15, $0x15, v3;
	v0 =	vsel vm5, v23, v0  }
0x390: {  	v44 =	vld [tilespmem:$0x1F480];
	vm15 =	vnez.u8 v33;
	v3 =	vsel vm4, $0x16, v3;
	vm4 =	vgt.f32 v26, v0  }
0x391: {  	v33 =	vld [tilespmem:s16+$0x2B00];
	v3 =	vsel vm15, $0x17, v3;
	vm15 =	vnez.u8 v34;
	v0 =	vsel vm4, v26, v0  }
0x392: {  	v46 =	vld [tilespmem:$0x1F490];
	v3 =	vsel vm15, $0x18, v3;
	vm15 =	vnez.u8 v36;
	vm3 =	vgt.f32 v28, v0  }
0x393: {  	[tilespmem:$0x1F4A0] =	vst v1;
	v36 =	vld [tilespmem:s16+$0x2B80];
	v3 =	vsel vm15, $0x19, v3;
	vm15 =	vnez.u8 v38;
	v0 =	vsel vm3, v28, v0  }
0x394: {  	v48 =	vld [tilespmem:$0x1F4A0];
	v3 =	vsel vm15, $0x1A, v3;
	vm15 =	vnez.u8 v39;
	vm2 =	vgt.f32 v31, v0  }
0x395: {  	v38 =	vld [tilespmem:s16+$0x3000];
	v3 =	vsel vm15, $0x1B, v3;
	vm15 =	vnez.u8 v41;
	v0 =	vsel vm2, v31, v0  }
0x396: {  	v3 =	vsel vm15, $0x1C, v3;
	vm15 =	vnez.u8 v43;
	vm1 =	vgt.f32 v33, v0  }
0x397: {  	v41 =	vld [tilespmem:s16+$0x3080];
	v3 =	vsel vm15, $0x1D, v3;
	vm15 =	vnez.u8 v44;
	v0 =	vsel vm1, v33, v0  }
0x398: {  	v3 =	vsel vm15, $0x1E, v3;
	vm15 =	vnez.u8 v46;
	vm0 =	vgt.f32 v36, v0  }
0x399: {  	v43 =	vld [tilespmem:s16+$0x3100];
	v3 =	vsel vm15, $0x1F, v3;
	vm15 =	vnez.u8 v48;
	v0 =	vsel vm0, v36, v0  }
0x39a: {  	v3 =	vsel vm15, $0x20, v3;
	vm15 =	vgt.f32 v38, v0  }
0x39b: {  	v46 =	vld [tilespmem:s16+$0x3180];
	v3 =	vsel vm14, $0x21, v3;
	v0 =	vsel vm15, v38, v0  }
0x39c: {  	v3 =	vsel vm13, $0x22, v3;
	vm13 =	vgt.f32 v41, v0  }
0x39d: {  	v48 =	vld [tilespmem:s16+$0x3200];
	v3 =	vsel vm12, $0x23, v3;
	v0 =	vsel vm13, v41, v0  }
0x39e: {  	v3 =	vsel vm11, $0x24, v3;
	vm11 =	vgt.f32 v43, v0  }
0x39f: {  	v44 =	vld [tilespmem:s16+$0x3280];
	v3 =	vsel vm10, $0x25, v3;
	v0 =	vsel vm11, v43, v0  }
0x3a0: {  	v3 =	vsel vm9, $0x26, v3;
	vm9 =	vgt.f32 v46, v0  }
0x3a1: {  	v39 =	vld [tilespmem:s16+$0x3300];
	v3 =	vsel vm8, $0x27, v3;
	v0 =	vsel vm9, v46, v0  }
0x3a2: {  	v3 =	vsel vm7, $0x28, v3;
	vm7 =	vgt.f32 v48, v0  }
0x3a3: {  	v34 =	vld [tilespmem:s16+$0x3380];
	v3 =	vsel vm6, $0x29, v3;
	v0 =	vsel vm7, v48, v0  }
0x3a4: {  	v3 =	vsel vm5, $0x2A, v3;
	vm5 =	vgt.f32 v44, v0  }
0x3a5: {  	v29 =	vld [tilespmem:s16+$0x3800];
	v3 =	vsel vm4, $0x2B, v3;
	v0 =	vsel vm5, v44, v0  }
0x3a6: {  	v3 =	vsel vm3, $0x2C, v3;
	vm10 =	vgt.f32 v39, v0  }
0x3a7: {  	v24 =	vld [tilespmem:s16+$0x3880];
	v3 =	vsel vm2, $0x2D, v3;
	v0 =	vsel vm10, v39, v0  }
0x3a8: {  	v3 =	vsel vm1, $0x2E, v3;
	vm12 =	vgt.f32 v34, v0  }
0x3a9: {  	v18 =	vld [tilespmem:s16+$0x3900];
	v3 =	vsel vm0, $0x2F, v3;
	v0 =	vsel vm12, v34, v0  }
0x3aa: {  	v3 =	vsel vm15, $0x30, v3;
	vm14 =	vgt.f32 v29, v0  }
0x3ab: {  	v13 =	vld [tilespmem:s16+$0x3980];
	v3 =	vsel vm13, $0x31, v3;
	v0 =	vsel vm14, v29, v0  }
0x3ac: {  	v3 =	vsel vm11, $0x32, v3;
	vm15 =	vgt.f32 v24, v0  }
0x3ad: {  	v8 =	vld [tilespmem:s16+$0x3A00];
	v3 =	vsel vm9, $0x33, v3;
	v0 =	vsel vm15, v24, v0  }
0x3ae: {  	v3 =	vsel vm7, $0x34, v3;
	vm8 =	vgt.f32 v18, v0  }
0x3af: {  	v19 =	vsel vm5, $0x35, v3;
	v3 =	vld [tilespmem:s16+$0x3A80];
	v0 =	vsel vm8, v18, v0  }
0x3b0: {  	v19 =	vsel vm10, $0x36, v19;
	vm9 =	vgt.f32 v13, v0  }
0x3b1: {  	v1 =	vsel vm12, $0x37, v19;
	v19 =	vld [tilespmem:s16+$0x3B00];
	v0 =	vsel vm9, v13, v0  }
0x3b2: {  	v1 =	vsel vm14, $0x38, v1;
	vm10 =	vgt.f32 v8, v0  }
0x3b3: {  	v2 =	vsel vm15, $0x39, v1;
	v1 =	vld [tilespmem:s16+$0x3B80];
	v0 =	vsel vm10, v8, v0  }
0x3b4: {  	vm11 =	vgt.f32 v3, v0  }
0x3b5: {  	v2 =	vsel vm8, $0x3A, v2;
	v0 =	vsel vm11, v3, v0  }
0x3b6: {  	v2 =	vsel vm9, $0x3B, v2;
	vm12 =	vgt.f32 v19, v0  }
0x3b7: {  	v2 =	vsel vm10, $0x3C, v2;
	v0 =	vsel vm12, v19, v0  }
0x3b8: {  	v2 =	vsel vm11, $0x3D, v2;
	[tilespmem:$0x1F660] =	vst v0;
	vm13 =	vgt.f32 v1, v0;
	v0 =	vimm.s32 $0x0  }
0x3b9: {  	v2 =	vsel vm12, $0x3E, v2;
	v0 =	vsel vm13, $0xFFFFFFFF, v0  }
0x3ba: {  	vm14 =	vlt.f32 v4, $-Inf;
	vm15 =	vgt.f32 v4, $-Inf;
	[tilespmem:$0x1F670] =	vst v0;
	v0 =	vsel vm13, $0x3F, v2  }
0x3bb: {  	vm0 =	vmor vm15, vm14;
	vm4 =	vne.s32 v0, $0x0  }
0x3bc: {  	vm0 =	vmand vm0, vm4  }
0x3bd: {  	v4 =	vnsel vm0, $0xFF800000, v4  }
0x3be: {  	vm5 =	vne.s32 v0, $0x1;
	vm6 =	vgt.f32 v5, v4  }
0x3bf: {  	vm2 =	vmand vm5, vm6  }
0x3c0: {  	[tilespmem:$0x1F640] =	vst v1;
	v1 =	vsel vm2, v5, v4  }
0x3c1: {  	vm7 =	vne.s32 v0, $0x2;
	vm8 =	vgt.f32 v63, v1  }
0x3c2: {  	vm3 =	vmand vm7, vm8  }
0x3c3: {  	v1 =	vsel vm3, v63, v1  }
0x3c4: {  	vm9 =	vne.s32 v0, $0x3;
	vm10 =	vgt.f32 v62, v1  }
0x3c5: {  	vm4 =	vmand vm9, vm10  }
0x3c6: {  	v1 =	vsel vm4, v62, v1  }
0x3c7: {  	vm11 =	vne.s32 v0, $0x4;
	vm12 =	vgt.f32 v61, v1  }
0x3c8: {  	vm5 =	vmand vm11, vm12  }
0x3c9: {  	v1 =	vsel vm5, v61, v1  }
0x3ca: {  	vm13 =	vne.s32 v0, $0x5;
	vm14 =	vgt.f32 v60, v1  }
0x3cb: {  	vm6 =	vmand vm13, vm14  }
0x3cc: {  	v1 =	vsel vm6, v60, v1  }
0x3cd: {  	vm15 =	vne.s32 v0, $0x6;
	vm7 =	vgt.f32 v59, v1  }
0x3ce: {  	vm7 =	vmand vm15, vm7  }
0x3cf: {  	v1 =	vsel vm7, v59, v1  }
0x3d0: {  	vm8 =	vne.s32 v0, $0x7;
	vm9 =	vgt.f32 v58, v1  }
0x3d1: {  	vm8 =	vmand vm8, vm9  }
0x3d2: {  	v1 =	vsel vm8, v58, v1  }
0x3d3: {  	vm10 =	vne.s32 v0, $0x8;
	vm11 =	vgt.f32 v57, v1  }
0x3d4: {  	vm9 =	vmand vm10, vm11  }
0x3d5: {  	v1 =	vsel vm9, v57, v1  }
0x3d6: {  	vm12 =	vne.s32 v0, $0x9;
	vm13 =	vgt.f32 v56, v1  }
0x3d7: {  	vm0 =	vmand vm12, vm13  }
0x3d8: {  	v1 =	vsel vm0, v56, v1  }
0x3d9: {  	v63 =	vimm.s32 $0x0;
	vm14 =	vne.s32 v0, $0xA;
	vm15 =	vgt.f32 v55, v1  }
0x3da: {  	v2 =	vsel vm0, $0xFFFFFFFF, v63;
	vm0 =	vmand vm14, vm15  }
0x3db: {  	v1 =	vsel vm0, v55, v1  }
0x3dc: {  	v4 =	vimm.s32 $0x0;
	vm10 =	vne.s32 v0, $0xB;
	vm11 =	vgt.f32 v54, v1  }
0x3dd: {  	[tilespmem:$0x1F4D0] =	vst v2;
	v2 =	vsel vm0, $0xFFFFFFFF, v4;
	vm0 =	vmand vm10, vm11  }
0x3de: {  	v1 =	vsel vm0, v54, v1  }
0x3df: {  	v5 =	vimm.s32 $0x0;
	vm12 =	vne.s32 v0, $0xC;
	vm13 =	vgt.f32 v53, v1  }
0x3e0: {  	[tilespmem:$0x1F4E0] =	vst v2;
	v2 =	vsel vm0, $0xFFFFFFFF, v5;
	vm0 =	vmand vm12, vm13  }
0x3e1: {  	v1 =	vsel vm0, v53, v1  }
0x3e2: {  	vm14 =	vne.s32 v0, $0xD;
	v55 =	vimm.s32 $0x0;
	vm15 =	vgt.f32 v52, v1  }
0x3e3: {  	[tilespmem:$0x1F4F0] =	vst v2;
	v2 =	vsel vm0, $0xFFFFFFFF, v55;
	vm0 =	vmand vm14, vm15  }
0x3e4: {  	v1 =	vsel vm0, v52, v1  }
0x3e5: {  	v56 =	vimm.s32 $0x0;
	vm10 =	vne.s32 v0, $0xE;
	vm11 =	vgt.f32 v51, v1  }
0x3e6: {  	[tilespmem:$0x1F500] =	vst v2;
	v2 =	vsel vm0, $0xFFFFFFFF, v56;
	vm0 =	vmand vm10, vm11  }
0x3e7: {  	v1 =	vsel vm0, v51, v1  }
0x3e8: {  	v57 =	vimm.s32 $0x0;
	vm12 =	vne.s32 v0, $0xF;
	vm13 =	vgt.f32 v50, v1  }
0x3e9: {  	[tilespmem:$0x1F510] =	vst v2;
	v2 =	vsel vm0, $0xFFFFFFFF, v57;
	vm0 =	vmand vm12, vm13  }
0x3ea: {  	v1 =	vsel vm0, v50, v1  }
0x3eb: {  	v58 =	vimm.s32 $0x0;
	vm14 =	vne.s32 v0, $0x10;
	vm15 =	vgt.f32 v49, v1  }
0x3ec: {  	[tilespmem:$0x1F520] =	vst v2;
	v2 =	vsel vm0, $0xFFFFFFFF, v58;
	vm0 =	vmand vm14, vm15  }
0x3ed: {  	v1 =	vsel vm0, v49, v1  }
0x3ee: {  	v59 =	vimm.s32 $0x0;
	vm10 =	vne.s32 v0, $0x11;
	vm11 =	vgt.f32 v47, v1  }
0x3ef: {  	[tilespmem:$0x1F530] =	vst v2;
	v2 =	vsel vm0, $0xFFFFFFFF, v59;
	vm0 =	vmand vm10, vm11  }
0x3f0: {  	v1 =	vsel vm0, v47, v1  }
0x3f1: {  	v60 =	vimm.s32 $0x0;
	vm12 =	vne.s32 v0, $0x12;
	vm13 =	vgt.f32 v45, v1  }
0x3f2: {  	[tilespmem:$0x1F540] =	vst v2;
	v2 =	vsel vm0, $0xFFFFFFFF, v60;
	vm0 =	vmand vm12, vm13  }
0x3f3: {  	v1 =	vsel vm0, v45, v1  }
0x3f4: {  	v61 =	vimm.s32 $0x0;
	vm14 =	vne.s32 v0, $0x13;
	vm15 =	vgt.f32 v42, v1  }
0x3f5: {  	[tilespmem:$0x1F550] =	vst v2;
	v2 =	vsel vm0, $0xFFFFFFFF, v61;
	vm0 =	vmand vm14, vm15  }
0x3f6: {  	v1 =	vsel vm0, v42, v1  }
0x3f7: {  	v62 =	vimm.s32 $0x0;
	vm10 =	vne.s32 v0, $0x14;
	vm11 =	vgt.f32 v40, v1  }
0x3f8: {  	[tilespmem:$0x1F560] =	vst v2;
	v2 =	vsel vm0, $0xFFFFFFFF, v62;
	vm0 =	vmand vm10, vm11  }
0x3f9: {  	v1 =	vsel vm0, v40, v1  }
0x3fa: {  	v63 =	vimm.s32 $0x0;
	vm12 =	vne.s32 v0, $0x15;
	vm13 =	vgt.f32 v37, v1  }
0x3fb: {  	[tilespmem:$0x1F570] =	vst v2;
	v2 =	vsel vm0, $0xFFFFFFFF, v63;
	vm0 =	vmand vm12, vm13  }
0x3fc: {  	v1 =	vsel vm0, v37, v1  }
0x3fd: {  	v4 =	vimm.s32 $0x0;
	vm14 =	vne.s32 v0, $0x16;
	vm15 =	vgt.f32 v35, v1  }
0x3fe: {  	[tilespmem:$0x1F580] =	vst v2;
	v2 =	vsel vm0, $0xFFFFFFFF, v4;
	vm0 =	vmand vm14, vm15  }
0x3ff: {  	v1 =	vsel vm0, v35, v1  }
0x400: {  	v5 =	vimm.s32 $0x0;
	vm10 =	vne.s32 v0, $0x17;
	vm11 =	vgt.f32 v32, v1  }
0x401: {  	[tilespmem:$0x1F590] =	vst v2;
	v2 =	vsel vm0, $0xFFFFFFFF, v5;
	vm0 =	vmand vm10, vm11  }
0x402: {  	v1 =	vsel vm0, v32, v1  }
0x403: {  	vm12 =	vne.s32 v0, $0x18;
	v35 =	vimm.s32 $0x0;
	vm13 =	vgt.f32 v30, v1  }
0x404: {  	[tilespmem:$0x1F5A0] =	vst v2;
	v2 =	vsel vm0, $0xFFFFFFFF, v35;
	vm0 =	vmand vm12, vm13  }
0x405: {  	v1 =	vsel vm0, v30, v1  }
0x406: {  	v37 =	vimm.s32 $0x0;
	vm14 =	vne.s32 v0, $0x19;
	vm15 =	vgt.f32 v27, v1  }
0x407: {  	[tilespmem:$0x1F5B0] =	vst v2;
	v2 =	vsel vm0, $0xFFFFFFFF, v37;
	vm0 =	vmand vm14, vm15  }
0x408: {  	v1 =	vsel vm0, v27, v1  }
0x409: {  	v40 =	vimm.s32 $0x0;
	vm10 =	vne.s32 v0, $0x1A;
	vm11 =	vgt.f32 v25, v1  }
0x40a: {  	[tilespmem:$0x1F5C0] =	vst v2;
	v2 =	vsel vm0, $0xFFFFFFFF, v40;
	vm0 =	vmand vm10, vm11  }
0x40b: {  	v1 =	vsel vm0, v25, v1  }
0x40c: {  	v42 =	vimm.s32 $0x0;
	vm12 =	vne.s32 v0, $0x1B;
	vm13 =	vgt.f32 v22, v1  }
0x40d: {  	[tilespmem:$0x1F5D0] =	vst v2;
	v2 =	vsel vm0, $0xFFFFFFFF, v42;
	vm0 =	vmand vm12, vm13  }
0x40e: {  	v1 =	vsel vm0, v22, v1  }
0x40f: {  	v45 =	vimm.s32 $0x0;
	vm14 =	vne.s32 v0, $0x1C;
	vm15 =	vgt.f32 v20, v1  }
0x410: {  	[tilespmem:$0x1F5E0] =	vst v2;
	v2 =	vsel vm0, $0xFFFFFFFF, v45;
	vm0 =	vmand vm14, vm15  }
0x411: {  	v1 =	vsel vm0, v20, v1  }
0x412: {  	v47 =	vimm.s32 $0x0;
	vm10 =	vne.s32 v0, $0x1D;
	vm11 =	vgt.f32 v16, v1  }
0x413: {  	[tilespmem:$0x1F5F0] =	vst v2;
	v2 =	vsel vm0, $0xFFFFFFFF, v47;
	vm0 =	vmand vm10, vm11  }
0x414: {  	v1 =	vsel vm0, v16, v1  }
0x415: {  	v49 =	vimm.s32 $0x0;
	vm12 =	vne.s32 v0, $0x1E;
	vm13 =	vgt.f32 v14, v1  }
0x416: {  	[tilespmem:$0x1F600] =	vst v2;
	v2 =	vsel vm0, $0xFFFFFFFF, v49;
	vm0 =	vmand vm12, vm13  }
0x417: {  	v1 =	vsel vm0, v14, v1  }
0x418: {  	v50 =	vimm.s32 $0x0;
	vm14 =	vne.s32 v0, $0x1F;
	vm15 =	vgt.f32 v11, v1  }
0x419: {  	[tilespmem:$0x1F610] =	vst v2;
	v2 =	vsel vm0, $0xFFFFFFFF, v50;
	vm0 =	vmand vm14, vm15  }
0x41a: {  	v1 =	vsel vm0, v11, v1  }
0x41b: {  	v51 =	vimm.s32 $0x0;
	vm10 =	vne.s32 v0, $0x20;
	vm11 =	vgt.f32 v9, v1  }
0x41c: {  	v54 =	vld [tilespmem:$0x1F4B0];
	[tilespmem:$0x1F620] =	vst v2;
	v2 =	vsel vm0, $0xFFFFFFFF, v51;
	vm0 =	vmand vm10, vm11  }
0x41d: {  	v1 =	vsel vm0, v9, v1  }
0x41e: {  	v52 =	vimm.s32 $0x0;
	vm12 =	vne.s32 v0, $0x21;
	vm13 =	vgt.f32 v6, v1  }
0x41f: {  	v56 =	vld [tilespmem:$0x1F4C0];
	[tilespmem:$0x1F630] =	vst v2;
	v2 =	vsel vm0, $0xFFFFFFFF, v52;
	vm0 =	vmand vm12, vm13  }
0x420: {  	v1 =	vsel vm0, v6, v1  }
0x421: {  	v53 =	vimm.s32 $0x0;
	vm14 =	vne.s32 v0, $0x22;
	vm15 =	vgt.f32 v54, v1  }
0x422: {  	[tilespmem:$0x1F650] =	vst v2;
	v2 =	vsel vm0, $0xFFFFFFFF, v53;
	vm0 =	vmand vm14, vm15  }
0x423: {  	v1 =	vsel vm0, v54, v1  }
0x424: {  	v55 =	vimm.s32 $0x0;
	vm10 =	vne.s32 v0, $0x23;
	vm11 =	vgt.f32 v56, v1  }
0x425: {  	v4 =	vsel vm0, $0xFFFFFFFF, v55;
	vm0 =	vmand vm10, vm11  }
0x426: {  	v1 =	vsel vm0, v56, v1  }
0x427: {  	v57 =	vimm.s32 $0x0;
	vm12 =	vne.s32 v0, $0x24;
	vm13 =	vgt.f32 v7, v1  }
0x428: {  	[tilespmem:$0x1F690] =	vst v4;
	v4 =	vsel vm0, $0xFFFFFFFF, v57;
	vm0 =	vmand vm12, vm13  }
0x429: {  	v1 =	vsel vm0, v7, v1  }
0x42a: {  	v58 =	vimm.s32 $0x0;
	vm14 =	vne.s32 v0, $0x25;
	vm15 =	vgt.f32 v10, v1  }
0x42b: {  	[tilespmem:$0x1F680] =	vst v2;
	v2 =	vsel vm0, $0xFFFFFFFF, v58;
	vm0 =	vmand vm14, vm15  }
0x42c: {  	v1 =	vsel vm0, v10, v1  }
0x42d: {  	v59 =	vimm.s32 $0x0;
	vm10 =	vne.s32 v0, $0x26;
	vm11 =	vgt.f32 v12, v1  }
0x42e: {  	[tilespmem:$0x1F6B0] =	vst v2;
	v2 =	vsel vm0, $0xFFFFFFFF, v59;
	vm0 =	vmand vm10, vm11  }
0x42f: {  	v1 =	vsel vm0, v12, v1  }
0x430: {  	v60 =	vimm.s32 $0x0;
	vm12 =	vne.s32 v0, $0x27;
	vm13 =	vgt.f32 v15, v1  }
0x431: {  	[tilespmem:$0x1F6C0] =	vst v2;
	v2 =	vsel vm0, $0xFFFFFFFF, v60;
	vm0 =	vmand vm12, vm13  }
0x432: {  	v1 =	vsel vm0, v15, v1  }
0x433: {  	v61 =	vimm.s32 $0x0;
	vm14 =	vne.s32 v0, $0x28;
	vm15 =	vgt.f32 v17, v1  }
0x434: {  	[tilespmem:$0x1F6D0] =	vst v2;
	v2 =	vsel vm0, $0xFFFFFFFF, v61;
	vm0 =	vmand vm14, vm15  }
0x435: {  	v1 =	vsel vm0, v17, v1  }
0x436: {  	v62 =	vimm.s32 $0x0;
	vm10 =	vne.s32 v0, $0x29;
	vm11 =	vgt.f32 v21, v1  }
0x437: {  	[tilespmem:$0x1F6E0] =	vst v2;
	v2 =	vsel vm0, $0xFFFFFFFF, v62;
	vm0 =	vmand vm10, vm11  }
0x438: {  	v1 =	vsel vm0, v21, v1  }
0x439: {  	v63 =	vimm.s32 $0x0;
	vm12 =	vne.s32 v0, $0x2A;
	vm13 =	vgt.f32 v23, v1  }
0x43a: {  	[tilespmem:$0x1F6F0] =	vst v2;
	v2 =	vsel vm0, $0xFFFFFFFF, v63;
	vm0 =	vmand vm12, vm13  }
0x43b: {  	v1 =	vsel vm0, v23, v1  }
0x43c: {  	[tilespmem:$0x1F6A0] =	vst v4;
	v4 =	vimm.s32 $0x0;
	vm14 =	vne.s32 v0, $0x2B;
	vm15 =	vgt.f32 v26, v1  }
0x43d: {  	[tilespmem:$0x1F700] =	vst v2;
	v2 =	vsel vm0, $0xFFFFFFFF, v4;
	vm0 =	vmand vm14, vm15  }
0x43e: {  	v1 =	vsel vm0, v26, v1  }
0x43f: {  	v5 =	vimm.s32 $0x0;
	vm10 =	vne.s32 v0, $0x2C;
	vm11 =	vgt.f32 v28, v1  }
0x440: {  	[tilespmem:$0x1F710] =	vst v2;
	v2 =	vsel vm0, $0xFFFFFFFF, v5;
	vm0 =	vmand vm10, vm11  }
0x441: {  	v1 =	vsel vm0, v28, v1  }
0x442: {  	v6 =	vimm.s32 $0x0;
	vm12 =	vne.s32 v0, $0x2D;
	vm13 =	vgt.f32 v31, v1  }
0x443: {  	[tilespmem:$0x1F720] =	vst v2;
	v2 =	vsel vm0, $0xFFFFFFFF, v6;
	vm0 =	vmand vm12, vm13  }
0x444: {  	v1 =	vsel vm0, v31, v1  }
0x445: {  	v7 =	vimm.s32 $0x0;
	vm14 =	vne.s32 v0, $0x2E;
	vm15 =	vgt.f32 v33, v1  }
0x446: {  	[tilespmem:$0x1F730] =	vst v2;
	v2 =	vsel vm0, $0xFFFFFFFF, v7;
	vm0 =	vmand vm14, vm15  }
0x447: {  	v1 =	vsel vm0, v33, v1  }
0x448: {  	v9 =	vimm.s32 $0x0;
	vm10 =	vne.s32 v0, $0x2F;
	vm11 =	vgt.f32 v36, v1  }
0x449: {  	[tilespmem:$0x1F740] =	vst v2;
	v2 =	vsel vm0, $0xFFFFFFFF, v9;
	vm0 =	vmand vm10, vm11  }
0x44a: {  	v1 =	vsel vm0, v36, v1  }
0x44b: {  	v10 =	vimm.s32 $0x0;
	vm12 =	vne.s32 v0, $0x30;
	vm13 =	vgt.f32 v38, v1  }
0x44c: {  	[tilespmem:$0x1F750] =	vst v2;
	v2 =	vsel vm0, $0xFFFFFFFF, v10;
	vm0 =	vmand vm12, vm13  }
0x44d: {  	v1 =	vsel vm0, v38, v1  }
0x44e: {  	v11 =	vimm.s32 $0x0;
	vm14 =	vne.s32 v0, $0x31;
	vm15 =	vgt.f32 v41, v1  }
0x44f: {  	[tilespmem:$0x1F760] =	vst v2;
	v2 =	vsel vm0, $0xFFFFFFFF, v11;
	vm0 =	vmand vm14, vm15  }
0x450: {  	v1 =	vsel vm0, v41, v1  }
0x451: {  	vm10 =	vne.s32 v0, $0x32;
	vm11 =	vgt.f32 v43, v1  }
0x452: {  	vm14 =	vmand vm10, vm11  }
0x453: {  	v1 =	vsel vm14, v43, v1  }
0x454: {  	vm12 =	vne.s32 v0, $0x33;
	vm13 =	vgt.f32 v46, v1  }
0x455: {  	vm13 =	vmand vm12, vm13  }
0x456: {  	v14 =	vimm.s32 $0x0;
	v12 =	vimm.s32 $0x0;
	v1 =	vsel vm13, v46, v1  }
0x457: {  	[tilespmem:$0x1F770] =	vst v2;
	vm15 =	vne.s32 v0, $0x34;
	v2 =	vsel vm0, $0xFFFFFFFF, v12;
	vm10 =	vgt.f32 v48, v1  }
0x458: {  	[tilespmem:$0x1F780] =	vst v2;
	v2 =	vsel vm2, $0x1, v14;
	vm12 =	vmand vm15, vm10  }
0x459: {  	v2 =	vsel vm3, $0x2, v2;
	v1 =	vsel vm12, v48, v1  }
0x45a: {  	v16 =	vld [tilespmem:$0x1F4E0];
	vm11 =	vne.s32 v0, $0x35;
	v2 =	vsel vm4, $0x3, v2;
	vm15 =	vgt.f32 v44, v1  }
0x45b: {  	v15 =	vld [tilespmem:$0x1F4D0];
	v2 =	vsel vm5, $0x4, v2;
	vm11 =	vmand vm11, vm15  }
0x45c: {  	v21 =	vld [tilespmem:$0x1F510];
	vm0 =	vne.s32 v0, $0x3C;
	v2 =	vsel vm6, $0x5, v2;
	v1 =	vsel vm11, v44, v1  }
0x45d: {  	v17 =	vld [tilespmem:$0x1F4F0];
	vm4 =	vne.s32 v0, $0x36;
	v2 =	vsel vm7, $0x6, v2;
	vm5 =	vgt.f32 v39, v1  }
0x45e: {  	v20 =	vld [tilespmem:$0x1F500];
	vm6 =	vne.s32 v0, $0x38;
	v2 =	vsel vm8, $0x7, v2;
	vm10 =	vmand vm4, vm5  }
0x45f: {  	vm8 =	vne.s32 v0, $0x37;
	v2 =	vsel vm9, $0x8, v2;
	v1 =	vsel vm10, v39, v1  }
0x460: {  	v22 =	vld [tilespmem:$0x1F520];
	vm4 =	vnez.u8 v15;
	vm5 =	vnez.u8 v16;
	vm15 =	vgt.f32 v34, v1  }
0x461: {  	v23 =	vld [tilespmem:$0x1F530];
	v2 =	vsel vm4, $0x9, v2;
	vm4 =	vnez.u8 v21;
	vm9 =	vmand vm8, vm15  }
0x462: {  	v25 =	vld [tilespmem:$0x1F540];
	v2 =	vsel vm5, $0xA, v2;
	vm8 =	vnez.u8 v17;
	v1 =	vsel vm9, v34, v1  }
0x463: {  	v26 =	vld [tilespmem:$0x1F550];
	vm15 =	vnez.u8 v20;
	v2 =	vsel vm8, $0xB, v2;
	vm7 =	vgt.f32 v29, v1  }
0x464: {  	v27 =	vld [tilespmem:$0x1F560];
	vm5 =	vne.s32 v0, $0x39;
	v2 =	vsel vm15, $0xC, v2;
	vm8 =	vmand vm6, vm7  }
0x465: {  	v32 =	vld [tilespmem:$0x1F5B0];
	v2 =	vsel vm4, $0xD, v2;
	vm7 =	vnez.u8 v22;
	v1 =	vsel vm8, v29, v1  }
0x466: {  	v28 =	vld [tilespmem:$0x1F570];
	vm15 =	vnez.u8 v23;
	v2 =	vsel vm7, $0xE, v2;
	vm6 =	vgt.f32 v24, v1  }
0x467: {  	vm4 =	vnez.u8 v25;
	v29 =	vld [tilespmem:$0x1F580];
	v2 =	vsel vm15, $0xF, v2;
	vm7 =	vmand vm5, vm6  }
0x468: {  	v30 =	vld [tilespmem:$0x1F590];
	vm15 =	vnez.u8 v26;
	v2 =	vsel vm4, $0x10, v2;
	v1 =	vsel vm7, v24, v1  }
0x469: {  	v31 =	vld [tilespmem:$0x1F5A0];
	vm5 =	vne.s32 v0, $0x3A;
	vm4 =	vnez.u8 v27;
	vm6 =	vgt.f32 v18, v1  }
0x46a: {  	v35 =	vld [tilespmem:$0x1F5E0];
	v2 =	vsel vm15, $0x11, v2;
	vm15 =	vne.s32 v0, $0x3B;
	vm6 =	vmand vm5, vm6  }
0x46b: {  	v33 =	vld [tilespmem:$0x1F5C0];
	v2 =	vsel vm4, $0x12, v2;
	vm5 =	vnez.u8 v28;
	v1 =	vsel vm6, v18, v1  }
0x46c: {  	v34 =	vld [tilespmem:$0x1F5D0];
	v2 =	vsel vm5, $0x13, v2;
	vm5 =	vnez.u8 v29;
	vm4 =	vgt.f32 v13, v1  }
0x46d: {  	v37 =	vld [tilespmem:$0x1F600];
	v2 =	vsel vm5, $0x14, v2;
	vm5 =	vmand vm15, vm4;
	vm15 =	vnez.u8 v30  }
0x46e: {  	v40 =	vld [tilespmem:$0x1F630];
	vm4 =	vnez.u8 v31;
	v2 =	vsel vm15, $0x15, v2;
	v1 =	vsel vm5, v13, v1  }
0x46f: {  	v36 =	vld [tilespmem:$0x1F5F0];
	v2 =	vsel vm4, $0x16, v2;
	vm15 =	vgt.f32 v8, v1;
	vm4 =	vnez.u8 v32  }
0x470: {  	v42 =	vld [tilespmem:$0x1F650];
	v2 =	vsel vm4, $0x17, v2;
	vm4 =	vmand vm0, vm15;
	vm15 =	vnez.u8 v33  }
0x471: {  	v38 =	vld [tilespmem:$0x1F610];
	v2 =	vsel vm15, $0x18, v2;
	vm15 =	vnez.u8 v34  }
0x472: {  	v39 =	vld [tilespmem:$0x1F620];
	v1 =	vsel vm4, v8, v1;
	v2 =	vsel vm15, $0x19, v2;
	vm15 =	vnez.u8 v35  }
0x473: {  	v45 =	vld [tilespmem:$0x1F680];
	vm0 =	vne.s32 v0, $0x3D;
	vm1 =	vgt.f32 v3, v1;
	v2 =	vsel vm15, $0x1A, v2  }
0x474: {  	v41 =	vld [tilespmem:$0x1F640];
	vm3 =	vmand vm0, vm1;
	vm15 =	vnez.u8 v36;
	vm0 =	vne.s32 v0, $0x3E  }
0x475: {  	v44 =	vld [tilespmem:$0x1F670];
	v2 =	vsel vm15, $0x1B, v2;
	v1 =	vsel vm3, v3, v1;
	vm15 =	vnez.u8 v37  }
0x476: {  	v43 =	vld [tilespmem:$0x1F660];
	v2 =	vsel vm15, $0x1C, v2;
	vm1 =	vgt.f32 v19, v1;
	vm15 =	vnez.u8 v38  }
0x477: {  	v46 =	vld [tilespmem:$0x1F690];
	v2 =	vsel vm15, $0x1D, v2;
	vm2 =	vmand vm0, vm1;
	vm15 =	vnez.u8 v39  }
0x478: {  	v47 =	vld [tilespmem:$0x1F6A0];
	vm1 =	vne.s32 v0, $0x3F;
	v2 =	vsel vm15, $0x1E, v2;
	vm15 =	vnez.u8 v40  }
0x479: {  	v48 =	vld [tilespmem:$0x1F6B0];
	v1 =	vsel vm2, v19, v1;
	v2 =	vsel vm15, $0x1F, v2;
	vm15 =	vnez.u8 v42  }
0x47a: {  	v49 =	vld [tilespmem:$0x1F6C0];
	vm0 =	vgt.f32 v41, v1;
	v2 =	vsel vm15, $0x20, v2;
	vm15 =	vnez.u8 v44  }
0x47b: {  	v50 =	vld [tilespmem:$0x1F6D0];
	vm0 =	vmand vm1, vm0;
	v3 =	vsel vm15, v41, v43;
	vm15 =	vnez.u8 v45  }
0x47c: {  	v51 =	vld [tilespmem:$0x1F6E0];
	v1 =	vsel vm0, v41, v1;
	v2 =	vsel vm15, $0x21, v2;
	vm15 =	vnez.u8 v46  }
0x47d: {  	v52 =	vld [tilespmem:$0x1F6F0];
	v1 =	vsub.f32 v1, v3;
	v2 =	vsel vm15, $0x22, v2;
	vm15 =	vnez.u8 v47  }
0x47e: {  	v53 =	vld [tilespmem:$0x1F700];
	v2 =	vsel vm15, $0x23, v2;
	vm15 =	vnez.u8 v48  }
0x47f: {  	v54 =	vld [tilespmem:$0x1F710];
	v1 =	vmul.f32 $1.442695020e+00, v1;
	v2 =	vsel vm15, $0x24, v2;
	vm15 =	vnez.u8 v49  }
0x480: {  	v55 =	vld [tilespmem:$0x1F720];
	v2 =	vsel vm15, $0x25, v2;
	vm15 =	vnez.u8 v50  }
0x481: {  	v56 =	vld [tilespmem:$0x1F730];
	(erf) = vpow2.f32 v1;
	v2 =	vsel vm15, $0x26, v2;
	vm15 =	vnez.u8 v51  }
0x482: {  	v57 =	vld [tilespmem:$0x1F740];
	v1 =	vsel vm15, $0x27, v2;
	vm15 =	vnez.u8 v52  }
0x483: {  	v58 =	vld [tilespmem:$0x1F750];
	v1 =	vsel vm15, $0x28, v1;
	vm15 =	vnez.u8 v53  }
0x484: {  	v59 =	vld [tilespmem:$0x1F760];
	v1 =	vsel vm15, $0x29, v1;
	vm15 =	vnez.u8 v54  }
0x485: {  	v61 =	vld [tilespmem:$0x1F770];
	v1 =	vsel vm15, $0x2A, v1;
	vm15 =	vnez.u8 v55  }
0x486: {  	v62 =	vld [tilespmem:$0x1F780];
	v1 =	vsel vm15, $0x2B, v1;
	vm15 =	vnez.u8 v56  }
0x487: {  	v1 =	vsel vm15, $0x2C, v1;
	vm15 =	vnez.u8 v57  }
0x488: {  	v1 =	vsel vm15, $0x2D, v1;
	vm15 =	vnez.u8 v58  }
0x489: {  	v1 =	vsel vm15, $0x2E, v1;
	vm15 =	vnez.u8 v59  }
0x48a: {  	v60 =	vpop (erf);
	v1 =	vsel vm15, $0x2F, v1;
	vm15 =	vnez.u8 v61  }
0x48b: {  	v2 =	vadd.f32 $1.000000000e+00, v60;
	v1 =	vsel vm15, $0x30, v1;
	vm15 =	vnez.u8 v62  }
0x48c: {  	v1 =	vsel vm15, $0x31, v1  }
0x48d: {  	(erf) = vrcp.f32 v2;
	v1 =	vsel vm14, $0x32, v1  }
0x48e: {  	v1 =	vsel vm13, $0x33, v1  }
0x48f: {  	v1 =	vsel vm12, $0x34, v1  }
0x490: {  	v1 =	vsel vm11, $0x35, v1  }
0x491: {  	v1 =	vsel vm10, $0x36, v1  }
0x492: {  	v1 =	vsel vm9, $0x37, v1  }
0x493: {  	v1 =	vsel vm8, $0x38, v1  }
0x494: {  	v1 =	vsel vm7, $0x39, v1  }
0x495: {  	s15 =	sshll.u32 s15, $0x5;
	v1 =	vsel vm6, $0x3A, v1  }
0x496: {  	s15 =	sand.u32 $0xFFFFFF00, s15;
	v2 =	vpop (erf);
	v1 =	vsel vm5, $0x3B, v1  }
0x497: {  	s31 =	sor.u32 s14, s15;
	s13 =	sor.u32 s15, s13;
	v63 =	vsub.f32 $1.000000000e+00, v2;
	v1 =	vsel vm4, $0x3C, v1  }
0x498: {  	s13 =	sor.u32 $0x80, s13;
	[tilespmem:s31+$0x4000] =	vst v2;
	v1 =	vsel vm3, $0x3D, v1  }
0x499: {  	[tilespmem:s13+$0x4000] =	vst v63;
	v1 =	vsel vm2, $0x3E, v1  }
0x49a: {  	[tilespmem:s31+$0x4200] =	vst v0;
	v1 =	vsel vm0, $0x3F, v1  }
0x49b: {  	[tilespmem:s13+$0x4200] =	vst v1  }
0x49c: {  	[hbm4b:s4+s2] =	stream.linear.scatter [tilespmem:s10], [sflag:$0x1], $0x200, $0x38;
	[tilespmem:$0x4400] =	vst v63  }
0x49d: {  	s12 =	sadd.s32 $0x1, s12;
	_ =	swait.ge [sflag:s9], $0x200  }
0x49e: {  	p0 =	sne.s32 s12, s6;
	[sflag:s9] =	ssyncset.done $0x0  }
.Ltmp1:
0x49f: {  	[sflag:s9] =	ssyncadd.s32 $0xFFFFFE00;
	(pc) =	sbr.rel @p0 .LBB2_1-.Ltmp1, $4  }
0x4a0: {  	[hbm4b:s5+s2] =	stream.linear.scatter [tilespmem:s11], [sflag:$0x1], $0x200, $0x38;
	[tilespmem:$0x4400] =	vst v63  }
0x4a1: {  	_ =	swait.ge [sflag:s9], $0x200  }
0x4a2: {  	[sflag:s9] =	ssyncset.done $0x0  }
0x4a3: {  	[sflag:s9] =	ssyncadd.s32 $0xFFFFFE00  }
0x4a4: {  	_ =	sfence.sel $0x180000  }
0x4a5: {  	[bflag:$0x0] =	sbarrier.arrive $0xFFFF  }
0x4a6: {  	p0 =	sne.s32 s1, $0x0;
	_ =	strace $0x90000047  }
0x4a7: {  	s0 =	sadd.s32 @!p0 $0x100000, s0;
	[bflag:$0x2] =	sbarrier.arrive $0xFFFF  }
0x4a8: {  	[sflag:s0] =	ssyncadd.tile.s32 @!p0 $0x1;
	_ =	shalt  }
.Lfunc_end2:
_tile_overlayer_lowered:
.L_overlay_start_2:
0x4a9: {  	(tag) =	ssettag $0x2  }
0x4aa: {  	s0 =	rddreg [dreg:$0x0];
	s2 =	stileid.u32  }
0x4ab: {  	s1 =	rddreg [dreg:$0x1];
	p0 =	sne.s32 s2, $0x0  }
0x4ac: {  	s3 =	rddreg [dreg:$0x2];
	[bflag:$0x3] =	sbarrier.arrive $0xFFFF;
	s2 =	simm.s32 @!p0 $0x1C01  }
0x4ad: {  	[timem:s3], [sflag:s2] =	dma.local @!p0 [hbm:s0], s1  }
0x4ae: {  	s0 =	simm.s32 @!p0 $0x1  }
0x4af: {  	_ =	swait.ge @!p0 [sflag:s0], s1  }
0x4b0: {  	s1 =	ssub.s32 @!p0 $0x0, s1;
	[sflag:s0] =	ssyncset.done @!p0 $0x0  }
0x4b1: {  	[sflag:s0] =	ssyncadd.s32 @!p0 s1  }
0x4b2: {  	[bflag:$0x3] =	sbarrier.arrive $0xFFFF  }
0x4b3: {  	_ =	shalt  }

</sc_bundles>
